<compile_context>
chip_gen: v7x
topology: tpu7x:2x2x1
jax: 0.10.2.dev20260603
libtpu: 0.0.44.dev20260713+nightly
codegen_flags: <defaults>
</compile_context>

<pallas_src>
import functools

import jax
import jax.numpy as jnp
from jax import lax
from jax.experimental import pallas as pl
from jax.experimental.pallas import tpu as pltpu, tpu_sc as plsc

_N = 10000
_E = 320000
_D = 128
_H = 16

_NC = 2
_NS = 16
_NW = _NC * _NS
_CH = 512
_KCH = 20
_EPW = _KCH * _CH
_RPW = _E // _NW
_TAIL = _RPW - (_KCH - 1) * _CH
_NPAD = 10112
_ZR = _NPAD // _NS
_NPACK = _NPAD * _H // 128
_NR = _N * _H // 128

_mesh = plsc.VectorSubcoreMesh(core_axis_name="c", subcore_axis_name="s")
_sc_params = pltpu.CompilerParams(use_tc_tiling_on_sc=False)


def _stage_idx(ei_hbm, row, base, idx_v, fill_vec, sem):

    def _cp(k, carry):
        pltpu.async_copy(ei_hbm.at[row, pl.ds(base + k * _CH, _CH)],
                         idx_v.at[k], sem)
        return carry

    lax.fori_loop(0, _KCH - 1, _cp, 0)
    pltpu.async_copy(ei_hbm.at[row, pl.ds(base + (_KCH - 1) * _CH, _TAIL)],
                     idx_v.at[_KCH - 1, pl.ds(0, _TAIL)], sem)

    def _fillk(i, carry):
        idx_v[_KCH - 1, pl.ds(_TAIL + i * 16, 16)] = fill_vec
        return carry

    lax.fori_loop(0, (_CH - _TAIL) // 16, _fillk, 0)

    def _dr(k, carry):
        pltpu.make_async_copy(ei_hbm.at[row, pl.ds(base + k * _CH, _CH)],
                              idx_v.at[k], sem).wait()
        return carry

    lax.fori_loop(0, _KCH - 1, _dr, 0)
    pltpu.make_async_copy(
        ei_hbm.at[row, pl.ds(base + (_KCH - 1) * _CH, _TAIL)],
        idx_v.at[_KCH - 1, pl.ds(0, _TAIL)], sem).wait()


@functools.partial(
    pl.kernel,
    mesh=_mesh,
    compiler_params=_sc_params,
    out_type=jax.ShapeDtypeStruct((_NC, _NPAD, _H), jnp.float32),
    scratch_types=[
        pltpu.VMEM((_KCH, _CH), jnp.int32),
        pltpu.VMEM((_CH, _H), jnp.float32),
        pltpu.VMEM((_ZR, _H), jnp.float32),
        pltpu.VMEM_SHARED((_NPAD, _H), jnp.float32),
        pltpu.SemaphoreType.DMA,
    ],
)
def _sc_deg(ei_hbm, out_hbm, idx_v, ones_v, zbuf_v, acc_sh, sem):
    c = lax.axis_index("c")
    s = lax.axis_index("s")
    wid = s * _NC + c
    _stage_idx(ei_hbm, 1, wid * _RPW, idx_v,
               _N + lax.iota(jnp.int32, 16), sem)

    def _fill(i, carry):
        ones_v[i, :] = jnp.full((_H,), 1.0, jnp.float32)
        return carry

    lax.fori_loop(0, _CH, _fill, 0)

    def _zero(i, carry):
        zbuf_v[i, :] = jnp.zeros((_H,), jnp.float32)
        return carry

    lax.fori_loop(0, _ZR, _zero, 0)
    pltpu.sync_copy(zbuf_v, acc_sh.at[pl.ds(s * _ZR, _ZR)])
    plsc.subcore_barrier()

    def _scat(k, carry):
        pltpu.async_copy(ones_v, acc_sh.at[idx_v.at[k]], sem, add=True)
        return carry

    lax.fori_loop(0, _KCH, _scat, 0)

    def _drain(k, carry):
        pltpu.make_async_copy(ones_v, acc_sh.at[idx_v.at[k]], sem).wait()
        return carry

    lax.fori_loop(0, _KCH, _drain, 0)
    plsc.subcore_barrier()
    pltpu.sync_copy(acc_sh.at[pl.ds(s * _ZR, _ZR)],
                    out_hbm.at[c, pl.ds(s * _ZR, _ZR)])


@functools.partial(
    pl.kernel,
    mesh=_mesh,
    compiler_params=_sc_params,
    out_type=jax.ShapeDtypeStruct((_NC, _NPAD, _H), jnp.float32),
    scratch_types=[
        pltpu.VMEM((_KCH, _CH), jnp.int32),
        pltpu.VMEM((_KCH, _CH), jnp.int32),
        pltpu.VMEM((2, _CH, _H), jnp.float32),
        pltpu.VMEM((_ZR, _H), jnp.float32),
        pltpu.VMEM_SHARED((_NPAD, _H), jnp.float32),
        pltpu.VMEM_SHARED((_NPAD, _H), jnp.float32),
        pltpu.SemaphoreType.DMA,
        pltpu.SemaphoreType.DMA,
    ],
)
def _sc_edge_sum(tab_hbm, ei_hbm, out_hbm,
                 src_v, dst_v, rows_v, zbuf_v, acc_sh, tab_sh, sem_g, sem_s):
    c = lax.axis_index("c")
    s = lax.axis_index("s")
    wid = s * _NC + c
    _stage_idx(ei_hbm, 0, wid * _RPW, src_v, jnp.zeros((16,), jnp.int32),
               sem_g)
    _stage_idx(ei_hbm, 1, wid * _RPW, dst_v,
               _N + lax.iota(jnp.int32, 16), sem_s)

    pltpu.sync_copy(tab_hbm.at[pl.ds(s * _ZR, _ZR)],
                    tab_sh.at[pl.ds(s * _ZR, _ZR)])

    def _zero(i, carry):
        zbuf_v[i, :] = jnp.zeros((_H,), jnp.float32)
        return carry

    lax.fori_loop(0, _ZR, _zero, 0)
    pltpu.sync_copy(zbuf_v, acc_sh.at[pl.ds(s * _ZR, _ZR)])
    plsc.subcore_barrier()

    pltpu.async_copy(tab_sh.at[src_v.at[0]], rows_v.at[0], sem_g)

    def _body(k, carry):
        b = lax.rem(k, 2)

        @pl.when(k >= 1)
        def _wait_prev_scatter():
            pltpu.make_async_copy(rows_v.at[1 - b],
                                  acc_sh.at[dst_v.at[k - 1]], sem_s).wait()

        @pl.when(k + 1 < _KCH)
        def _issue_next_gather():
            pltpu.async_copy(tab_sh.at[src_v.at[k + 1]],
                             rows_v.at[1 - b], sem_g)

        pltpu.make_async_copy(tab_sh.at[src_v.at[k]],
                              rows_v.at[b], sem_g).wait()
        pltpu.async_copy(rows_v.at[b], acc_sh.at[dst_v.at[k]], sem_s,
                         add=True)
        return carry

    lax.fori_loop(0, _KCH, _body, 0)
    pltpu.make_async_copy(rows_v.at[(_KCH - 1) % 2],
                          acc_sh.at[dst_v.at[_KCH - 1]], sem_s).wait()
    plsc.subcore_barrier()
    pltpu.sync_copy(acc_sh.at[pl.ds(s * _ZR, _ZR)],
                    out_hbm.at[c, pl.ds(s * _ZR, _ZR)])


def _tc1_body(x8_ref, w_ref, dega_ref, xs_ref, dinv_ref):
    deg = dega_ref[0] + dega_ref[1] + 1.0
    dinv = lax.rsqrt(deg)
    w = w_ref[...]
    xw = jnp.concatenate([
        jnp.dot(x8_ref[:, j, :], w, preferred_element_type=jnp.float32)
        for j in range(8)], axis=1)
    xw = jnp.concatenate(
        [xw, jnp.zeros((_NPACK - _NR, 128), jnp.float32)], axis=0)
    xs_ref[...] = xw * dinv
    dinv_ref[...] = dinv


def _block_diag_w(w_ref, ncols):
    wt = jnp.tile(w_ref[...], (8, 8))[:, :ncols]
    r = lax.broadcasted_iota(jnp.int32, (128, ncols), 0)
    c = lax.broadcasted_iota(jnp.int32, (128, ncols), 1)
    blk = c // 16 if ncols == 128 else c
    return jnp.where(r // 16 == blk, wt, 0.0)


def _tc2_body(s_ref, xs_ref, dinv_ref, b_ref, w_ref, out_ref):
    dinv = dinv_ref[...]
    h = dinv * (s_ref[0] + s_ref[1] + xs_ref[...]) + b_ref[...]
    h = jnp.maximum(h, 0.0)
    bd = _block_diag_w(w_ref, 128)
    out_ref[...] = jnp.dot(h, bd, preferred_element_type=jnp.float32) * dinv


def _tc3_body(s_ref, xs_ref, dinv_ref, b_ref, w_ref, bf_ref, out_ref):
    dinv = dinv_ref[...]
    h = dinv * (s_ref[0] + s_ref[1] + xs_ref[...]) + b_ref[...]
    h = jnp.maximum(h, 0.0)
    bd = _block_diag_w(w_ref, 8)
    out_ref[...] = jnp.dot(h, bd, preferred_element_type=jnp.float32) \
        + bf_ref[...]


_tc1 = pl.pallas_call(
    _tc1_body,
    out_shape=(jax.ShapeDtypeStruct((_NPACK, 128), jnp.float32),
               jax.ShapeDtypeStruct((_NPACK, 128), jnp.float32)),
)

_tc2 = pl.pallas_call(
    _tc2_body,
    out_shape=jax.ShapeDtypeStruct((_NPACK, 128), jnp.float32),
)

_tc3 = pl.pallas_call(
    _tc3_body,
    out_shape=jax.ShapeDtypeStruct((_NPACK, 8), jnp.float32),
)


def kernel(x, edge_index, W1, b1, W2, b2, Wfc, bfc):
    ei = edge_index.astype(jnp.int32)
    x8 = x.reshape(_NR, 8, _D)
    dega = _sc_deg(ei)
    xs1, dinv = _tc1(x8, W1, dega.reshape(_NC, _NPACK, 128))
    s1 = _sc_edge_sum(xs1.reshape(_NPAD, _H), ei)
    b1p = jnp.tile(b1.reshape(1, _H), (1, 8))
    xs2 = _tc2(s1.reshape(_NC, _NPACK, 128), xs1, dinv, b1p, W2)
    s2 = _sc_edge_sum(xs2.reshape(_NPAD, _H), ei)
    b2p = jnp.tile(b2.reshape(1, _H), (1, 8))
    o = _tc3(s2.reshape(_NC, _NPACK, 128), xs2, dinv, b2p, Wfc,
             bfc.reshape(1, 1))
    return o[:_NR].reshape(_N, 1)

# --- scband reference (transcript-rebuilt; emitter-appended) ---
"""Pipeline reference for scband-gnn-22857815949796 (READ-ONLY COPY).

The authoritative reference and input builder live on the scoring server;
editing this copy changes nothing except your own understanding.
"""

import jax, jax.numpy as jnp
import numpy as np

N = 10000
E = 320000
D = 128
H = 16


def gcn_conv(x, edge_index, W, b, num_nodes):
    # GCNConv: add self-loops, symmetric normalization D^-1/2 (A+I) D^-1/2 X W + b
    src = edge_index[0]
    dst = edge_index[1]
    loop = jnp.arange(num_nodes, dtype=src.dtype)
    src = jnp.concatenate([src, loop])
    dst = jnp.concatenate([dst, loop])
    xw = x @ W
    deg = jnp.zeros((num_nodes,), dtype=xw.dtype).at[dst].add(1.0)
    dinv = jnp.where(deg > 0, 1.0 / jnp.sqrt(deg), 0.0)
    norm = dinv[src] * dinv[dst]
    msgs = jnp.take(xw, src, axis=0) * norm[:, None]
    out = jnp.zeros((num_nodes, xw.shape[1]), dtype=xw.dtype).at[dst].add(msgs)
    return out + b


def setup_inputs(seed: int = 0) -> dict:
    key = jax.random.key(seed)
    ks = jax.random.split(key, 9)
    x = jax.random.normal(ks[0], (N, D), dtype=jnp.float32)
    edge_index = jax.random.randint(ks[1], (2, E), 0, N).astype(jnp.int64)
    W1 = jax.random.normal(ks[2], (D, H), dtype=jnp.float32) * (1.0 / np.sqrt(D))
    b1 = jnp.zeros((H,), dtype=jnp.float32)
    W2 = jax.random.normal(ks[3], (H, H), dtype=jnp.float32) * (1.0 / np.sqrt(H))
    b2 = jnp.zeros((H,), dtype=jnp.float32)
    Wfc = jax.random.normal(ks[4], (H, 1), dtype=jnp.float32) * (1.0 / np.sqrt(H))
    bfc = jnp.zeros((1,), dtype=jnp.float32)
    return {"x": x, "edge_index": edge_index, "W1": W1, "b1": b1, "W2": W2, "b2": b2, "Wfc": Wfc, "bfc": bfc}


def reference(x, edge_index, W1, b1, W2, b2, Wfc, bfc):
    h = gcn_conv(x, edge_index, W1, b1, N)
    h = jax.nn.relu(h)
    h = gcn_conv(h, edge_index, W2, b2, N)
    h = jax.nn.relu(h)
    out = h @ Wfc + bfc
    return out

if __name__ == "__main__":
    import jax
    _d = setup_inputs()
    print(jax.jit(kernel)(*tuple(_d.values())))

</pallas_src>

<mosaic_0001>
#map = affine_map<(d0, d1) -> (0, 0)>
#map1 = affine_map<(d0, d1) -> (0, 0, 0)>
module attributes {stable_mosaic.version = 14 : i64} {
  func.func @_sc_edge_sum(%arg0: i32, %arg1: i32, %arg2: memref<10112x16xf32, #tpu.memory_space<hbm>>, %arg3: memref<2x320000xi32, #tpu.memory_space<hbm>>, %arg4: memref<2x10112x16xf32, #tpu.memory_space<hbm>>, %arg5: memref<20x512xi32, #tpu.memory_space<vmem>>, %arg6: memref<20x512xi32, #tpu.memory_space<vmem>>, %arg7: memref<2x512x16xf32, #tpu.memory_space<vmem>>, %arg8: memref<632x16xf32, #tpu.memory_space<vmem>>, %arg9: memref<10112x16xf32, #tpu.memory_space<vmem_shared>>, %arg10: memref<10112x16xf32, #tpu.memory_space<vmem_shared>>, %arg11: memref<!tpu.dma_semaphore, #tpu.memory_space<semaphore_mem>>, %arg12: memref<!tpu.dma_semaphore, #tpu.memory_space<semaphore_mem>>) attributes {dimension_semantics = [#tpu.dimension_semantics<core_parallel>, #tpu.dimension_semantics<subcore_parallel>], iteration_bounds = array<i64: 2, 16>, scalar_prefetch = 0 : i64, scratch_operands = 8 : i64, tpu.core_type = #tpu.core_type<sc_vector_subcore>, window_params = [{transform_indices = #map}, {transform_indices = #map}, {transform_indices = #map1}]} {
    %mul3A = arith.constant 2 : i32
    %mul3A_0 = arith.muli %arg1, %mul3A : i32
    %add3A = arith.addi %mul3A_0, %arg0 : i32
    %mul3A_1 = arith.constant 10000 : i32
    %mul3A_2 = arith.muli %add3A, %mul3A_1 : i32
    %broadcast_in_dim3A = arith.constant 0 : i32
    %broadcast_in_dim3A_3 = vector.broadcast %broadcast_in_dim3A : i32 to vector<16xi32>
    %scan3A = arith.constant 0 : i32
    %scan3A_4 = arith.constant 0 : i32
    %scan3A_5 = arith.constant 19 : i32
    %scan3A_6 = arith.addi %scan3A_4, %scan3A_5 : i32
    %scan3A_7 = arith.constant 1 : i32
    scf.for %scan3A_145 = %scan3A_4 to %scan3A_6 step %scan3A_7  : i32 {
      %mul3A_146 = arith.constant 512 : i32
      %mul3A_147 = arith.muli %scan3A_145, %mul3A_146 : i32
      %add3A_148 = arith.addi %mul3A_2, %mul3A_147 : i32
      %dma_start3A_149 = arith.constant 0 : i32
      %dma_start3A_150 = arith.constant 0 : i32
      %dma_start3A_151 = tpu.memref_slice %arg5[%scan3A_145, %dma_start3A_150] : memref<20x512xi32, #tpu.memory_space<vmem>> -> memref<1x512xi32, #tpu.memory_space<vmem>>
      %dma_start3A_152 = tpu.memref_squeeze %dma_start3A_151 : memref<1x512xi32, #tpu.memory_space<vmem>> -> memref<512xi32, #tpu.memory_space<vmem>>
      %dma_start3A_153 = tpu.memref_slice %arg3[%dma_start3A_149, %add3A_148] : memref<2x320000xi32, #tpu.memory_space<hbm>> -> memref<1x512xi32, #tpu.memory_space<hbm>>
      %dma_start3A_154 = tpu.memref_squeeze %dma_start3A_153 : memref<1x512xi32, #tpu.memory_space<hbm>> -> memref<512xi32, #tpu.memory_space<hbm>>
      %dma_start3A_155 = arith.constant 0 : i32
      %dma_start3A_156 = tpu.memref_slice %arg5[%scan3A_145, %dma_start3A_155] : memref<20x512xi32, #tpu.memory_space<vmem>> -> memref<1x512xi32, #tpu.memory_space<vmem>>
      %dma_start3A_157 = tpu.memref_squeeze %dma_start3A_156 : memref<1x512xi32, #tpu.memory_space<vmem>> -> memref<512xi32, #tpu.memory_space<vmem>>
      %dma_start3A_158 = tpu.memref_slice %arg3[%dma_start3A_149, %add3A_148] : memref<2x320000xi32, #tpu.memory_space<hbm>> -> memref<1x512xi32, #tpu.memory_space<hbm>>
      %dma_start3A_159 = tpu.memref_squeeze %dma_start3A_158 : memref<1x512xi32, #tpu.memory_space<hbm>> -> memref<512xi32, #tpu.memory_space<hbm>>
      tpu.enqueue_dma source(%dma_start3A_159 : memref<512xi32, #tpu.memory_space<hbm>>) target(%dma_start3A_157 : memref<512xi32, #tpu.memory_space<vmem>>) target_semaphore(%arg11 : memref<!tpu.dma_semaphore, #tpu.memory_space<semaphore_mem>>)
    }
    %scan3A_8 = arith.constant 19 : i32
    %add3A_9 = arith.constant 9728 : i32
    %add3A_10 = arith.addi %mul3A_2, %add3A_9 : i32
    %dma_start3A = arith.constant 0 : i32
    %dma_start3A_11 = arith.constant 19 : i32
    %dma_start3A_12 = arith.constant 0 : i32
    %dma_start3A_13 = tpu.memref_slice %arg5[%dma_start3A_11, %dma_start3A_12] : memref<20x512xi32, #tpu.memory_space<vmem>> -> memref<1x272xi32, #tpu.memory_space<vmem>>
    %dma_start3A_14 = tpu.memref_squeeze %dma_start3A_13 : memref<1x272xi32, #tpu.memory_space<vmem>> -> memref<272xi32, #tpu.memory_space<vmem>>
    %dma_start3A_15 = tpu.memref_slice %arg3[%dma_start3A, %add3A_10] : memref<2x320000xi32, #tpu.memory_space<hbm>> -> memref<1x272xi32, #tpu.memory_space<hbm>>
    %dma_start3A_16 = tpu.memref_squeeze %dma_start3A_15 : memref<1x272xi32, #tpu.memory_space<hbm>> -> memref<272xi32, #tpu.memory_space<hbm>>
    %dma_start3A_17 = arith.constant 0 : i32
    %dma_start3A_18 = tpu.memref_slice %arg5[%dma_start3A_11, %dma_start3A_17] : memref<20x512xi32, #tpu.memory_space<vmem>> -> memref<1x272xi32, #tpu.memory_space<vmem>>
    %dma_start3A_19 = tpu.memref_squeeze %dma_start3A_18 : memref<1x272xi32, #tpu.memory_space<vmem>> -> memref<272xi32, #tpu.memory_space<vmem>>
    %dma_start3A_20 = tpu.memref_slice %arg3[%dma_start3A, %add3A_10] : memref<2x320000xi32, #tpu.memory_space<hbm>> -> memref<1x272xi32, #tpu.memory_space<hbm>>
    %dma_start3A_21 = tpu.memref_squeeze %dma_start3A_20 : memref<1x272xi32, #tpu.memory_space<hbm>> -> memref<272xi32, #tpu.memory_space<hbm>>
    tpu.enqueue_dma source(%dma_start3A_21 : memref<272xi32, #tpu.memory_space<hbm>>) target(%dma_start3A_19 : memref<272xi32, #tpu.memory_space<vmem>>) target_semaphore(%arg11 : memref<!tpu.dma_semaphore, #tpu.memory_space<semaphore_mem>>)
    %scan3A_22 = arith.constant 0 : i32
    %scan3A_23 = arith.constant 0 : i32
    %scan3A_24 = arith.constant 15 : i32
    %scan3A_25 = arith.addi %scan3A_23, %scan3A_24 : i32
    %scan3A_26 = arith.constant 1 : i32
    scf.for %scan3A_145 = %scan3A_23 to %scan3A_25 step %scan3A_26  : i32 {
      %mul3A_146 = arith.constant 16 : i32
      %mul3A_147 = arith.muli %scan3A_145, %mul3A_146 : i32
      %add3A_148 = arith.constant 272 : i32
      %add3A_149 = arith.addi %add3A_148, %mul3A_147 : i32
      %swap3A = arith.constant 19 : i32
      %swap3A_150 = arith.index_cast %swap3A : i32 to index
      %swap3A_151 = arith.index_cast %add3A_149 : i32 to index
      %swap3A_152 = tpu.vector_load %arg5[%swap3A_150, %swap3A_151] {strides = array<i32>} : memref<20x512xi32, #tpu.memory_space<vmem>>, vector<1x16xi32>,
      %swap3A_153 = vector.shape_cast %swap3A_152 : vector<1x16xi32> to vector<16xi32>
      %swap3A_154 = vector.shape_cast %broadcast_in_dim3A_3 : vector<16xi32> to vector<1x16xi32>
      tpu.vector_store %arg5[%swap3A_150, %swap3A_151], %swap3A_154 {strides = array<i32>} : memref<20x512xi32, #tpu.memory_space<vmem>>, vector<1x16xi32>,
    }
    %scan3A_27 = arith.constant 15 : i32
    %scan3A_28 = arith.constant 0 : i32
    %scan3A_29 = arith.constant 0 : i32
    %scan3A_30 = arith.constant 19 : i32
    %scan3A_31 = arith.addi %scan3A_29, %scan3A_30 : i32
    %scan3A_32 = arith.constant 1 : i32
    scf.for %scan3A_145 = %scan3A_29 to %scan3A_31 step %scan3A_32  : i32 {
      %mul3A_146 = arith.constant 512 : i32
      %mul3A_147 = arith.muli %scan3A_145, %mul3A_146 : i32
      %add3A_148 = arith.addi %mul3A_2, %mul3A_147 : i32
      %dma_wait3A_149 = arith.constant 0 : i32
      %dma_wait3A_150 = arith.constant 0 : i32
      %dma_wait3A_151 = tpu.memref_slice %arg5[%scan3A_145, %dma_wait3A_150] : memref<20x512xi32, #tpu.memory_space<vmem>> -> memref<1x512xi32, #tpu.memory_space<vmem>>
      %dma_wait3A_152 = tpu.memref_squeeze %dma_wait3A_151 : memref<1x512xi32, #tpu.memory_space<vmem>> -> memref<512xi32, #tpu.memory_space<vmem>>
      %dma_wait3A_153 = tpu.memref_slice %arg3[%dma_wait3A_149, %add3A_148] : memref<2x320000xi32, #tpu.memory_space<hbm>> -> memref<1x512xi32, #tpu.memory_space<hbm>>
      %dma_wait3A_154 = tpu.memref_squeeze %dma_wait3A_153 : memref<1x512xi32, #tpu.memory_space<hbm>> -> memref<512xi32, #tpu.memory_space<hbm>>
      %dma_wait3A_155 = arith.constant 0 : i32
      %dma_wait3A_156 = tpu.memref_slice %arg5[%scan3A_145, %dma_wait3A_155] : memref<20x512xi32, #tpu.memory_space<vmem>> -> memref<1x512xi32, #tpu.memory_space<vmem>>
      %dma_wait3A_157 = tpu.memref_squeeze %dma_wait3A_156 : memref<1x512xi32, #tpu.memory_space<vmem>> -> memref<512xi32, #tpu.memory_space<vmem>>
      %dma_wait3A_158 = tpu.memref_slice %arg3[%dma_wait3A_149, %add3A_148] : memref<2x320000xi32, #tpu.memory_space<hbm>> -> memref<1x512xi32, #tpu.memory_space<hbm>>
      %dma_wait3A_159 = tpu.memref_squeeze %dma_wait3A_158 : memref<1x512xi32, #tpu.memory_space<hbm>> -> memref<512xi32, #tpu.memory_space<hbm>>
      tpu.wait_dma2 semaphore(%arg11 : memref<!tpu.dma_semaphore, #tpu.memory_space<semaphore_mem>>) src(%dma_wait3A_159 : memref<512xi32, #tpu.memory_space<hbm>>) dst(%dma_wait3A_157 : memref<512xi32, #tpu.memory_space<vmem>>)
    }
    %scan3A_33 = arith.constant 19 : i32
    %add3A_34 = arith.constant 9728 : i32
    %add3A_35 = arith.addi %mul3A_2, %add3A_34 : i32
    %dma_wait3A = arith.constant 0 : i32
    %dma_wait3A_36 = arith.constant 19 : i32
    %dma_wait3A_37 = arith.constant 0 : i32
    %dma_wait3A_38 = tpu.memref_slice %arg5[%dma_wait3A_36, %dma_wait3A_37] : memref<20x512xi32, #tpu.memory_space<vmem>> -> memref<1x272xi32, #tpu.memory_space<vmem>>
    %dma_wait3A_39 = tpu.memref_squeeze %dma_wait3A_38 : memref<1x272xi32, #tpu.memory_space<vmem>> -> memref<272xi32, #tpu.memory_space<vmem>>
    %dma_wait3A_40 = tpu.memref_slice %arg3[%dma_wait3A, %add3A_35] : memref<2x320000xi32, #tpu.memory_space<hbm>> -> memref<1x272xi32, #tpu.memory_space<hbm>>
    %dma_wait3A_41 = tpu.memref_squeeze %dma_wait3A_40 : memref<1x272xi32, #tpu.memory_space<hbm>> -> memref<272xi32, #tpu.memory_space<hbm>>
    %dma_wait3A_42 = arith.constant 0 : i32
    %dma_wait3A_43 = tpu.memref_slice %arg5[%dma_wait3A_36, %dma_wait3A_42] : memref<20x512xi32, #tpu.memory_space<vmem>> -> memref<1x272xi32, #tpu.memory_space<vmem>>
    %dma_wait3A_44 = tpu.memref_squeeze %dma_wait3A_43 : memref<1x272xi32, #tpu.memory_space<vmem>> -> memref<272xi32, #tpu.memory_space<vmem>>
    %dma_wait3A_45 = tpu.memref_slice %arg3[%dma_wait3A, %add3A_35] : memref<2x320000xi32, #tpu.memory_space<hbm>> -> memref<1x272xi32, #tpu.memory_space<hbm>>
    %dma_wait3A_46 = tpu.memref_squeeze %dma_wait3A_45 : memref<1x272xi32, #tpu.memory_space<hbm>> -> memref<272xi32, #tpu.memory_space<hbm>>
    tpu.wait_dma2 semaphore(%arg11 : memref<!tpu.dma_semaphore, #tpu.memory_space<semaphore_mem>>) src(%dma_wait3A_46 : memref<272xi32, #tpu.memory_space<hbm>>) dst(%dma_wait3A_44 : memref<272xi32, #tpu.memory_space<vmem>>)
    %mul3A_47 = arith.constant 10000 : i32
    %mul3A_48 = arith.muli %add3A, %mul3A_47 : i32
    %iota3A = tpu.iota {dimensions = array<i32: 0>} : vector<16xi32>
    %add3A_49 = arith.constant 10000 : i32
    %add3A_50 = vector.broadcast %add3A_49 : i32 to vector<16xi32>
    %add3A_51 = arith.addi %add3A_50, %iota3A : vector<16xi32>
    %scan3A_52 = arith.constant 0 : i32
    %scan3A_53 = arith.constant 0 : i32
    %scan3A_54 = arith.constant 19 : i32
    %scan3A_55 = arith.addi %scan3A_53, %scan3A_54 : i32
    %scan3A_56 = arith.constant 1 : i32
    scf.for %scan3A_145 = %scan3A_53 to %scan3A_55 step %scan3A_56  : i32 {
      %mul3A_146 = arith.constant 512 : i32
      %mul3A_147 = arith.muli %scan3A_145, %mul3A_146 : i32
      %add3A_148 = arith.addi %mul3A_48, %mul3A_147 : i32
      %dma_start3A_149 = arith.constant 1 : i32
      %dma_start3A_150 = arith.constant 0 : i32
      %dma_start3A_151 = tpu.memref_slice %arg6[%scan3A_145, %dma_start3A_150] : memref<20x512xi32, #tpu.memory_space<vmem>> -> memref<1x512xi32, #tpu.memory_space<vmem>>
      %dma_start3A_152 = tpu.memref_squeeze %dma_start3A_151 : memref<1x512xi32, #tpu.memory_space<vmem>> -> memref<512xi32, #tpu.memory_space<vmem>>
      %dma_start3A_153 = tpu.memref_slice %arg3[%dma_start3A_149, %add3A_148] : memref<2x320000xi32, #tpu.memory_space<hbm>> -> memref<1x512xi32, #tpu.memory_space<hbm>>
      %dma_start3A_154 = tpu.memref_squeeze %dma_start3A_153 : memref<1x512xi32, #tpu.memory_space<hbm>> -> memref<512xi32, #tpu.memory_space<hbm>>
      %dma_start3A_155 = arith.constant 0 : i32
      %dma_start3A_156 = tpu.memref_slice %arg6[%scan3A_145, %dma_start3A_155] : memref<20x512xi32, #tpu.memory_space<vmem>> -> memref<1x512xi32, #tpu.memory_space<vmem>>
      %dma_start3A_157 = tpu.memref_squeeze %dma_start3A_156 : memref<1x512xi32, #tpu.memory_space<vmem>> -> memref<512xi32, #tpu.memory_space<vmem>>
      %dma_start3A_158 = tpu.memref_slice %arg3[%dma_start3A_149, %add3A_148] : memref<2x320000xi32, #tpu.memory_space<hbm>> -> memref<1x512xi32, #tpu.memory_space<hbm>>
      %dma_start3A_159 = tpu.memref_squeeze %dma_start3A_158 : memref<1x512xi32, #tpu.memory_space<hbm>> -> memref<512xi32, #tpu.memory_space<hbm>>
      tpu.enqueue_dma source(%dma_start3A_159 : memref<512xi32, #tpu.memory_space<hbm>>) target(%dma_start3A_157 : memref<512xi32, #tpu.memory_space<vmem>>) target_semaphore(%arg12 : memref<!tpu.dma_semaphore, #tpu.memory_space<semaphore_mem>>)
    }
    %scan3A_57 = arith.constant 19 : i32
    %add3A_58 = arith.constant 9728 : i32
    %add3A_59 = arith.addi %mul3A_48, %add3A_58 : i32
    %dma_start3A_60 = arith.constant 1 : i32
    %dma_start3A_61 = arith.constant 19 : i32
    %dma_start3A_62 = arith.constant 0 : i32
    %dma_start3A_63 = tpu.memref_slice %arg6[%dma_start3A_61, %dma_start3A_62] : memref<20x512xi32, #tpu.memory_space<vmem>> -> memref<1x272xi32, #tpu.memory_space<vmem>>
    %dma_start3A_64 = tpu.memref_squeeze %dma_start3A_63 : memref<1x272xi32, #tpu.memory_space<vmem>> -> memref<272xi32, #tpu.memory_space<vmem>>
    %dma_start3A_65 = tpu.memref_slice %arg3[%dma_start3A_60, %add3A_59] : memref<2x320000xi32, #tpu.memory_space<hbm>> -> memref<1x272xi32, #tpu.memory_space<hbm>>
    %dma_start3A_66 = tpu.memref_squeeze %dma_start3A_65 : memref<1x272xi32, #tpu.memory_space<hbm>> -> memref<272xi32, #tpu.memory_space<hbm>>
    %dma_start3A_67 = arith.constant 0 : i32
    %dma_start3A_68 = tpu.memref_slice %arg6[%dma_start3A_61, %dma_start3A_67] : memref<20x512xi32, #tpu.memory_space<vmem>> -> memref<1x272xi32, #tpu.memory_space<vmem>>
    %dma_start3A_69 = tpu.memref_squeeze %dma_start3A_68 : memref<1x272xi32, #tpu.memory_space<vmem>> -> memref<272xi32, #tpu.memory_space<vmem>>
    %dma_start3A_70 = tpu.memref_slice %arg3[%dma_start3A_60, %add3A_59] : memref<2x320000xi32, #tpu.memory_space<hbm>> -> memref<1x272xi32, #tpu.memory_space<hbm>>
    %dma_start3A_71 = tpu.memref_squeeze %dma_start3A_70 : memref<1x272xi32, #tpu.memory_space<hbm>> -> memref<272xi32, #tpu.memory_space<hbm>>
    tpu.enqueue_dma source(%dma_start3A_71 : memref<272xi32, #tpu.memory_space<hbm>>) target(%dma_start3A_69 : memref<272xi32, #tpu.memory_space<vmem>>) target_semaphore(%arg12 : memref<!tpu.dma_semaphore, #tpu.memory_space<semaphore_mem>>)
    %scan3A_72 = arith.constant 0 : i32
    %scan3A_73 = arith.constant 0 : i32
    %scan3A_74 = arith.constant 15 : i32
    %scan3A_75 = arith.addi %scan3A_73, %scan3A_74 : i32
    %scan3A_76 = arith.constant 1 : i32
    scf.for %scan3A_145 = %scan3A_73 to %scan3A_75 step %scan3A_76  : i32 {
      %mul3A_146 = arith.constant 16 : i32
      %mul3A_147 = arith.muli %scan3A_145, %mul3A_146 : i32
      %add3A_148 = arith.constant 272 : i32
      %add3A_149 = arith.addi %add3A_148, %mul3A_147 : i32
      %swap3A = arith.constant 19 : i32
      %swap3A_150 = arith.index_cast %swap3A : i32 to index
      %swap3A_151 = arith.index_cast %add3A_149 : i32 to index
      %swap3A_152 = tpu.vector_load %arg6[%swap3A_150, %swap3A_151] {strides = array<i32>} : memref<20x512xi32, #tpu.memory_space<vmem>>, vector<1x16xi32>,
      %swap3A_153 = vector.shape_cast %swap3A_152 : vector<1x16xi32> to vector<16xi32>
      %swap3A_154 = vector.shape_cast %add3A_51 : vector<16xi32> to vector<1x16xi32>
      tpu.vector_store %arg6[%swap3A_150, %swap3A_151], %swap3A_154 {strides = array<i32>} : memref<20x512xi32, #tpu.memory_space<vmem>>, vector<1x16xi32>,
    }
    %scan3A_77 = arith.constant 15 : i32
    %scan3A_78 = arith.constant 0 : i32
    %scan3A_79 = arith.constant 0 : i32
    %scan3A_80 = arith.constant 19 : i32
    %scan3A_81 = arith.addi %scan3A_79, %scan3A_80 : i32
    %scan3A_82 = arith.constant 1 : i32
    scf.for %scan3A_145 = %scan3A_79 to %scan3A_81 step %scan3A_82  : i32 {
      %mul3A_146 = arith.constant 512 : i32
      %mul3A_147 = arith.muli %scan3A_145, %mul3A_146 : i32
      %add3A_148 = arith.addi %mul3A_48, %mul3A_147 : i32
      %dma_wait3A_149 = arith.constant 1 : i32
      %dma_wait3A_150 = arith.constant 0 : i32
      %dma_wait3A_151 = tpu.memref_slice %arg6[%scan3A_145, %dma_wait3A_150] : memref<20x512xi32, #tpu.memory_space<vmem>> -> memref<1x512xi32, #tpu.memory_space<vmem>>
      %dma_wait3A_152 = tpu.memref_squeeze %dma_wait3A_151 : memref<1x512xi32, #tpu.memory_space<vmem>> -> memref<512xi32, #tpu.memory_space<vmem>>
      %dma_wait3A_153 = tpu.memref_slice %arg3[%dma_wait3A_149, %add3A_148] : memref<2x320000xi32, #tpu.memory_space<hbm>> -> memref<1x512xi32, #tpu.memory_space<hbm>>
      %dma_wait3A_154 = tpu.memref_squeeze %dma_wait3A_153 : memref<1x512xi32, #tpu.memory_space<hbm>> -> memref<512xi32, #tpu.memory_space<hbm>>
      %dma_wait3A_155 = arith.constant 0 : i32
      %dma_wait3A_156 = tpu.memref_slice %arg6[%scan3A_145, %dma_wait3A_155] : memref<20x512xi32, #tpu.memory_space<vmem>> -> memref<1x512xi32, #tpu.memory_space<vmem>>
      %dma_wait3A_157 = tpu.memref_squeeze %dma_wait3A_156 : memref<1x512xi32, #tpu.memory_space<vmem>> -> memref<512xi32, #tpu.memory_space<vmem>>
      %dma_wait3A_158 = tpu.memref_slice %arg3[%dma_wait3A_149, %add3A_148] : memref<2x320000xi32, #tpu.memory_space<hbm>> -> memref<1x512xi32, #tpu.memory_space<hbm>>
      %dma_wait3A_159 = tpu.memref_squeeze %dma_wait3A_158 : memref<1x512xi32, #tpu.memory_space<hbm>> -> memref<512xi32, #tpu.memory_space<hbm>>
      tpu.wait_dma2 semaphore(%arg12 : memref<!tpu.dma_semaphore, #tpu.memory_space<semaphore_mem>>) src(%dma_wait3A_159 : memref<512xi32, #tpu.memory_space<hbm>>) dst(%dma_wait3A_157 : memref<512xi32, #tpu.memory_space<vmem>>)
    }
    %scan3A_83 = arith.constant 19 : i32
    %add3A_84 = arith.constant 9728 : i32
    %add3A_85 = arith.addi %mul3A_48, %add3A_84 : i32
    %dma_wait3A_86 = arith.constant 1 : i32
    %dma_wait3A_87 = arith.constant 19 : i32
    %dma_wait3A_88 = arith.constant 0 : i32
    %dma_wait3A_89 = tpu.memref_slice %arg6[%dma_wait3A_87, %dma_wait3A_88] : memref<20x512xi32, #tpu.memory_space<vmem>> -> memref<1x272xi32, #tpu.memory_space<vmem>>
    %dma_wait3A_90 = tpu.memref_squeeze %dma_wait3A_89 : memref<1x272xi32, #tpu.memory_space<vmem>> -> memref<272xi32, #tpu.memory_space<vmem>>
    %dma_wait3A_91 = tpu.memref_slice %arg3[%dma_wait3A_86, %add3A_85] : memref<2x320000xi32, #tpu.memory_space<hbm>> -> memref<1x272xi32, #tpu.memory_space<hbm>>
    %dma_wait3A_92 = tpu.memref_squeeze %dma_wait3A_91 : memref<1x272xi32, #tpu.memory_space<hbm>> -> memref<272xi32, #tpu.memory_space<hbm>>
    %dma_wait3A_93 = arith.constant 0 : i32
    %dma_wait3A_94 = tpu.memref_slice %arg6[%dma_wait3A_87, %dma_wait3A_93] : memref<20x512xi32, #tpu.memory_space<vmem>> -> memref<1x272xi32, #tpu.memory_space<vmem>>
    %dma_wait3A_95 = tpu.memref_squeeze %dma_wait3A_94 : memref<1x272xi32, #tpu.memory_space<vmem>> -> memref<272xi32, #tpu.memory_space<vmem>>
    %dma_wait3A_96 = tpu.memref_slice %arg3[%dma_wait3A_86, %add3A_85] : memref<2x320000xi32, #tpu.memory_space<hbm>> -> memref<1x272xi32, #tpu.memory_space<hbm>>
    %dma_wait3A_97 = tpu.memref_squeeze %dma_wait3A_96 : memref<1x272xi32, #tpu.memory_space<hbm>> -> memref<272xi32, #tpu.memory_space<hbm>>
    tpu.wait_dma2 semaphore(%arg12 : memref<!tpu.dma_semaphore, #tpu.memory_space<semaphore_mem>>) src(%dma_wait3A_97 : memref<272xi32, #tpu.memory_space<hbm>>) dst(%dma_wait3A_95 : memref<272xi32, #tpu.memory_space<vmem>>)
    %mul3A_98 = arith.constant 632 : i32
    %mul3A_99 = arith.muli %arg1, %mul3A_98 : i32
    %mul3A_100 = arith.constant 632 : i32
    %mul3A_101 = arith.muli %arg1, %mul3A_100 : i32
    "tpu.region"() ({
      %run_scoped3A = tpu.sem_alloc : memref<!tpu.dma_semaphore, #tpu.memory_space<semaphore_mem>>
      %dma_start3A_145 = arith.constant 0 : i32
      %dma_start3A_146 = tpu.memref_slice %arg10[%mul3A_101, %dma_start3A_145] : memref<10112x16xf32, #tpu.memory_space<vmem_shared>> -> memref<632x16xf32, #tpu.memory_space<vmem_shared>>
      %dma_start3A_147 = arith.constant 0 : i32
      %dma_start3A_148 = tpu.memref_slice %arg2[%mul3A_99, %dma_start3A_147] : memref<10112x16xf32, #tpu.memory_space<hbm>> -> memref<632x16xf32, #tpu.memory_space<hbm>>
      tpu.enqueue_dma source(%dma_start3A_148 : memref<632x16xf32, #tpu.memory_space<hbm>>) target(%dma_start3A_146 : memref<632x16xf32, #tpu.memory_space<vmem_shared>>) target_semaphore(%run_scoped3A : memref<!tpu.dma_semaphore, #tpu.memory_space<semaphore_mem>>)
      %dma_wait3A_149 = arith.constant 0 : i32
      %dma_wait3A_150 = tpu.memref_slice %arg10[%mul3A_101, %dma_wait3A_149] : memref<10112x16xf32, #tpu.memory_space<vmem_shared>> -> memref<632x16xf32, #tpu.memory_space<vmem_shared>>
      %dma_wait3A_151 = arith.constant 0 : i32
      %dma_wait3A_152 = tpu.memref_slice %arg2[%mul3A_99, %dma_wait3A_151] : memref<10112x16xf32, #tpu.memory_space<hbm>> -> memref<632x16xf32, #tpu.memory_space<hbm>>
      tpu.wait_dma2 semaphore(%run_scoped3A : memref<!tpu.dma_semaphore, #tpu.memory_space<semaphore_mem>>) src(%dma_wait3A_152 : memref<632x16xf32, #tpu.memory_space<hbm>>) dst(%dma_wait3A_150 : memref<632x16xf32, #tpu.memory_space<vmem_shared>>)
      tpu.yield
    }) : () -> ()
    %scan3A_102 = arith.constant 0 : i32
    %scan3A_103 = arith.constant 0 : i32
    %scan3A_104 = arith.constant 632 : i32
    %scan3A_105 = arith.addi %scan3A_103, %scan3A_104 : i32
    %scan3A_106 = arith.constant 1 : i32
    scf.for %scan3A_145 = %scan3A_103 to %scan3A_105 step %scan3A_106  : i32 {
      %broadcast_in_dim3A_146 = arith.constant 0.000000e+00 : f32
      %broadcast_in_dim3A_147 = vector.broadcast %broadcast_in_dim3A_146 : f32 to vector<16xf32>
      %swap3A = arith.index_cast %scan3A_145 : i32 to index
      %swap3A_148 = arith.constant 0 : index
      %swap3A_149 = tpu.vector_load %arg8[%swap3A, %swap3A_148] {strides = array<i32>} : memref<632x16xf32, #tpu.memory_space<vmem>>, vector<1x16xf32>,
      %swap3A_150 = vector.shape_cast %swap3A_149 : vector<1x16xf32> to vector<16xf32>
      %swap3A_151 = vector.shape_cast %broadcast_in_dim3A_147 : vector<16xf32> to vector<1x16xf32>
      tpu.vector_store %arg8[%swap3A, %swap3A_148], %swap3A_151 {strides = array<i32>} : memref<632x16xf32, #tpu.memory_space<vmem>>, vector<1x16xf32>,
    }
    %scan3A_107 = arith.constant 632 : i32
    %mul3A_108 = arith.constant 632 : i32
    %mul3A_109 = arith.muli %arg1, %mul3A_108 : i32
    "tpu.region"() ({
      %run_scoped3A = tpu.sem_alloc : memref<!tpu.dma_semaphore, #tpu.memory_space<semaphore_mem>>
      %dma_start3A_145 = arith.constant 0 : i32
      %dma_start3A_146 = tpu.memref_slice %arg9[%mul3A_109, %dma_start3A_145] : memref<10112x16xf32, #tpu.memory_space<vmem_shared>> -> memref<632x16xf32, #tpu.memory_space<vmem_shared>>
      %dma_start3A_147 = arith.constant 0 : i32
      %dma_start3A_148 = tpu.memref_slice %arg9[%mul3A_109, %dma_start3A_147] : memref<10112x16xf32, #tpu.memory_space<vmem_shared>> -> memref<632x16xf32, #tpu.memory_space<vmem_shared>>
      tpu.enqueue_dma source(%arg8 : memref<632x16xf32, #tpu.memory_space<vmem>>) target(%dma_start3A_148 : memref<632x16xf32, #tpu.memory_space<vmem_shared>>) target_semaphore(%run_scoped3A : memref<!tpu.dma_semaphore, #tpu.memory_space<semaphore_mem>>)
      %dma_wait3A_149 = arith.constant 0 : i32
      %dma_wait3A_150 = tpu.memref_slice %arg9[%mul3A_109, %dma_wait3A_149] : memref<10112x16xf32, #tpu.memory_space<vmem_shared>> -> memref<632x16xf32, #tpu.memory_space<vmem_shared>>
      %dma_wait3A_151 = arith.constant 0 : i32
      %dma_wait3A_152 = tpu.memref_slice %arg9[%mul3A_109, %dma_wait3A_151] : memref<10112x16xf32, #tpu.memory_space<vmem_shared>> -> memref<632x16xf32, #tpu.memory_space<vmem_shared>>
      tpu.wait_dma2 semaphore(%run_scoped3A : memref<!tpu.dma_semaphore, #tpu.memory_space<semaphore_mem>>) src(%arg8 : memref<632x16xf32, #tpu.memory_space<vmem>>) dst(%dma_wait3A_152 : memref<632x16xf32, #tpu.memory_space<vmem_shared>>)
      tpu.yield
    }) : () -> ()
    %barrier3A = arith.constant 0 : index
    tpu.barrier barrier_id(%barrier3A)
    %dma_start3A_110 = arith.constant 0 : i32
    %dma_start3A_111 = arith.constant 0 : i32
    %dma_start3A_112 = arith.constant 0 : i32
    %dma_start3A_113 = arith.constant 0 : i32
    %dma_start3A_114 = tpu.memref_slice %arg7[%dma_start3A_111, %dma_start3A_112, %dma_start3A_113] : memref<2x512x16xf32, #tpu.memory_space<vmem>> -> memref<1x512x16xf32, #tpu.memory_space<vmem>>
    %dma_start3A_115 = tpu.memref_squeeze %dma_start3A_114 : memref<1x512x16xf32, #tpu.memory_space<vmem>> -> memref<512x16xf32, #tpu.memory_space<vmem>>
    %dma_start3A_116 = arith.constant 0 : i32
    %dma_start3A_117 = tpu.memref_slice %arg5[%dma_start3A_110, %dma_start3A_116] : memref<20x512xi32, #tpu.memory_space<vmem>> -> memref<1x512xi32, #tpu.memory_space<vmem>>
    %dma_start3A_118 = tpu.memref_squeeze %dma_start3A_117 : memref<1x512xi32, #tpu.memory_space<vmem>> -> memref<512xi32, #tpu.memory_space<vmem>>
    %dma_start3A_119 = arith.constant 0 : i32
    %dma_start3A_120 = arith.constant 0 : i32
    %dma_start3A_121 = tpu.memref_slice %arg10[%dma_start3A_119, %dma_start3A_120] : memref<10112x16xf32, #tpu.memory_space<vmem_shared>> -> memref<10112x16xf32, #tpu.memory_space<vmem_shared>>
    tpu.enqueue_indirect_dma source(%dma_start3A_121 : memref<10112x16xf32, #tpu.memory_space<vmem_shared>>) target(%dma_start3A_115 : memref<512x16xf32, #tpu.memory_space<vmem>>) offsets(%dma_start3A_118 : memref<512xi32, #tpu.memory_space<vmem>>) semaphore(%arg11 : memref<!tpu.dma_semaphore, #tpu.memory_space<semaphore_mem>>)
    %scan3A_122 = arith.constant 0 : i32
    %scan3A_123 = arith.constant 0 : i32
    %scan3A_124 = arith.constant 20 : i32
    %scan3A_125 = arith.addi %scan3A_123, %scan3A_124 : i32
    %scan3A_126 = arith.constant 1 : i32
    scf.for %scan3A_145 = %scan3A_123 to %scan3A_125 step %scan3A_126  : i32 {
      %rem3A = arith.constant 2 : i32
      %rem3A_146 = arith.remsi %scan3A_145, %rem3A : i32
      %ge3A = arith.constant 1 : i32
      %ge3A_147 = arith.cmpi sge, %scan3A_145, %ge3A : i32
      %convert_element_type3A = arith.extui %ge3A_147 : i1 to i32
      %cond3A = arith.constant 0 : i32
      %cond3A_148 = arith.cmpi ne, %convert_element_type3A, %cond3A : i32
      scf.if %cond3A_148 {
        %sub3A = arith.constant 1 : i32
        %sub3A_175 = arith.subi %sub3A, %rem3A_146 : i32
        %sub3A_176 = arith.constant 1 : i32
        %sub3A_177 = arith.subi %scan3A_145, %sub3A_176 : i32
        %dma_wait3A_178 = arith.constant 0 : i32
        %dma_wait3A_179 = arith.constant 0 : i32
        %dma_wait3A_180 = tpu.memref_slice %arg7[%sub3A_175, %dma_wait3A_178, %dma_wait3A_179] : memref<2x512x16xf32, #tpu.memory_space<vmem>> -> memref<1x512x16xf32, #tpu.memory_space<vmem>>
        %dma_wait3A_181 = tpu.memref_squeeze %dma_wait3A_180 : memref<1x512x16xf32, #tpu.memory_space<vmem>> -> memref<512x16xf32, #tpu.memory_space<vmem>>
        %dma_wait3A_182 = arith.constant 0 : i32
        %dma_wait3A_183 = tpu.memref_slice %arg6[%sub3A_177, %dma_wait3A_182] : memref<20x512xi32, #tpu.memory_space<vmem>> -> memref<1x512xi32, #tpu.memory_space<vmem>>
        %dma_wait3A_184 = tpu.memref_squeeze %dma_wait3A_183 : memref<1x512xi32, #tpu.memory_space<vmem>> -> memref<512xi32, #tpu.memory_space<vmem>>
        %dma_wait3A_185 = arith.constant 0 : i32
        %dma_wait3A_186 = arith.constant 0 : i32
        %dma_wait3A_187 = tpu.memref_slice %arg9[%dma_wait3A_185, %dma_wait3A_186] : memref<10112x16xf32, #tpu.memory_space<vmem_shared>> -> memref<10112x16xf32, #tpu.memory_space<vmem_shared>>
        tpu.wait_indirect_dma semaphore(%arg12 : memref<!tpu.dma_semaphore, #tpu.memory_space<semaphore_mem>>) src(%dma_wait3A_181 : memref<512x16xf32, #tpu.memory_space<vmem>>) dst(%dma_wait3A_187 : memref<10112x16xf32, #tpu.memory_space<vmem_shared>>)
      } else {
      }
      %add3A_149 = arith.constant 1 : i32
      %add3A_150 = arith.addi %scan3A_145, %add3A_149 : i32
      %lt3A = arith.constant 20 : i32
      %lt3A_151 = arith.cmpi slt, %add3A_150, %lt3A : i32
      %convert_element_type3A_152 = arith.extui %lt3A_151 : i1 to i32
      %cond3A_153 = arith.constant 0 : i32
      %cond3A_154 = arith.cmpi ne, %convert_element_type3A_152, %cond3A_153 : i32
      scf.if %cond3A_154 {
        %add3A_175 = arith.constant 1 : i32
        %add3A_176 = arith.addi %scan3A_145, %add3A_175 : i32
        %sub3A = arith.constant 1 : i32
        %sub3A_177 = arith.subi %sub3A, %rem3A_146 : i32
        %dma_start3A_178 = arith.constant 0 : i32
        %dma_start3A_179 = arith.constant 0 : i32
        %dma_start3A_180 = tpu.memref_slice %arg7[%sub3A_177, %dma_start3A_178, %dma_start3A_179] : memref<2x512x16xf32, #tpu.memory_space<vmem>> -> memref<1x512x16xf32, #tpu.memory_space<vmem>>
        %dma_start3A_181 = tpu.memref_squeeze %dma_start3A_180 : memref<1x512x16xf32, #tpu.memory_space<vmem>> -> memref<512x16xf32, #tpu.memory_space<vmem>>
        %dma_start3A_182 = arith.constant 0 : i32
        %dma_start3A_183 = tpu.memref_slice %arg5[%add3A_176, %dma_start3A_182] : memref<20x512xi32, #tpu.memory_space<vmem>> -> memref<1x512xi32, #tpu.memory_space<vmem>>
        %dma_start3A_184 = tpu.memref_squeeze %dma_start3A_183 : memref<1x512xi32, #tpu.memory_space<vmem>> -> memref<512xi32, #tpu.memory_space<vmem>>
        %dma_start3A_185 = arith.constant 0 : i32
        %dma_start3A_186 = arith.constant 0 : i32
        %dma_start3A_187 = tpu.memref_slice %arg10[%dma_start3A_185, %dma_start3A_186] : memref<10112x16xf32, #tpu.memory_space<vmem_shared>> -> memref<10112x16xf32, #tpu.memory_space<vmem_shared>>
        tpu.enqueue_indirect_dma source(%dma_start3A_187 : memref<10112x16xf32, #tpu.memory_space<vmem_shared>>) target(%dma_start3A_181 : memref<512x16xf32, #tpu.memory_space<vmem>>) offsets(%dma_start3A_184 : memref<512xi32, #tpu.memory_space<vmem>>) semaphore(%arg11 : memref<!tpu.dma_semaphore, #tpu.memory_space<semaphore_mem>>)
      } else {
      }
      %dma_wait3A_155 = arith.constant 0 : i32
      %dma_wait3A_156 = arith.constant 0 : i32
      %dma_wait3A_157 = tpu.memref_slice %arg7[%rem3A_146, %dma_wait3A_155, %dma_wait3A_156] : memref<2x512x16xf32, #tpu.memory_space<vmem>> -> memref<1x512x16xf32, #tpu.memory_space<vmem>>
      %dma_wait3A_158 = tpu.memref_squeeze %dma_wait3A_157 : memref<1x512x16xf32, #tpu.memory_space<vmem>> -> memref<512x16xf32, #tpu.memory_space<vmem>>
      %dma_wait3A_159 = arith.constant 0 : i32
      %dma_wait3A_160 = tpu.memref_slice %arg5[%scan3A_145, %dma_wait3A_159] : memref<20x512xi32, #tpu.memory_space<vmem>> -> memref<1x512xi32, #tpu.memory_space<vmem>>
      %dma_wait3A_161 = tpu.memref_squeeze %dma_wait3A_160 : memref<1x512xi32, #tpu.memory_space<vmem>> -> memref<512xi32, #tpu.memory_space<vmem>>
      %dma_wait3A_162 = arith.constant 0 : i32
      %dma_wait3A_163 = arith.constant 0 : i32
      %dma_wait3A_164 = tpu.memref_slice %arg10[%dma_wait3A_162, %dma_wait3A_163] : memref<10112x16xf32, #tpu.memory_space<vmem_shared>> -> memref<10112x16xf32, #tpu.memory_space<vmem_shared>>
      tpu.wait_indirect_dma semaphore(%arg11 : memref<!tpu.dma_semaphore, #tpu.memory_space<semaphore_mem>>) src(%dma_wait3A_164 : memref<10112x16xf32, #tpu.memory_space<vmem_shared>>) dst(%dma_wait3A_158 : memref<512x16xf32, #tpu.memory_space<vmem>>)
      %dma_start3A_165 = arith.constant 0 : i32
      %dma_start3A_166 = arith.constant 0 : i32
      %dma_start3A_167 = tpu.memref_slice %arg7[%rem3A_146, %dma_start3A_165, %dma_start3A_166] : memref<2x512x16xf32, #tpu.memory_space<vmem>> -> memref<1x512x16xf32, #tpu.memory_space<vmem>>
      %dma_start3A_168 = tpu.memref_squeeze %dma_start3A_167 : memref<1x512x16xf32, #tpu.memory_space<vmem>> -> memref<512x16xf32, #tpu.memory_space<vmem>>
      %dma_start3A_169 = arith.constant 0 : i32
      %dma_start3A_170 = tpu.memref_slice %arg6[%scan3A_145, %dma_start3A_169] : memref<20x512xi32, #tpu.memory_space<vmem>> -> memref<1x512xi32, #tpu.memory_space<vmem>>
      %dma_start3A_171 = tpu.memref_squeeze %dma_start3A_170 : memref<1x512xi32, #tpu.memory_space<vmem>> -> memref<512xi32, #tpu.memory_space<vmem>>
      %dma_start3A_172 = arith.constant 0 : i32
      %dma_start3A_173 = arith.constant 0 : i32
      %dma_start3A_174 = tpu.memref_slice %arg9[%dma_start3A_172, %dma_start3A_173] : memref<10112x16xf32, #tpu.memory_space<vmem_shared>> -> memref<10112x16xf32, #tpu.memory_space<vmem_shared>>
      tpu.enqueue_indirect_dma source(%dma_start3A_168 : memref<512x16xf32, #tpu.memory_space<vmem>>) target(%dma_start3A_174 : memref<10112x16xf32, #tpu.memory_space<vmem_shared>>) offsets(%dma_start3A_171 : memref<512xi32, #tpu.memory_space<vmem>>) semaphore(%arg12 : memref<!tpu.dma_semaphore, #tpu.memory_space<semaphore_mem>>) {add = true}
    }
    %scan3A_127 = arith.constant 20 : i32
    %dma_wait3A_128 = arith.constant 1 : i32
    %dma_wait3A_129 = arith.constant 19 : i32
    %dma_wait3A_130 = arith.constant 0 : i32
    %dma_wait3A_131 = arith.constant 0 : i32
    %dma_wait3A_132 = tpu.memref_slice %arg7[%dma_wait3A_128, %dma_wait3A_130, %dma_wait3A_131] : memref<2x512x16xf32, #tpu.memory_space<vmem>> -> memref<1x512x16xf32, #tpu.memory_space<vmem>>
    %dma_wait3A_133 = tpu.memref_squeeze %dma_wait3A_132 : memref<1x512x16xf32, #tpu.memory_space<vmem>> -> memref<512x16xf32, #tpu.memory_space<vmem>>
    %dma_wait3A_134 = arith.constant 0 : i32
    %dma_wait3A_135 = tpu.memref_slice %arg6[%dma_wait3A_129, %dma_wait3A_134] : memref<20x512xi32, #tpu.memory_space<vmem>> -> memref<1x512xi32, #tpu.memory_space<vmem>>
    %dma_wait3A_136 = tpu.memref_squeeze %dma_wait3A_135 : memref<1x512xi32, #tpu.memory_space<vmem>> -> memref<512xi32, #tpu.memory_space<vmem>>
    %dma_wait3A_137 = arith.constant 0 : i32
    %dma_wait3A_138 = arith.constant 0 : i32
    %dma_wait3A_139 = tpu.memref_slice %arg9[%dma_wait3A_137, %dma_wait3A_138] : memref<10112x16xf32, #tpu.memory_space<vmem_shared>> -> memref<10112x16xf32, #tpu.memory_space<vmem_shared>>
    tpu.wait_indirect_dma semaphore(%arg12 : memref<!tpu.dma_semaphore, #tpu.memory_space<semaphore_mem>>) src(%dma_wait3A_133 : memref<512x16xf32, #tpu.memory_space<vmem>>) dst(%dma_wait3A_139 : memref<10112x16xf32, #tpu.memory_space<vmem_shared>>)
    %barrier3A_140 = arith.constant 0 : index
    tpu.barrier barrier_id(%barrier3A_140)
    %mul3A_141 = arith.constant 632 : i32
    %mul3A_142 = arith.muli %arg1, %mul3A_141 : i32
    %mul3A_143 = arith.constant 632 : i32
    %mul3A_144 = arith.muli %arg1, %mul3A_143 : i32
    "tpu.region"() ({
      %run_scoped3A = tpu.sem_alloc : memref<!tpu.dma_semaphore, #tpu.memory_space<semaphore_mem>>
      %dma_start3A_145 = arith.constant 0 : i32
      %dma_start3A_146 = tpu.memref_slice %arg4[%arg0, %mul3A_144, %dma_start3A_145] : memref<2x10112x16xf32, #tpu.memory_space<hbm>> -> memref<1x632x16xf32, #tpu.memory_space<hbm>>
      %dma_start3A_147 = tpu.memref_squeeze %dma_start3A_146 : memref<1x632x16xf32, #tpu.memory_space<hbm>> -> memref<632x16xf32, #tpu.memory_space<hbm>>
      %dma_start3A_148 = arith.constant 0 : i32
      %dma_start3A_149 = tpu.memref_slice %arg9[%mul3A_142, %dma_start3A_148] : memref<10112x16xf32, #tpu.memory_space<vmem_shared>> -> memref<632x16xf32, #tpu.memory_space<vmem_shared>>
      tpu.enqueue_dma source(%dma_start3A_149 : memref<632x16xf32, #tpu.memory_space<vmem_shared>>) target(%dma_start3A_147 : memref<632x16xf32, #tpu.memory_space<hbm>>) target_semaphore(%run_scoped3A : memref<!tpu.dma_semaphore, #tpu.memory_space<semaphore_mem>>)
      %dma_wait3A_150 = arith.constant 0 : i32
      %dma_wait3A_151 = tpu.memref_slice %arg4[%arg0, %mul3A_144, %dma_wait3A_150] : memref<2x10112x16xf32, #tpu.memory_space<hbm>> -> memref<1x632x16xf32, #tpu.memory_space<hbm>>
      %dma_wait3A_152 = tpu.memref_squeeze %dma_wait3A_151 : memref<1x632x16xf32, #tpu.memory_space<hbm>> -> memref<632x16xf32, #tpu.memory_space<hbm>>
      %dma_wait3A_153 = arith.constant 0 : i32
      %dma_wait3A_154 = tpu.memref_slice %arg9[%mul3A_142, %dma_wait3A_153] : memref<10112x16xf32, #tpu.memory_space<vmem_shared>> -> memref<632x16xf32, #tpu.memory_space<vmem_shared>>
      tpu.wait_dma2 semaphore(%run_scoped3A : memref<!tpu.dma_semaphore, #tpu.memory_space<semaphore_mem>>) src(%dma_wait3A_154 : memref<632x16xf32, #tpu.memory_space<vmem_shared>>) dst(%dma_wait3A_152 : memref<632x16xf32, #tpu.memory_space<hbm>>)
      tpu.yield
    }) : () -> ()
    return
  }
}

#map = affine_map<(d0, d1) -> (0, 0)>
#map1 = affine_map<(d0, d1) -> (0, 0, 0)>
module attributes {stable_mosaic.version = 14 : i64} {
  func.func @_sc_edge_sum(%arg0: i32, %arg1: i32, %arg2: memref<10112x16xf32, #tpu.memory_space<hbm>>, %arg3: memref<2x320000xi32, #tpu.memory_space<hbm>>, %arg4: memref<2x10112x16xf32, #tpu.memory_space<hbm>>, %arg5: memref<20x512xi32, #tpu.memory_space<vmem>>, %arg6: memref<20x512xi32, #tpu.memory_space<vmem>>, %arg7: memref<2x512x16xf32, #tpu.memory_space<vmem>>, %arg8: memref<632x16xf32, #tpu.memory_space<vmem>>, %arg9: memref<10112x16xf32, #tpu.memory_space<vmem_shared>>, %arg10: memref<10112x16xf32, #tpu.memory_space<vmem_shared>>, %arg11: memref<!tpu.dma_semaphore, #tpu.memory_space<semaphore_mem>>, %arg12: memref<!tpu.dma_semaphore, #tpu.memory_space<semaphore_mem>>) attributes {dimension_semantics = [#tpu.dimension_semantics<core_parallel>, #tpu.dimension_semantics<subcore_parallel>], iteration_bounds = array<i64: 2, 16>, scalar_prefetch = 0 : i64, scratch_operands = 8 : i64, tpu.core_type = #tpu.core_type<sc_vector_subcore>, window_params = [{transform_indices = #map}, {transform_indices = #map}, {transform_indices = #map1}]} {
    %mul3A = arith.constant 2 : i32
    %mul3A_0 = arith.muli %arg1, %mul3A : i32
    %add3A = arith.addi %mul3A_0, %arg0 : i32
    %mul3A_1 = arith.constant 10000 : i32
    %mul3A_2 = arith.muli %add3A, %mul3A_1 : i32
    %broadcast_in_dim3A = arith.constant 0 : i32
    %broadcast_in_dim3A_3 = vector.broadcast %broadcast_in_dim3A : i32 to vector<16xi32>
    %scan3A = arith.constant 0 : i32
    %scan3A_4 = arith.constant 0 : i32
    %scan3A_5 = arith.constant 19 : i32
    %scan3A_6 = arith.addi %scan3A_4, %scan3A_5 : i32
    %scan3A_7 = arith.constant 1 : i32
    scf.for %scan3A_145 = %scan3A_4 to %scan3A_6 step %scan3A_7  : i32 {
      %mul3A_146 = arith.constant 512 : i32
      %mul3A_147 = arith.muli %scan3A_145, %mul3A_146 : i32
      %add3A_148 = arith.addi %mul3A_2, %mul3A_147 : i32
      %dma_start3A_149 = arith.constant 0 : i32
      %dma_start3A_150 = arith.constant 0 : i32
      %dma_start3A_151 = tpu.memref_slice %arg5[%scan3A_145, %dma_start3A_150] : memref<20x512xi32, #tpu.memory_space<vmem>> -> memref<1x512xi32, #tpu.memory_space<vmem>>
      %dma_start3A_152 = tpu.memref_squeeze %dma_start3A_151 : memref<1x512xi32, #tpu.memory_space<vmem>> -> memref<512xi32, #tpu.memory_space<vmem>>
      %dma_start3A_153 = tpu.memref_slice %arg3[%dma_start3A_149, %add3A_148] : memref<2x320000xi32, #tpu.memory_space<hbm>> -> memref<1x512xi32, #tpu.memory_space<hbm>>
      %dma_start3A_154 = tpu.memref_squeeze %dma_start3A_153 : memref<1x512xi32, #tpu.memory_space<hbm>> -> memref<512xi32, #tpu.memory_space<hbm>>
      %dma_start3A_155 = arith.constant 0 : i32
      %dma_start3A_156 = tpu.memref_slice %arg5[%scan3A_145, %dma_start3A_155] : memref<20x512xi32, #tpu.memory_space<vmem>> -> memref<1x512xi32, #tpu.memory_space<vmem>>
      %dma_start3A_157 = tpu.memref_squeeze %dma_start3A_156 : memref<1x512xi32, #tpu.memory_space<vmem>> -> memref<512xi32, #tpu.memory_space<vmem>>
      %dma_start3A_158 = tpu.memref_slice %arg3[%dma_start3A_149, %add3A_148] : memref<2x320000xi32, #tpu.memory_space<hbm>> -> memref<1x512xi32, #tpu.memory_space<hbm>>
      %dma_start3A_159 = tpu.memref_squeeze %dma_start3A_158 : memref<1x512xi32, #tpu.memory_space<hbm>> -> memref<512xi32, #tpu.memory_space<hbm>>
      tpu.enqueue_dma source(%dma_start3A_159 : memref<512xi32, #tpu.memory_space<hbm>>) target(%dma_start3A_157 : memref<512xi32, #tpu.memory_space<vmem>>) target_semaphore(%arg11 : memref<!tpu.dma_semaphore, #tpu.memory_space<semaphore_mem>>)
    }
    %scan3A_8 = arith.constant 19 : i32
    %add3A_9 = arith.constant 9728 : i32
    %add3A_10 = arith.addi %mul3A_2, %add3A_9 : i32
    %dma_start3A = arith.constant 0 : i32
    %dma_start3A_11 = arith.constant 19 : i32
    %dma_start3A_12 = arith.constant 0 : i32
    %dma_start3A_13 = tpu.memref_slice %arg5[%dma_start3A_11, %dma_start3A_12] : memref<20x512xi32, #tpu.memory_space<vmem>> -> memref<1x272xi32, #tpu.memory_space<vmem>>
    %dma_start3A_14 = tpu.memref_squeeze %dma_start3A_13 : memref<1x272xi32, #tpu.memory_space<vmem>> -> memref<272xi32, #tpu.memory_space<vmem>>
    %dma_start3A_15 = tpu.memref_slice %arg3[%dma_start3A, %add3A_10] : memref<2x320000xi32, #tpu.memory_space<hbm>> -> memref<1x272xi32, #tpu.memory_space<hbm>>
    %dma_start3A_16 = tpu.memref_squeeze %dma_start3A_15 : memref<1x272xi32, #tpu.memory_space<hbm>> -> memref<272xi32, #tpu.memory_space<hbm>>
    %dma_start3A_17 = arith.constant 0 : i32
    %dma_start3A_18 = tpu.memref_slice %arg5[%dma_start3A_11, %dma_start3A_17] : memref<20x512xi32, #tpu.memory_space<vmem>> -> memref<1x272xi32, #tpu.memory_space<vmem>>
    %dma_start3A_19 = tpu.memref_squeeze %dma_start3A_18 : memref<1x272xi32, #tpu.memory_space<vmem>> -> memref<272xi32, #tpu.memory_space<vmem>>
    %dma_start3A_20 = tpu.memref_slice %arg3[%dma_start3A, %add3A_10] : memref<2x320000xi32, #tpu.memory_space<hbm>> -> memref<1x272xi32, #tpu.memory_space<hbm>>
    %dma_start3A_21 = tpu.memref_squeeze %dma_start3A_20 : memref<1x272xi32, #tpu.memory_space<hbm>> -> memref<272xi32, #tpu.memory_space<hbm>>
    tpu.enqueue_dma source(%dma_start3A_21 : memref<272xi32, #tpu.memory_space<hbm>>) target(%dma_start3A_19 : memref<272xi32, #tpu.memory_space<vmem>>) target_semaphore(%arg11 : memref<!tpu.dma_semaphore, #tpu.memory_space<semaphore_mem>>)
    %scan3A_22 = arith.constant 0 : i32
    %scan3A_23 = arith.constant 0 : i32
    %scan3A_24 = arith.constant 15 : i32
    %scan3A_25 = arith.addi %scan3A_23, %scan3A_24 : i32
    %scan3A_26 = arith.constant 1 : i32
    scf.for %scan3A_145 = %scan3A_23 to %scan3A_25 step %scan3A_26  : i32 {
      %mul3A_146 = arith.constant 16 : i32
      %mul3A_147 = arith.muli %scan3A_145, %mul3A_146 : i32
      %add3A_148 = arith.constant 272 : i32
      %add3A_149 = arith.addi %add3A_148, %mul3A_147 : i32
      %swap3A = arith.constant 19 : i32
      %swap3A_150 = arith.index_cast %swap3A : i32 to index
      %swap3A_151 = arith.index_cast %add3A_149 : i32 to index
      %swap3A_152 = tpu.vector_load %arg5[%swap3A_150, %swap3A_151] {strides = array<i32>} : memref<20x512xi32, #tpu.memory_space<vmem>>, vector<1x16xi32>,
      %swap3A_153 = vector.shape_cast %swap3A_152 : vector<1x16xi32> to vector<16xi32>
      %swap3A_154 = vector.shape_cast %broadcast_in_dim3A_3 : vector<16xi32> to vector<1x16xi32>
      tpu.vector_store %arg5[%swap3A_150, %swap3A_151], %swap3A_154 {strides = array<i32>} : memref<20x512xi32, #tpu.memory_space<vmem>>, vector<1x16xi32>,
    }
    %scan3A_27 = arith.constant 15 : i32
    %scan3A_28 = arith.constant 0 : i32
    %scan3A_29 = arith.constant 0 : i32
    %scan3A_30 = arith.constant 19 : i32
    %scan3A_31 = arith.addi %scan3A_29, %scan3A_30 : i32
    %scan3A_32 = arith.constant 1 : i32
    scf.for %scan3A_145 = %scan3A_29 to %scan3A_31 step %scan3A_32  : i32 {
      %mul3A_146 = arith.constant 512 : i32
      %mul3A_147 = arith.muli %scan3A_145, %mul3A_146 : i32
      %add3A_148 = arith.addi %mul3A_2, %mul3A_147 : i32
      %dma_wait3A_149 = arith.constant 0 : i32
      %dma_wait3A_150 = arith.constant 0 : i32
      %dma_wait3A_151 = tpu.memref_slice %arg5[%scan3A_145, %dma_wait3A_150] : memref<20x512xi32, #tpu.memory_space<vmem>> -> memref<1x512xi32, #tpu.memory_space<vmem>>
      %dma_wait3A_152 = tpu.memref_squeeze %dma_wait3A_151 : memref<1x512xi32, #tpu.memory_space<vmem>> -> memref<512xi32, #tpu.memory_space<vmem>>
      %dma_wait3A_153 = tpu.memref_slice %arg3[%dma_wait3A_149, %add3A_148] : memref<2x320000xi32, #tpu.memory_space<hbm>> -> memref<1x512xi32, #tpu.memory_space<hbm>>
      %dma_wait3A_154 = tpu.memref_squeeze %dma_wait3A_153 : memref<1x512xi32, #tpu.memory_space<hbm>> -> memref<512xi32, #tpu.memory_space<hbm>>
      %dma_wait3A_155 = arith.constant 0 : i32
      %dma_wait3A_156 = tpu.memref_slice %arg5[%scan3A_145, %dma_wait3A_155] : memref<20x512xi32, #tpu.memory_space<vmem>> -> memref<1x512xi32, #tpu.memory_space<vmem>>
      %dma_wait3A_157 = tpu.memref_squeeze %dma_wait3A_156 : memref<1x512xi32, #tpu.memory_space<vmem>> -> memref<512xi32, #tpu.memory_space<vmem>>
      %dma_wait3A_158 = tpu.memref_slice %arg3[%dma_wait3A_149, %add3A_148] : memref<2x320000xi32, #tpu.memory_space<hbm>> -> memref<1x512xi32, #tpu.memory_space<hbm>>
      %dma_wait3A_159 = tpu.memref_squeeze %dma_wait3A_158 : memref<1x512xi32, #tpu.memory_space<hbm>> -> memref<512xi32, #tpu.memory_space<hbm>>
      tpu.wait_dma2 semaphore(%arg11 : memref<!tpu.dma_semaphore, #tpu.memory_space<semaphore_mem>>) src(%dma_wait3A_159 : memref<512xi32, #tpu.memory_space<hbm>>) dst(%dma_wait3A_157 : memref<512xi32, #tpu.memory_space<vmem>>)
    }
    %scan3A_33 = arith.constant 19 : i32
    %add3A_34 = arith.constant 9728 : i32
    %add3A_35 = arith.addi %mul3A_2, %add3A_34 : i32
    %dma_wait3A = arith.constant 0 : i32
    %dma_wait3A_36 = arith.constant 19 : i32
    %dma_wait3A_37 = arith.constant 0 : i32
    %dma_wait3A_38 = tpu.memref_slice %arg5[%dma_wait3A_36, %dma_wait3A_37] : memref<20x512xi32, #tpu.memory_space<vmem>> -> memref<1x272xi32, #tpu.memory_space<vmem>>
    %dma_wait3A_39 = tpu.memref_squeeze %dma_wait3A_38 : memref<1x272xi32, #tpu.memory_space<vmem>> -> memref<272xi32, #tpu.memory_space<vmem>>
    %dma_wait3A_40 = tpu.memref_slice %arg3[%dma_wait3A, %add3A_35] : memref<2x320000xi32, #tpu.memory_space<hbm>> -> memref<1x272xi32, #tpu.memory_space<hbm>>
    %dma_wait3A_41 = tpu.memref_squeeze %dma_wait3A_40 : memref<1x272xi32, #tpu.memory_space<hbm>> -> memref<272xi32, #tpu.memory_space<hbm>>
    %dma_wait3A_42 = arith.constant 0 : i32
    %dma_wait3A_43 = tpu.memref_slice %arg5[%dma_wait3A_36, %dma_wait3A_42] : memref<20x512xi32, #tpu.memory_space<vmem>> -> memref<1x272xi32, #tpu.memory_space<vmem>>
    %dma_wait3A_44 = tpu.memref_squeeze %dma_wait3A_43 : memref<1x272xi32, #tpu.memory_space<vmem>> -> memref<272xi32, #tpu.memory_space<vmem>>
    %dma_wait3A_45 = tpu.memref_slice %arg3[%dma_wait3A, %add3A_35] : memref<2x320000xi32, #tpu.memory_space<hbm>> -> memref<1x272xi32, #tpu.memory_space<hbm>>
    %dma_wait3A_46 = tpu.memref_squeeze %dma_wait3A_45 : memref<1x272xi32, #tpu.memory_space<hbm>> -> memref<272xi32, #tpu.memory_space<hbm>>
    tpu.wait_dma2 semaphore(%arg11 : memref<!tpu.dma_semaphore, #tpu.memory_space<semaphore_mem>>) src(%dma_wait3A_46 : memref<272xi32, #tpu.memory_space<hbm>>) dst(%dma_wait3A_44 : memref<272xi32, #tpu.memory_space<vmem>>)
    %mul3A_47 = arith.constant 10000 : i32
    %mul3A_48 = arith.muli %add3A, %mul3A_47 : i32
    %iota3A = tpu.iota {dimensions = array<i32: 0>} : vector<16xi32>
    %add3A_49 = arith.constant 10000 : i32
    %add3A_50 = vector.broadcast %add3A_49 : i32 to vector<16xi32>
    %add3A_51 = arith.addi %add3A_50, %iota3A : vector<16xi32>
    %scan3A_52 = arith.constant 0 : i32
    %scan3A_53 = arith.constant 0 : i32
    %scan3A_54 = arith.constant 19 : i32
    %scan3A_55 = arith.addi %scan3A_53, %scan3A_54 : i32
    %scan3A_56 = arith.constant 1 : i32
    scf.for %scan3A_145 = %scan3A_53 to %scan3A_55 step %scan3A_56  : i32 {
      %mul3A_146 = arith.constant 512 : i32
      %mul3A_147 = arith.muli %scan3A_145, %mul3A_146 : i32
      %add3A_148 = arith.addi %mul3A_48, %mul3A_147 : i32
      %dma_start3A_149 = arith.constant 1 : i32
      %dma_start3A_150 = arith.constant 0 : i32
      %dma_start3A_151 = tpu.memref_slice %arg6[%scan3A_145, %dma_start3A_150] : memref<20x512xi32, #tpu.memory_space<vmem>> -> memref<1x512xi32, #tpu.memory_space<vmem>>
      %dma_start3A_152 = tpu.memref_squeeze %dma_start3A_151 : memref<1x512xi32, #tpu.memory_space<vmem>> -> memref<512xi32, #tpu.memory_space<vmem>>
      %dma_start3A_153 = tpu.memref_slice %arg3[%dma_start3A_149, %add3A_148] : memref<2x320000xi32, #tpu.memory_space<hbm>> -> memref<1x512xi32, #tpu.memory_space<hbm>>
      %dma_start3A_154 = tpu.memref_squeeze %dma_start3A_153 : memref<1x512xi32, #tpu.memory_space<hbm>> -> memref<512xi32, #tpu.memory_space<hbm>>
      %dma_start3A_155 = arith.constant 0 : i32
      %dma_start3A_156 = tpu.memref_slice %arg6[%scan3A_145, %dma_start3A_155] : memref<20x512xi32, #tpu.memory_space<vmem>> -> memref<1x512xi32, #tpu.memory_space<vmem>>
      %dma_start3A_157 = tpu.memref_squeeze %dma_start3A_156 : memref<1x512xi32, #tpu.memory_space<vmem>> -> memref<512xi32, #tpu.memory_space<vmem>>
      %dma_start3A_158 = tpu.memref_slice %arg3[%dma_start3A_149, %add3A_148] : memref<2x320000xi32, #tpu.memory_space<hbm>> -> memref<1x512xi32, #tpu.memory_space<hbm>>
      %dma_start3A_159 = tpu.memref_squeeze %dma_start3A_158 : memref<1x512xi32, #tpu.memory_space<hbm>> -> memref<512xi32, #tpu.memory_space<hbm>>
      tpu.enqueue_dma source(%dma_start3A_159 : memref<512xi32, #tpu.memory_space<hbm>>) target(%dma_start3A_157 : memref<512xi32, #tpu.memory_space<vmem>>) target_semaphore(%arg12 : memref<!tpu.dma_semaphore, #tpu.memory_space<semaphore_mem>>)
    }
    %scan3A_57 = arith.constant 19 : i32
    %add3A_58 = arith.constant 9728 : i32
    %add3A_59 = arith.addi %mul3A_48, %add3A_58 : i32
    %dma_start3A_60 = arith.constant 1 : i32
    %dma_start3A_61 = arith.constant 19 : i32
    %dma_start3A_62 = arith.constant 0 : i32
    %dma_start3A_63 = tpu.memref_slice %arg6[%dma_start3A_61, %dma_start3A_62] : memref<20x512xi32, #tpu.memory_space<vmem>> -> memref<1x272xi32, #tpu.memory_space<vmem>>
    %dma_start3A_64 = tpu.memref_squeeze %dma_start3A_63 : memref<1x272xi32, #tpu.memory_space<vmem>> -> memref<272xi32, #tpu.memory_space<vmem>>
    %dma_start3A_65 = tpu.memref_slice %arg3[%dma_start3A_60, %add3A_59] : memref<2x320000xi32, #tpu.memory_space<hbm>> -> memref<1x272xi32, #tpu.memory_space<hbm>>
    %dma_start3A_66 = tpu.memref_squeeze %dma_start3A_65 : memref<1x272xi32, #tpu.memory_space<hbm>> -> memref<272xi32, #tpu.memory_space<hbm>>
    %dma_start3A_67 = arith.constant 0 : i32
    %dma_start3A_68 = tpu.memref_slice %arg6[%dma_start3A_61, %dma_start3A_67] : memref<20x512xi32, #tpu.memory_space<vmem>> -> memref<1x272xi32, #tpu.memory_space<vmem>>
    %dma_start3A_69 = tpu.memref_squeeze %dma_start3A_68 : memref<1x272xi32, #tpu.memory_space<vmem>> -> memref<272xi32, #tpu.memory_space<vmem>>
    %dma_start3A_70 = tpu.memref_slice %arg3[%dma_start3A_60, %add3A_59] : memref<2x320000xi32, #tpu.memory_space<hbm>> -> memref<1x272xi32, #tpu.memory_space<hbm>>
    %dma_start3A_71 = tpu.memref_squeeze %dma_start3A_70 : memref<1x272xi32, #tpu.memory_space<hbm>> -> memref<272xi32, #tpu.memory_space<hbm>>
    tpu.enqueue_dma source(%dma_start3A_71 : memref<272xi32, #tpu.memory_space<hbm>>) target(%dma_start3A_69 : memref<272xi32, #tpu.memory_space<vmem>>) target_semaphore(%arg12 : memref<!tpu.dma_semaphore, #tpu.memory_space<semaphore_mem>>)
    %scan3A_72 = arith.constant 0 : i32
    %scan3A_73 = arith.constant 0 : i32
    %scan3A_74 = arith.constant 15 : i32
    %scan3A_75 = arith.addi %scan3A_73, %scan3A_74 : i32
    %scan3A_76 = arith.constant 1 : i32
    scf.for %scan3A_145 = %scan3A_73 to %scan3A_75 step %scan3A_76  : i32 {
      %mul3A_146 = arith.constant 16 : i32
      %mul3A_147 = arith.muli %scan3A_145, %mul3A_146 : i32
      %add3A_148 = arith.constant 272 : i32
      %add3A_149 = arith.addi %add3A_148, %mul3A_147 : i32
      %swap3A = arith.constant 19 : i32
      %swap3A_150 = arith.index_cast %swap3A : i32 to index
      %swap3A_151 = arith.index_cast %add3A_149 : i32 to index
      %swap3A_152 = tpu.vector_load %arg6[%swap3A_150, %swap3A_151] {strides = array<i32>} : memref<20x512xi32, #tpu.memory_space<vmem>>, vector<1x16xi32>,
      %swap3A_153 = vector.shape_cast %swap3A_152 : vector<1x16xi32> to vector<16xi32>
      %swap3A_154 = vector.shape_cast %add3A_51 : vector<16xi32> to vector<1x16xi32>
      tpu.vector_store %arg6[%swap3A_150, %swap3A_151], %swap3A_154 {strides = array<i32>} : memref<20x512xi32, #tpu.memory_space<vmem>>, vector<1x16xi32>,
    }
    %scan3A_77 = arith.constant 15 : i32
    %scan3A_78 = arith.constant 0 : i32
    %scan3A_79 = arith.constant 0 : i32
    %scan3A_80 = arith.constant 19 : i32
    %scan3A_81 = arith.addi %scan3A_79, %scan3A_80 : i32
    %scan3A_82 = arith.constant 1 : i32
    scf.for %scan3A_145 = %scan3A_79 to %scan3A_81 step %scan3A_82  : i32 {
      %mul3A_146 = arith.constant 512 : i32
      %mul3A_147 = arith.muli %scan3A_145, %mul3A_146 : i32
      %add3A_148 = arith.addi %mul3A_48, %mul3A_147 : i32
      %dma_wait3A_149 = arith.constant 1 : i32
      %dma_wait3A_150 = arith.constant 0 : i32
      %dma_wait3A_151 = tpu.memref_slice %arg6[%scan3A_145, %dma_wait3A_150] : memref<20x512xi32, #tpu.memory_space<vmem>> -> memref<1x512xi32, #tpu.memory_space<vmem>>
      %dma_wait3A_152 = tpu.memref_squeeze %dma_wait3A_151 : memref<1x512xi32, #tpu.memory_space<vmem>> -> memref<512xi32, #tpu.memory_space<vmem>>
      %dma_wait3A_153 = tpu.memref_slice %arg3[%dma_wait3A_149, %add3A_148] : memref<2x320000xi32, #tpu.memory_space<hbm>> -> memref<1x512xi32, #tpu.memory_space<hbm>>
      %dma_wait3A_154 = tpu.memref_squeeze %dma_wait3A_153 : memref<1x512xi32, #tpu.memory_space<hbm>> -> memref<512xi32, #tpu.memory_space<hbm>>
      %dma_wait3A_155 = arith.constant 0 : i32
      %dma_wait3A_156 = tpu.memref_slice %arg6[%scan3A_145, %dma_wait3A_155] : memref<20x512xi32, #tpu.memory_space<vmem>> -> memref<1x512xi32, #tpu.memory_space<vmem>>
      %dma_wait3A_157 = tpu.memref_squeeze %dma_wait3A_156 : memref<1x512xi32, #tpu.memory_space<vmem>> -> memref<512xi32, #tpu.memory_space<vmem>>
      %dma_wait3A_158 = tpu.memref_slice %arg3[%dma_wait3A_149, %add3A_148] : memref<2x320000xi32, #tpu.memory_space<hbm>> -> memref<1x512xi32, #tpu.memory_space<hbm>>
      %dma_wait3A_159 = tpu.memref_squeeze %dma_wait3A_158 : memref<1x512xi32, #tpu.memory_space<hbm>> -> memref<512xi32, #tpu.memory_space<hbm>>
      tpu.wait_dma2 semaphore(%arg12 : memref<!tpu.dma_semaphore, #tpu.memory_space<semaphore_mem>>) src(%dma_wait3A_159 : memref<512xi32, #tpu.memory_space<hbm>>) dst(%dma_wait3A_157 : memref<512xi32, #tpu.memory_space<vmem>>)
    }
    %scan3A_83 = arith.constant 19 : i32
    %add3A_84 = arith.constant 9728 : i32
    %add3A_85 = arith.addi %mul3A_48, %add3A_84 : i32
    %dma_wait3A_86 = arith.constant 1 : i32
    %dma_wait3A_87 = arith.constant 19 : i32
    %dma_wait3A_88 = arith.constant 0 : i32
    %dma_wait3A_89 = tpu.memref_slice %arg6[%dma_wait3A_87, %dma_wait3A_88] : memref<20x512xi32, #tpu.memory_space<vmem>> -> memref<1x272xi32, #tpu.memory_space<vmem>>
    %dma_wait3A_90 = tpu.memref_squeeze %dma_wait3A_89 : memref<1x272xi32, #tpu.memory_space<vmem>> -> memref<272xi32, #tpu.memory_space<vmem>>
    %dma_wait3A_91 = tpu.memref_slice %arg3[%dma_wait3A_86, %add3A_85] : memref<2x320000xi32, #tpu.memory_space<hbm>> -> memref<1x272xi32, #tpu.memory_space<hbm>>
    %dma_wait3A_92 = tpu.memref_squeeze %dma_wait3A_91 : memref<1x272xi32, #tpu.memory_space<hbm>> -> memref<272xi32, #tpu.memory_space<hbm>>
    %dma_wait3A_93 = arith.constant 0 : i32
    %dma_wait3A_94 = tpu.memref_slice %arg6[%dma_wait3A_87, %dma_wait3A_93] : memref<20x512xi32, #tpu.memory_space<vmem>> -> memref<1x272xi32, #tpu.memory_space<vmem>>
    %dma_wait3A_95 = tpu.memref_squeeze %dma_wait3A_94 : memref<1x272xi32, #tpu.memory_space<vmem>> -> memref<272xi32, #tpu.memory_space<vmem>>
    %dma_wait3A_96 = tpu.memref_slice %arg3[%dma_wait3A_86, %add3A_85] : memref<2x320000xi32, #tpu.memory_space<hbm>> -> memref<1x272xi32, #tpu.memory_space<hbm>>
    %dma_wait3A_97 = tpu.memref_squeeze %dma_wait3A_96 : memref<1x272xi32, #tpu.memory_space<hbm>> -> memref<272xi32, #tpu.memory_space<hbm>>
    tpu.wait_dma2 semaphore(%arg12 : memref<!tpu.dma_semaphore, #tpu.memory_space<semaphore_mem>>) src(%dma_wait3A_97 : memref<272xi32, #tpu.memory_space<hbm>>) dst(%dma_wait3A_95 : memref<272xi32, #tpu.memory_space<vmem>>)
    %mul3A_98 = arith.constant 632 : i32
    %mul3A_99 = arith.muli %arg1, %mul3A_98 : i32
    %mul3A_100 = arith.constant 632 : i32
    %mul3A_101 = arith.muli %arg1, %mul3A_100 : i32
    "tpu.region"() ({
      %run_scoped3A = tpu.sem_alloc : memref<!tpu.dma_semaphore, #tpu.memory_space<semaphore_mem>>
      %dma_start3A_145 = arith.constant 0 : i32
      %dma_start3A_146 = tpu.memref_slice %arg10[%mul3A_101, %dma_start3A_145] : memref<10112x16xf32, #tpu.memory_space<vmem_shared>> -> memref<632x16xf32, #tpu.memory_space<vmem_shared>>
      %dma_start3A_147 = arith.constant 0 : i32
      %dma_start3A_148 = tpu.memref_slice %arg2[%mul3A_99, %dma_start3A_147] : memref<10112x16xf32, #tpu.memory_space<hbm>> -> memref<632x16xf32, #tpu.memory_space<hbm>>
      tpu.enqueue_dma source(%dma_start3A_148 : memref<632x16xf32, #tpu.memory_space<hbm>>) target(%dma_start3A_146 : memref<632x16xf32, #tpu.memory_space<vmem_shared>>) target_semaphore(%run_scoped3A : memref<!tpu.dma_semaphore, #tpu.memory_space<semaphore_mem>>)
      %dma_wait3A_149 = arith.constant 0 : i32
      %dma_wait3A_150 = tpu.memref_slice %arg10[%mul3A_101, %dma_wait3A_149] : memref<10112x16xf32, #tpu.memory_space<vmem_shared>> -> memref<632x16xf32, #tpu.memory_space<vmem_shared>>
      %dma_wait3A_151 = arith.constant 0 : i32
      %dma_wait3A_152 = tpu.memref_slice %arg2[%mul3A_99, %dma_wait3A_151] : memref<10112x16xf32, #tpu.memory_space<hbm>> -> memref<632x16xf32, #tpu.memory_space<hbm>>
      tpu.wait_dma2 semaphore(%run_scoped3A : memref<!tpu.dma_semaphore, #tpu.memory_space<semaphore_mem>>) src(%dma_wait3A_152 : memref<632x16xf32, #tpu.memory_space<hbm>>) dst(%dma_wait3A_150 : memref<632x16xf32, #tpu.memory_space<vmem_shared>>)
      tpu.yield
    }) : () -> ()
    %scan3A_102 = arith.constant 0 : i32
    %scan3A_103 = arith.constant 0 : i32
    %scan3A_104 = arith.constant 632 : i32
    %scan3A_105 = arith.addi %scan3A_103, %scan3A_104 : i32
    %scan3A_106 = arith.constant 1 : i32
    scf.for %scan3A_145 = %scan3A_103 to %scan3A_105 step %scan3A_106  : i32 {
      %broadcast_in_dim3A_146 = arith.constant 0.000000e+00 : f32
      %broadcast_in_dim3A_147 = vector.broadcast %broadcast_in_dim3A_146 : f32 to vector<16xf32>
      %swap3A = arith.index_cast %scan3A_145 : i32 to index
      %swap3A_148 = arith.constant 0 : index
      %swap3A_149 = tpu.vector_load %arg8[%swap3A, %swap3A_148] {strides = array<i32>} : memref<632x16xf32, #tpu.memory_space<vmem>>, vector<1x16xf32>,
      %swap3A_150 = vector.shape_cast %swap3A_149 : vector<1x16xf32> to vector<16xf32>
      %swap3A_151 = vector.shape_cast %broadcast_in_dim3A_147 : vector<16xf32> to vector<1x16xf32>
      tpu.vector_store %arg8[%swap3A, %swap3A_148], %swap3A_151 {strides = array<i32>} : memref<632x16xf32, #tpu.memory_space<vmem>>, vector<1x16xf32>,
    }
    %scan3A_107 = arith.constant 632 : i32
    %mul3A_108 = arith.constant 632 : i32
    %mul3A_109 = arith.muli %arg1, %mul3A_108 : i32
    "tpu.region"() ({
      %run_scoped3A = tpu.sem_alloc : memref<!tpu.dma_semaphore, #tpu.memory_space<semaphore_mem>>
      %dma_start3A_145 = arith.constant 0 : i32
      %dma_start3A_146 = tpu.memref_slice %arg9[%mul3A_109, %dma_start3A_145] : memref<10112x16xf32, #tpu.memory_space<vmem_shared>> -> memref<632x16xf32, #tpu.memory_space<vmem_shared>>
      %dma_start3A_147 = arith.constant 0 : i32
      %dma_start3A_148 = tpu.memref_slice %arg9[%mul3A_109, %dma_start3A_147] : memref<10112x16xf32, #tpu.memory_space<vmem_shared>> -> memref<632x16xf32, #tpu.memory_space<vmem_shared>>
      tpu.enqueue_dma source(%arg8 : memref<632x16xf32, #tpu.memory_space<vmem>>) target(%dma_start3A_148 : memref<632x16xf32, #tpu.memory_space<vmem_shared>>) target_semaphore(%run_scoped3A : memref<!tpu.dma_semaphore, #tpu.memory_space<semaphore_mem>>)
      %dma_wait3A_149 = arith.constant 0 : i32
      %dma_wait3A_150 = tpu.memref_slice %arg9[%mul3A_109, %dma_wait3A_149] : memref<10112x16xf32, #tpu.memory_space<vmem_shared>> -> memref<632x16xf32, #tpu.memory_space<vmem_shared>>
      %dma_wait3A_151 = arith.constant 0 : i32
      %dma_wait3A_152 = tpu.memref_slice %arg9[%mul3A_109, %dma_wait3A_151] : memref<10112x16xf32, #tpu.memory_space<vmem_shared>> -> memref<632x16xf32, #tpu.memory_space<vmem_shared>>
      tpu.wait_dma2 semaphore(%run_scoped3A : memref<!tpu.dma_semaphore, #tpu.memory_space<semaphore_mem>>) src(%arg8 : memref<632x16xf32, #tpu.memory_space<vmem>>) dst(%dma_wait3A_152 : memref<632x16xf32, #tpu.memory_space<vmem_shared>>)
      tpu.yield
    }) : () -> ()
    %barrier3A = arith.constant 0 : index
    tpu.barrier barrier_id(%barrier3A)
    %dma_start3A_110 = arith.constant 0 : i32
    %dma_start3A_111 = arith.constant 0 : i32
    %dma_start3A_112 = arith.constant 0 : i32
    %dma_start3A_113 = arith.constant 0 : i32
    %dma_start3A_114 = tpu.memref_slice %arg7[%dma_start3A_111, %dma_start3A_112, %dma_start3A_113] : memref<2x512x16xf32, #tpu.memory_space<vmem>> -> memref<1x512x16xf32, #tpu.memory_space<vmem>>
    %dma_start3A_115 = tpu.memref_squeeze %dma_start3A_114 : memref<1x512x16xf32, #tpu.memory_space<vmem>> -> memref<512x16xf32, #tpu.memory_space<vmem>>
    %dma_start3A_116 = arith.constant 0 : i32
    %dma_start3A_117 = tpu.memref_slice %arg5[%dma_start3A_110, %dma_start3A_116] : memref<20x512xi32, #tpu.memory_space<vmem>> -> memref<1x512xi32, #tpu.memory_space<vmem>>
    %dma_start3A_118 = tpu.memref_squeeze %dma_start3A_117 : memref<1x512xi32, #tpu.memory_space<vmem>> -> memref<512xi32, #tpu.memory_space<vmem>>
    %dma_start3A_119 = arith.constant 0 : i32
    %dma_start3A_120 = arith.constant 0 : i32
    %dma_start3A_121 = tpu.memref_slice %arg10[%dma_start3A_119, %dma_start3A_120] : memref<10112x16xf32, #tpu.memory_space<vmem_shared>> -> memref<10112x16xf32, #tpu.memory_space<vmem_shared>>
    tpu.enqueue_indirect_dma source(%dma_start3A_121 : memref<10112x16xf32, #tpu.memory_space<vmem_shared>>) target(%dma_start3A_115 : memref<512x16xf32, #tpu.memory_space<vmem>>) offsets(%dma_start3A_118 : memref<512xi32, #tpu.memory_space<vmem>>) semaphore(%arg11 : memref<!tpu.dma_semaphore, #tpu.memory_space<semaphore_mem>>)
    %scan3A_122 = arith.constant 0 : i32
    %scan3A_123 = arith.constant 0 : i32
    %scan3A_124 = arith.constant 20 : i32
    %scan3A_125 = arith.addi %scan3A_123, %scan3A_124 : i32
    %scan3A_126 = arith.constant 1 : i32
    scf.for %scan3A_145 = %scan3A_123 to %scan3A_125 step %scan3A_126  : i32 {
      %rem3A = arith.constant 2 : i32
      %rem3A_146 = arith.remsi %scan3A_145, %rem3A : i32
      %ge3A = arith.constant 1 : i32
      %ge3A_147 = arith.cmpi sge, %scan3A_145, %ge3A : i32
      %convert_element_type3A = arith.extui %ge3A_147 : i1 to i32
      %cond3A = arith.constant 0 : i32
      %cond3A_148 = arith.cmpi ne, %convert_element_type3A, %cond3A : i32
      scf.if %cond3A_148 {
        %sub3A = arith.constant 1 : i32
        %sub3A_175 = arith.subi %sub3A, %rem3A_146 : i32
        %sub3A_176 = arith.constant 1 : i32
        %sub3A_177 = arith.subi %scan3A_145, %sub3A_176 : i32
        %dma_wait3A_178 = arith.constant 0 : i32
        %dma_wait3A_179 = arith.constant 0 : i32
        %dma_wait3A_180 = tpu.memref_slice %arg7[%sub3A_175, %dma_wait3A_178, %dma_wait3A_179] : memref<2x512x16xf32, #tpu.memory_space<vmem>> -> memref<1x512x16xf32, #tpu.memory_space<vmem>>
        %dma_wait3A_181 = tpu.memref_squeeze %dma_wait3A_180 : memref<1x512x16xf32, #tpu.memory_space<vmem>> -> memref<512x16xf32, #tpu.memory_space<vmem>>
        %dma_wait3A_182 = arith.constant 0 : i32
        %dma_wait3A_183 = tpu.memref_slice %arg6[%sub3A_177, %dma_wait3A_182] : memref<20x512xi32, #tpu.memory_space<vmem>> -> memref<1x512xi32, #tpu.memory_space<vmem>>
        %dma_wait3A_184 = tpu.memref_squeeze %dma_wait3A_183 : memref<1x512xi32, #tpu.memory_space<vmem>> -> memref<512xi32, #tpu.memory_space<vmem>>
        %dma_wait3A_185 = arith.constant 0 : i32
        %dma_wait3A_186 = arith.constant 0 : i32
        %dma_wait3A_187 = tpu.memref_slice %arg9[%dma_wait3A_185, %dma_wait3A_186] : memref<10112x16xf32, #tpu.memory_space<vmem_shared>> -> memref<10112x16xf32, #tpu.memory_space<vmem_shared>>
        tpu.wait_indirect_dma semaphore(%arg12 : memref<!tpu.dma_semaphore, #tpu.memory_space<semaphore_mem>>) src(%dma_wait3A_181 : memref<512x16xf32, #tpu.memory_space<vmem>>) dst(%dma_wait3A_187 : memref<10112x16xf32, #tpu.memory_space<vmem_shared>>)
      } else {
      }
      %add3A_149 = arith.constant 1 : i32
      %add3A_150 = arith.addi %scan3A_145, %add3A_149 : i32
      %lt3A = arith.constant 20 : i32
      %lt3A_151 = arith.cmpi slt, %add3A_150, %lt3A : i32
      %convert_element_type3A_152 = arith.extui %lt3A_151 : i1 to i32
      %cond3A_153 = arith.constant 0 : i32
      %cond3A_154 = arith.cmpi ne, %convert_element_type3A_152, %cond3A_153 : i32
      scf.if %cond3A_154 {
        %add3A_175 = arith.constant 1 : i32
        %add3A_176 = arith.addi %scan3A_145, %add3A_175 : i32
        %sub3A = arith.constant 1 : i32
        %sub3A_177 = arith.subi %sub3A, %rem3A_146 : i32
        %dma_start3A_178 = arith.constant 0 : i32
        %dma_start3A_179 = arith.constant 0 : i32
        %dma_start3A_180 = tpu.memref_slice %arg7[%sub3A_177, %dma_start3A_178, %dma_start3A_179] : memref<2x512x16xf32, #tpu.memory_space<vmem>> -> memref<1x512x16xf32, #tpu.memory_space<vmem>>
        %dma_start3A_181 = tpu.memref_squeeze %dma_start3A_180 : memref<1x512x16xf32, #tpu.memory_space<vmem>> -> memref<512x16xf32, #tpu.memory_space<vmem>>
        %dma_start3A_182 = arith.constant 0 : i32
        %dma_start3A_183 = tpu.memref_slice %arg5[%add3A_176, %dma_start3A_182] : memref<20x512xi32, #tpu.memory_space<vmem>> -> memref<1x512xi32, #tpu.memory_space<vmem>>
        %dma_start3A_184 = tpu.memref_squeeze %dma_start3A_183 : memref<1x512xi32, #tpu.memory_space<vmem>> -> memref<512xi32, #tpu.memory_space<vmem>>
        %dma_start3A_185 = arith.constant 0 : i32
        %dma_start3A_186 = arith.constant 0 : i32
        %dma_start3A_187 = tpu.memref_slice %arg10[%dma_start3A_185, %dma_start3A_186] : memref<10112x16xf32, #tpu.memory_space<vmem_shared>> -> memref<10112x16xf32, #tpu.memory_space<vmem_shared>>
        tpu.enqueue_indirect_dma source(%dma_start3A_187 : memref<10112x16xf32, #tpu.memory_space<vmem_shared>>) target(%dma_start3A_181 : memref<512x16xf32, #tpu.memory_space<vmem>>) offsets(%dma_start3A_184 : memref<512xi32, #tpu.memory_space<vmem>>) semaphore(%arg11 : memref<!tpu.dma_semaphore, #tpu.memory_space<semaphore_mem>>)
      } else {
      }
      %dma_wait3A_155 = arith.constant 0 : i32
      %dma_wait3A_156 = arith.constant 0 : i32
      %dma_wait3A_157 = tpu.memref_slice %arg7[%rem3A_146, %dma_wait3A_155, %dma_wait3A_156] : memref<2x512x16xf32, #tpu.memory_space<vmem>> -> memref<1x512x16xf32, #tpu.memory_space<vmem>>
      %dma_wait3A_158 = tpu.memref_squeeze %dma_wait3A_157 : memref<1x512x16xf32, #tpu.memory_space<vmem>> -> memref<512x16xf32, #tpu.memory_space<vmem>>
      %dma_wait3A_159 = arith.constant 0 : i32
      %dma_wait3A_160 = tpu.memref_slice %arg5[%scan3A_145, %dma_wait3A_159] : memref<20x512xi32, #tpu.memory_space<vmem>> -> memref<1x512xi32, #tpu.memory_space<vmem>>
      %dma_wait3A_161 = tpu.memref_squeeze %dma_wait3A_160 : memref<1x512xi32, #tpu.memory_space<vmem>> -> memref<512xi32, #tpu.memory_space<vmem>>
      %dma_wait3A_162 = arith.constant 0 : i32
      %dma_wait3A_163 = arith.constant 0 : i32
      %dma_wait3A_164 = tpu.memref_slice %arg10[%dma_wait3A_162, %dma_wait3A_163] : memref<10112x16xf32, #tpu.memory_space<vmem_shared>> -> memref<10112x16xf32, #tpu.memory_space<vmem_shared>>
      tpu.wait_indirect_dma semaphore(%arg11 : memref<!tpu.dma_semaphore, #tpu.memory_space<semaphore_mem>>) src(%dma_wait3A_164 : memref<10112x16xf32, #tpu.memory_space<vmem_shared>>) dst(%dma_wait3A_158 : memref<512x16xf32, #tpu.memory_space<vmem>>)
      %dma_start3A_165 = arith.constant 0 : i32
      %dma_start3A_166 = arith.constant 0 : i32
      %dma_start3A_167 = tpu.memref_slice %arg7[%rem3A_146, %dma_start3A_165, %dma_start3A_166] : memref<2x512x16xf32, #tpu.memory_space<vmem>> -> memref<1x512x16xf32, #tpu.memory_space<vmem>>
      %dma_start3A_168 = tpu.memref_squeeze %dma_start3A_167 : memref<1x512x16xf32, #tpu.memory_space<vmem>> -> memref<512x16xf32, #tpu.memory_space<vmem>>
      %dma_start3A_169 = arith.constant 0 : i32
      %dma_start3A_170 = tpu.memref_slice %arg6[%scan3A_145, %dma_start3A_169] : memref<20x512xi32, #tpu.memory_space<vmem>> -> memref<1x512xi32, #tpu.memory_space<vmem>>
      %dma_start3A_171 = tpu.memref_squeeze %dma_start3A_170 : memref<1x512xi32, #tpu.memory_space<vmem>> -> memref<512xi32, #tpu.memory_space<vmem>>
      %dma_start3A_172 = arith.constant 0 : i32
      %dma_start3A_173 = arith.constant 0 : i32
      %dma_start3A_174 = tpu.memref_slice %arg9[%dma_start3A_172, %dma_start3A_173] : memref<10112x16xf32, #tpu.memory_space<vmem_shared>> -> memref<10112x16xf32, #tpu.memory_space<vmem_shared>>
      tpu.enqueue_indirect_dma source(%dma_start3A_168 : memref<512x16xf32, #tpu.memory_space<vmem>>) target(%dma_start3A_174 : memref<10112x16xf32, #tpu.memory_space<vmem_shared>>) offsets(%dma_start3A_171 : memref<512xi32, #tpu.memory_space<vmem>>) semaphore(%arg12 : memref<!tpu.dma_semaphore, #tpu.memory_space<semaphore_mem>>) {add = true}
    }
    %scan3A_127 = arith.constant 20 : i32
    %dma_wait3A_128 = arith.constant 1 : i32
    %dma_wait3A_129 = arith.constant 19 : i32
    %dma_wait3A_130 = arith.constant 0 : i32
    %dma_wait3A_131 = arith.constant 0 : i32
    %dma_wait3A_132 = tpu.memref_slice %arg7[%dma_wait3A_128, %dma_wait3A_130, %dma_wait3A_131] : memref<2x512x16xf32, #tpu.memory_space<vmem>> -> memref<1x512x16xf32, #tpu.memory_space<vmem>>
    %dma_wait3A_133 = tpu.memref_squeeze %dma_wait3A_132 : memref<1x512x16xf32, #tpu.memory_space<vmem>> -> memref<512x16xf32, #tpu.memory_space<vmem>>
    %dma_wait3A_134 = arith.constant 0 : i32
    %dma_wait3A_135 = tpu.memref_slice %arg6[%dma_wait3A_129, %dma_wait3A_134] : memref<20x512xi32, #tpu.memory_space<vmem>> -> memref<1x512xi32, #tpu.memory_space<vmem>>
    %dma_wait3A_136 = tpu.memref_squeeze %dma_wait3A_135 : memref<1x512xi32, #tpu.memory_space<vmem>> -> memref<512xi32, #tpu.memory_space<vmem>>
    %dma_wait3A_137 = arith.constant 0 : i32
    %dma_wait3A_138 = arith.constant 0 : i32
    %dma_wait3A_139 = tpu.memref_slice %arg9[%dma_wait3A_137, %dma_wait3A_138] : memref<10112x16xf32, #tpu.memory_space<vmem_shared>> -> memref<10112x16xf32, #tpu.memory_space<vmem_shared>>
    tpu.wait_indirect_dma semaphore(%arg12 : memref<!tpu.dma_semaphore, #tpu.memory_space<semaphore_mem>>) src(%dma_wait3A_133 : memref<512x16xf32, #tpu.memory_space<vmem>>) dst(%dma_wait3A_139 : memref<10112x16xf32, #tpu.memory_space<vmem_shared>>)
    %barrier3A_140 = arith.constant 0 : index
    tpu.barrier barrier_id(%barrier3A_140)
    %mul3A_141 = arith.constant 632 : i32
    %mul3A_142 = arith.muli %arg1, %mul3A_141 : i32
    %mul3A_143 = arith.constant 632 : i32
    %mul3A_144 = arith.muli %arg1, %mul3A_143 : i32
    "tpu.region"() ({
      %run_scoped3A = tpu.sem_alloc : memref<!tpu.dma_semaphore, #tpu.memory_space<semaphore_mem>>
      %dma_start3A_145 = arith.constant 0 : i32
      %dma_start3A_146 = tpu.memref_slice %arg4[%arg0, %mul3A_144, %dma_start3A_145] : memref<2x10112x16xf32, #tpu.memory_space<hbm>> -> memref<1x632x16xf32, #tpu.memory_space<hbm>>
      %dma_start3A_147 = tpu.memref_squeeze %dma_start3A_146 : memref<1x632x16xf32, #tpu.memory_space<hbm>> -> memref<632x16xf32, #tpu.memory_space<hbm>>
      %dma_start3A_148 = arith.constant 0 : i32
      %dma_start3A_149 = tpu.memref_slice %arg9[%mul3A_142, %dma_start3A_148] : memref<10112x16xf32, #tpu.memory_space<vmem_shared>> -> memref<632x16xf32, #tpu.memory_space<vmem_shared>>
      tpu.enqueue_dma source(%dma_start3A_149 : memref<632x16xf32, #tpu.memory_space<vmem_shared>>) target(%dma_start3A_147 : memref<632x16xf32, #tpu.memory_space<hbm>>) target_semaphore(%run_scoped3A : memref<!tpu.dma_semaphore, #tpu.memory_space<semaphore_mem>>)
      %dma_wait3A_150 = arith.constant 0 : i32
      %dma_wait3A_151 = tpu.memref_slice %arg4[%arg0, %mul3A_144, %dma_wait3A_150] : memref<2x10112x16xf32, #tpu.memory_space<hbm>> -> memref<1x632x16xf32, #tpu.memory_space<hbm>>
      %dma_wait3A_152 = tpu.memref_squeeze %dma_wait3A_151 : memref<1x632x16xf32, #tpu.memory_space<hbm>> -> memref<632x16xf32, #tpu.memory_space<hbm>>
      %dma_wait3A_153 = arith.constant 0 : i32
      %dma_wait3A_154 = tpu.memref_slice %arg9[%mul3A_142, %dma_wait3A_153] : memref<10112x16xf32, #tpu.memory_space<vmem_shared>> -> memref<632x16xf32, #tpu.memory_space<vmem_shared>>
      tpu.wait_dma2 semaphore(%run_scoped3A : memref<!tpu.dma_semaphore, #tpu.memory_space<semaphore_mem>>) src(%dma_wait3A_154 : memref<632x16xf32, #tpu.memory_space<vmem_shared>>) dst(%dma_wait3A_152 : memref<632x16xf32, #tpu.memory_space<hbm>>)
      tpu.yield
    }) : () -> ()
    return
  }
}

#map = affine_map<(d0, d1) -> (0, 0)>
#map1 = affine_map<(d0, d1) -> (0, 0, 0)>
module attributes {stable_mosaic.version = 14 : i64} {
  func.func @_sc_deg(%arg0: i32, %arg1: i32, %arg2: memref<2x320000xi32, #tpu.memory_space<hbm>>, %arg3: memref<2x10112x16xf32, #tpu.memory_space<hbm>>, %arg4: memref<20x512xi32, #tpu.memory_space<vmem>>, %arg5: memref<512x16xf32, #tpu.memory_space<vmem>>, %arg6: memref<632x16xf32, #tpu.memory_space<vmem>>, %arg7: memref<10112x16xf32, #tpu.memory_space<vmem_shared>>, %arg8: memref<!tpu.dma_semaphore, #tpu.memory_space<semaphore_mem>>) attributes {dimension_semantics = [#tpu.dimension_semantics<core_parallel>, #tpu.dimension_semantics<subcore_parallel>], iteration_bounds = array<i64: 2, 16>, scalar_prefetch = 0 : i64, scratch_operands = 5 : i64, tpu.core_type = #tpu.core_type<sc_vector_subcore>, window_params = [{transform_indices = #map}, {transform_indices = #map1}]} {
    %mul3A = arith.constant 2 : i32
    %mul3A_0 = arith.muli %arg1, %mul3A : i32
    %add3A = arith.addi %mul3A_0, %arg0 : i32
    %mul3A_1 = arith.constant 10000 : i32
    %mul3A_2 = arith.muli %add3A, %mul3A_1 : i32
    %iota3A = tpu.iota {dimensions = array<i32: 0>} : vector<16xi32>
    %add3A_3 = arith.constant 10000 : i32
    %add3A_4 = vector.broadcast %add3A_3 : i32 to vector<16xi32>
    %add3A_5 = arith.addi %add3A_4, %iota3A : vector<16xi32>
    %scan3A = arith.constant 0 : i32
    %scan3A_6 = arith.constant 0 : i32
    %scan3A_7 = arith.constant 19 : i32
    %scan3A_8 = arith.addi %scan3A_6, %scan3A_7 : i32
    %scan3A_9 = arith.constant 1 : i32
    scf.for %scan3A_80 = %scan3A_6 to %scan3A_8 step %scan3A_9  : i32 {
      %mul3A_81 = arith.constant 512 : i32
      %mul3A_82 = arith.muli %scan3A_80, %mul3A_81 : i32
      %add3A_83 = arith.addi %mul3A_2, %mul3A_82 : i32
      %dma_start3A_84 = arith.constant 1 : i32
      %dma_start3A_85 = arith.constant 0 : i32
      %dma_start3A_86 = tpu.memref_slice %arg4[%scan3A_80, %dma_start3A_85] : memref<20x512xi32, #tpu.memory_space<vmem>> -> memref<1x512xi32, #tpu.memory_space<vmem>>
      %dma_start3A_87 = tpu.memref_squeeze %dma_start3A_86 : memref<1x512xi32, #tpu.memory_space<vmem>> -> memref<512xi32, #tpu.memory_space<vmem>>
      %dma_start3A_88 = tpu.memref_slice %arg2[%dma_start3A_84, %add3A_83] : memref<2x320000xi32, #tpu.memory_space<hbm>> -> memref<1x512xi32, #tpu.memory_space<hbm>>
      %dma_start3A_89 = tpu.memref_squeeze %dma_start3A_88 : memref<1x512xi32, #tpu.memory_space<hbm>> -> memref<512xi32, #tpu.memory_space<hbm>>
      %dma_start3A_90 = arith.constant 0 : i32
      %dma_start3A_91 = tpu.memref_slice %arg4[%scan3A_80, %dma_start3A_90] : memref<20x512xi32, #tpu.memory_space<vmem>> -> memref<1x512xi32, #tpu.memory_space<vmem>>
      %dma_start3A_92 = tpu.memref_squeeze %dma_start3A_91 : memref<1x512xi32, #tpu.memory_space<vmem>> -> memref<512xi32, #tpu.memory_space<vmem>>
      %dma_start3A_93 = tpu.memref_slice %arg2[%dma_start3A_84, %add3A_83] : memref<2x320000xi32, #tpu.memory_space<hbm>> -> memref<1x512xi32, #tpu.memory_space<hbm>>
      %dma_start3A_94 = tpu.memref_squeeze %dma_start3A_93 : memref<1x512xi32, #tpu.memory_space<hbm>> -> memref<512xi32, #tpu.memory_space<hbm>>
      tpu.enqueue_dma source(%dma_start3A_94 : memref<512xi32, #tpu.memory_space<hbm>>) target(%dma_start3A_92 : memref<512xi32, #tpu.memory_space<vmem>>) target_semaphore(%arg8 : memref<!tpu.dma_semaphore, #tpu.memory_space<semaphore_mem>>)
    }
    %scan3A_10 = arith.constant 19 : i32
    %add3A_11 = arith.constant 9728 : i32
    %add3A_12 = arith.addi %mul3A_2, %add3A_11 : i32
    %dma_start3A = arith.constant 1 : i32
    %dma_start3A_13 = arith.constant 19 : i32
    %dma_start3A_14 = arith.constant 0 : i32
    %dma_start3A_15 = tpu.memref_slice %arg4[%dma_start3A_13, %dma_start3A_14] : memref<20x512xi32, #tpu.memory_space<vmem>> -> memref<1x272xi32, #tpu.memory_space<vmem>>
    %dma_start3A_16 = tpu.memref_squeeze %dma_start3A_15 : memref<1x272xi32, #tpu.memory_space<vmem>> -> memref<272xi32, #tpu.memory_space<vmem>>
    %dma_start3A_17 = tpu.memref_slice %arg2[%dma_start3A, %add3A_12] : memref<2x320000xi32, #tpu.memory_space<hbm>> -> memref<1x272xi32, #tpu.memory_space<hbm>>
    %dma_start3A_18 = tpu.memref_squeeze %dma_start3A_17 : memref<1x272xi32, #tpu.memory_space<hbm>> -> memref<272xi32, #tpu.memory_space<hbm>>
    %dma_start3A_19 = arith.constant 0 : i32
    %dma_start3A_20 = tpu.memref_slice %arg4[%dma_start3A_13, %dma_start3A_19] : memref<20x512xi32, #tpu.memory_space<vmem>> -> memref<1x272xi32, #tpu.memory_space<vmem>>
    %dma_start3A_21 = tpu.memref_squeeze %dma_start3A_20 : memref<1x272xi32, #tpu.memory_space<vmem>> -> memref<272xi32, #tpu.memory_space<vmem>>
    %dma_start3A_22 = tpu.memref_slice %arg2[%dma_start3A, %add3A_12] : memref<2x320000xi32, #tpu.memory_space<hbm>> -> memref<1x272xi32, #tpu.memory_space<hbm>>
    %dma_start3A_23 = tpu.memref_squeeze %dma_start3A_22 : memref<1x272xi32, #tpu.memory_space<hbm>> -> memref<272xi32, #tpu.memory_space<hbm>>
    tpu.enqueue_dma source(%dma_start3A_23 : memref<272xi32, #tpu.memory_space<hbm>>) target(%dma_start3A_21 : memref<272xi32, #tpu.memory_space<vmem>>) target_semaphore(%arg8 : memref<!tpu.dma_semaphore, #tpu.memory_space<semaphore_mem>>)
    %scan3A_24 = arith.constant 0 : i32
    %scan3A_25 = arith.constant 0 : i32
    %scan3A_26 = arith.constant 15 : i32
    %scan3A_27 = arith.addi %scan3A_25, %scan3A_26 : i32
    %scan3A_28 = arith.constant 1 : i32
    scf.for %scan3A_80 = %scan3A_25 to %scan3A_27 step %scan3A_28  : i32 {
      %mul3A_81 = arith.constant 16 : i32
      %mul3A_82 = arith.muli %scan3A_80, %mul3A_81 : i32
      %add3A_83 = arith.constant 272 : i32
      %add3A_84 = arith.addi %add3A_83, %mul3A_82 : i32
      %swap3A = arith.constant 19 : i32
      %swap3A_85 = arith.index_cast %swap3A : i32 to index
      %swap3A_86 = arith.index_cast %add3A_84 : i32 to index
      %swap3A_87 = tpu.vector_load %arg4[%swap3A_85, %swap3A_86] {strides = array<i32>} : memref<20x512xi32, #tpu.memory_space<vmem>>, vector<1x16xi32>,
      %swap3A_88 = vector.shape_cast %swap3A_87 : vector<1x16xi32> to vector<16xi32>
      %swap3A_89 = vector.shape_cast %add3A_5 : vector<16xi32> to vector<1x16xi32>
      tpu.vector_store %arg4[%swap3A_85, %swap3A_86], %swap3A_89 {strides = array<i32>} : memref<20x512xi32, #tpu.memory_space<vmem>>, vector<1x16xi32>,
    }
    %scan3A_29 = arith.constant 15 : i32
    %scan3A_30 = arith.constant 0 : i32
    %scan3A_31 = arith.constant 0 : i32
    %scan3A_32 = arith.constant 19 : i32
    %scan3A_33 = arith.addi %scan3A_31, %scan3A_32 : i32
    %scan3A_34 = arith.constant 1 : i32
    scf.for %scan3A_80 = %scan3A_31 to %scan3A_33 step %scan3A_34  : i32 {
      %mul3A_81 = arith.constant 512 : i32
      %mul3A_82 = arith.muli %scan3A_80, %mul3A_81 : i32
      %add3A_83 = arith.addi %mul3A_2, %mul3A_82 : i32
      %dma_wait3A_84 = arith.constant 1 : i32
      %dma_wait3A_85 = arith.constant 0 : i32
      %dma_wait3A_86 = tpu.memref_slice %arg4[%scan3A_80, %dma_wait3A_85] : memref<20x512xi32, #tpu.memory_space<vmem>> -> memref<1x512xi32, #tpu.memory_space<vmem>>
      %dma_wait3A_87 = tpu.memref_squeeze %dma_wait3A_86 : memref<1x512xi32, #tpu.memory_space<vmem>> -> memref<512xi32, #tpu.memory_space<vmem>>
      %dma_wait3A_88 = tpu.memref_slice %arg2[%dma_wait3A_84, %add3A_83] : memref<2x320000xi32, #tpu.memory_space<hbm>> -> memref<1x512xi32, #tpu.memory_space<hbm>>
      %dma_wait3A_89 = tpu.memref_squeeze %dma_wait3A_88 : memref<1x512xi32, #tpu.memory_space<hbm>> -> memref<512xi32, #tpu.memory_space<hbm>>
      %dma_wait3A_90 = arith.constant 0 : i32
      %dma_wait3A_91 = tpu.memref_slice %arg4[%scan3A_80, %dma_wait3A_90] : memref<20x512xi32, #tpu.memory_space<vmem>> -> memref<1x512xi32, #tpu.memory_space<vmem>>
      %dma_wait3A_92 = tpu.memref_squeeze %dma_wait3A_91 : memref<1x512xi32, #tpu.memory_space<vmem>> -> memref<512xi32, #tpu.memory_space<vmem>>
      %dma_wait3A_93 = tpu.memref_slice %arg2[%dma_wait3A_84, %add3A_83] : memref<2x320000xi32, #tpu.memory_space<hbm>> -> memref<1x512xi32, #tpu.memory_space<hbm>>
      %dma_wait3A_94 = tpu.memref_squeeze %dma_wait3A_93 : memref<1x512xi32, #tpu.memory_space<hbm>> -> memref<512xi32, #tpu.memory_space<hbm>>
      tpu.wait_dma2 semaphore(%arg8 : memref<!tpu.dma_semaphore, #tpu.memory_space<semaphore_mem>>) src(%dma_wait3A_94 : memref<512xi32, #tpu.memory_space<hbm>>) dst(%dma_wait3A_92 : memref<512xi32, #tpu.memory_space<vmem>>)
    }
    %scan3A_35 = arith.constant 19 : i32
    %add3A_36 = arith.constant 9728 : i32
    %add3A_37 = arith.addi %mul3A_2, %add3A_36 : i32
    %dma_wait3A = arith.constant 1 : i32
    %dma_wait3A_38 = arith.constant 19 : i32
    %dma_wait3A_39 = arith.constant 0 : i32
    %dma_wait3A_40 = tpu.memref_slice %arg4[%dma_wait3A_38, %dma_wait3A_39] : memref<20x512xi32, #tpu.memory_space<vmem>> -> memref<1x272xi32, #tpu.memory_space<vmem>>
    %dma_wait3A_41 = tpu.memref_squeeze %dma_wait3A_40 : memref<1x272xi32, #tpu.memory_space<vmem>> -> memref<272xi32, #tpu.memory_space<vmem>>
    %dma_wait3A_42 = tpu.memref_slice %arg2[%dma_wait3A, %add3A_37] : memref<2x320000xi32, #tpu.memory_space<hbm>> -> memref<1x272xi32, #tpu.memory_space<hbm>>
    %dma_wait3A_43 = tpu.memref_squeeze %dma_wait3A_42 : memref<1x272xi32, #tpu.memory_space<hbm>> -> memref<272xi32, #tpu.memory_space<hbm>>
    %dma_wait3A_44 = arith.constant 0 : i32
    %dma_wait3A_45 = tpu.memref_slice %arg4[%dma_wait3A_38, %dma_wait3A_44] : memref<20x512xi32, #tpu.memory_space<vmem>> -> memref<1x272xi32, #tpu.memory_space<vmem>>
    %dma_wait3A_46 = tpu.memref_squeeze %dma_wait3A_45 : memref<1x272xi32, #tpu.memory_space<vmem>> -> memref<272xi32, #tpu.memory_space<vmem>>
    %dma_wait3A_47 = tpu.memref_slice %arg2[%dma_wait3A, %add3A_37] : memref<2x320000xi32, #tpu.memory_space<hbm>> -> memref<1x272xi32, #tpu.memory_space<hbm>>
    %dma_wait3A_48 = tpu.memref_squeeze %dma_wait3A_47 : memref<1x272xi32, #tpu.memory_space<hbm>> -> memref<272xi32, #tpu.memory_space<hbm>>
    tpu.wait_dma2 semaphore(%arg8 : memref<!tpu.dma_semaphore, #tpu.memory_space<semaphore_mem>>) src(%dma_wait3A_48 : memref<272xi32, #tpu.memory_space<hbm>>) dst(%dma_wait3A_46 : memref<272xi32, #tpu.memory_space<vmem>>)
    %scan3A_49 = arith.constant 0 : i32
    %scan3A_50 = arith.constant 0 : i32
    %scan3A_51 = arith.constant 512 : i32
    %scan3A_52 = arith.addi %scan3A_50, %scan3A_51 : i32
    %scan3A_53 = arith.constant 1 : i32
    scf.for %scan3A_80 = %scan3A_50 to %scan3A_52 step %scan3A_53  : i32 {
      %broadcast_in_dim3A = arith.constant 1.000000e+00 : f32
      %broadcast_in_dim3A_81 = vector.broadcast %broadcast_in_dim3A : f32 to vector<16xf32>
      %swap3A = arith.index_cast %scan3A_80 : i32 to index
      %swap3A_82 = arith.constant 0 : index
      %swap3A_83 = tpu.vector_load %arg5[%swap3A, %swap3A_82] {strides = array<i32>} : memref<512x16xf32, #tpu.memory_space<vmem>>, vector<1x16xf32>,
      %swap3A_84 = vector.shape_cast %swap3A_83 : vector<1x16xf32> to vector<16xf32>
      %swap3A_85 = vector.shape_cast %broadcast_in_dim3A_81 : vector<16xf32> to vector<1x16xf32>
      tpu.vector_store %arg5[%swap3A, %swap3A_82], %swap3A_85 {strides = array<i32>} : memref<512x16xf32, #tpu.memory_space<vmem>>, vector<1x16xf32>,
    }
    %scan3A_54 = arith.constant 512 : i32
    %scan3A_55 = arith.constant 0 : i32
    %scan3A_56 = arith.constant 0 : i32
    %scan3A_57 = arith.constant 632 : i32
    %scan3A_58 = arith.addi %scan3A_56, %scan3A_57 : i32
    %scan3A_59 = arith.constant 1 : i32
    scf.for %scan3A_80 = %scan3A_56 to %scan3A_58 step %scan3A_59  : i32 {
      %broadcast_in_dim3A = arith.constant 0.000000e+00 : f32
      %broadcast_in_dim3A_81 = vector.broadcast %broadcast_in_dim3A : f32 to vector<16xf32>
      %swap3A = arith.index_cast %scan3A_80 : i32 to index
      %swap3A_82 = arith.constant 0 : index
      %swap3A_83 = tpu.vector_load %arg6[%swap3A, %swap3A_82] {strides = array<i32>} : memref<632x16xf32, #tpu.memory_space<vmem>>, vector<1x16xf32>,
      %swap3A_84 = vector.shape_cast %swap3A_83 : vector<1x16xf32> to vector<16xf32>
      %swap3A_85 = vector.shape_cast %broadcast_in_dim3A_81 : vector<16xf32> to vector<1x16xf32>
      tpu.vector_store %arg6[%swap3A, %swap3A_82], %swap3A_85 {strides = array<i32>} : memref<632x16xf32, #tpu.memory_space<vmem>>, vector<1x16xf32>,
    }
    %scan3A_60 = arith.constant 632 : i32
    %mul3A_61 = arith.constant 632 : i32
    %mul3A_62 = arith.muli %arg1, %mul3A_61 : i32
    "tpu.region"() ({
      %run_scoped3A = tpu.sem_alloc : memref<!tpu.dma_semaphore, #tpu.memory_space<semaphore_mem>>
      %dma_start3A_80 = arith.constant 0 : i32
      %dma_start3A_81 = tpu.memref_slice %arg7[%mul3A_62, %dma_start3A_80] : memref<10112x16xf32, #tpu.memory_space<vmem_shared>> -> memref<632x16xf32, #tpu.memory_space<vmem_shared>>
      %dma_start3A_82 = arith.constant 0 : i32
      %dma_start3A_83 = tpu.memref_slice %arg7[%mul3A_62, %dma_start3A_82] : memref<10112x16xf32, #tpu.memory_space<vmem_shared>> -> memref<632x16xf32, #tpu.memory_space<vmem_shared>>
      tpu.enqueue_dma source(%arg6 : memref<632x16xf32, #tpu.memory_space<vmem>>) target(%dma_start3A_83 : memref<632x16xf32, #tpu.memory_space<vmem_shared>>) target_semaphore(%run_scoped3A : memref<!tpu.dma_semaphore, #tpu.memory_space<semaphore_mem>>)
      %dma_wait3A_84 = arith.constant 0 : i32
      %dma_wait3A_85 = tpu.memref_slice %arg7[%mul3A_62, %dma_wait3A_84] : memref<10112x16xf32, #tpu.memory_space<vmem_shared>> -> memref<632x16xf32, #tpu.memory_space<vmem_shared>>
      %dma_wait3A_86 = arith.constant 0 : i32
      %dma_wait3A_87 = tpu.memref_slice %arg7[%mul3A_62, %dma_wait3A_86] : memref<10112x16xf32, #tpu.memory_space<vmem_shared>> -> memref<632x16xf32, #tpu.memory_space<vmem_shared>>
      tpu.wait_dma2 semaphore(%run_scoped3A : memref<!tpu.dma_semaphore, #tpu.memory_space<semaphore_mem>>) src(%arg6 : memref<632x16xf32, #tpu.memory_space<vmem>>) dst(%dma_wait3A_87 : memref<632x16xf32, #tpu.memory_space<vmem_shared>>)
      tpu.yield
    }) : () -> ()
    %barrier3A = arith.constant 0 : index
    tpu.barrier barrier_id(%barrier3A)
    %scan3A_63 = arith.constant 0 : i32
    %scan3A_64 = arith.constant 0 : i32
    %scan3A_65 = arith.constant 20 : i32
    %scan3A_66 = arith.addi %scan3A_64, %scan3A_65 : i32
    %scan3A_67 = arith.constant 1 : i32
    scf.for %scan3A_80 = %scan3A_64 to %scan3A_66 step %scan3A_67  : i32 {
      %dma_start3A_81 = arith.constant 0 : i32
      %dma_start3A_82 = tpu.memref_slice %arg4[%scan3A_80, %dma_start3A_81] : memref<20x512xi32, #tpu.memory_space<vmem>> -> memref<1x512xi32, #tpu.memory_space<vmem>>
      %dma_start3A_83 = tpu.memref_squeeze %dma_start3A_82 : memref<1x512xi32, #tpu.memory_space<vmem>> -> memref<512xi32, #tpu.memory_space<vmem>>
      %dma_start3A_84 = arith.constant 0 : i32
      %dma_start3A_85 = arith.constant 0 : i32
      %dma_start3A_86 = tpu.memref_slice %arg7[%dma_start3A_84, %dma_start3A_85] : memref<10112x16xf32, #tpu.memory_space<vmem_shared>> -> memref<10112x16xf32, #tpu.memory_space<vmem_shared>>
      tpu.enqueue_indirect_dma source(%arg5 : memref<512x16xf32, #tpu.memory_space<vmem>>) target(%dma_start3A_86 : memref<10112x16xf32, #tpu.memory_space<vmem_shared>>) offsets(%dma_start3A_83 : memref<512xi32, #tpu.memory_space<vmem>>) semaphore(%arg8 : memref<!tpu.dma_semaphore, #tpu.memory_space<semaphore_mem>>) {add = true}
    }
    %scan3A_68 = arith.constant 20 : i32
    %scan3A_69 = arith.constant 0 : i32
    %scan3A_70 = arith.constant 0 : i32
    %scan3A_71 = arith.constant 20 : i32
    %scan3A_72 = arith.addi %scan3A_70, %scan3A_71 : i32
    %scan3A_73 = arith.constant 1 : i32
    scf.for %scan3A_80 = %scan3A_70 to %scan3A_72 step %scan3A_73  : i32 {
      %dma_wait3A_81 = arith.constant 0 : i32
      %dma_wait3A_82 = tpu.memref_slice %arg4[%scan3A_80, %dma_wait3A_81] : memref<20x512xi32, #tpu.memory_space<vmem>> -> memref<1x512xi32, #tpu.memory_space<vmem>>
      %dma_wait3A_83 = tpu.memref_squeeze %dma_wait3A_82 : memref<1x512xi32, #tpu.memory_space<vmem>> -> memref<512xi32, #tpu.memory_space<vmem>>
      %dma_wait3A_84 = arith.constant 0 : i32
      %dma_wait3A_85 = arith.constant 0 : i32
      %dma_wait3A_86 = tpu.memref_slice %arg7[%dma_wait3A_84, %dma_wait3A_85] : memref<10112x16xf32, #tpu.memory_space<vmem_shared>> -> memref<10112x16xf32, #tpu.memory_space<vmem_shared>>
      tpu.wait_indirect_dma semaphore(%arg8 : memref<!tpu.dma_semaphore, #tpu.memory_space<semaphore_mem>>) src(%arg5 : memref<512x16xf32, #tpu.memory_space<vmem>>) dst(%dma_wait3A_86 : memref<10112x16xf32, #tpu.memory_space<vmem_shared>>)
    }
    %scan3A_74 = arith.constant 20 : i32
    %barrier3A_75 = arith.constant 0 : index
    tpu.barrier barrier_id(%barrier3A_75)
    %mul3A_76 = arith.constant 632 : i32
    %mul3A_77 = arith.muli %arg1, %mul3A_76 : i32
    %mul3A_78 = arith.constant 632 : i32
    %mul3A_79 = arith.muli %arg1, %mul3A_78 : i32
    "tpu.region"() ({
      %run_scoped3A = tpu.sem_alloc : memref<!tpu.dma_semaphore, #tpu.memory_space<semaphore_mem>>
      %dma_start3A_80 = arith.constant 0 : i32
      %dma_start3A_81 = tpu.memref_slice %arg3[%arg0, %mul3A_79, %dma_start3A_80] : memref<2x10112x16xf32, #tpu.memory_space<hbm>> -> memref<1x632x16xf32, #tpu.memory_space<hbm>>
      %dma_start3A_82 = tpu.memref_squeeze %dma_start3A_81 : memref<1x632x16xf32, #tpu.memory_space<hbm>> -> memref<632x16xf32, #tpu.memory_space<hbm>>
      %dma_start3A_83 = arith.constant 0 : i32
      %dma_start3A_84 = tpu.memref_slice %arg7[%mul3A_77, %dma_start3A_83] : memref<10112x16xf32, #tpu.memory_space<vmem_shared>> -> memref<632x16xf32, #tpu.memory_space<vmem_shared>>
      tpu.enqueue_dma source(%dma_start3A_84 : memref<632x16xf32, #tpu.memory_space<vmem_shared>>) target(%dma_start3A_82 : memref<632x16xf32, #tpu.memory_space<hbm>>) target_semaphore(%run_scoped3A : memref<!tpu.dma_semaphore, #tpu.memory_space<semaphore_mem>>)
      %dma_wait3A_85 = arith.constant 0 : i32
      %dma_wait3A_86 = tpu.memref_slice %arg3[%arg0, %mul3A_79, %dma_wait3A_85] : memref<2x10112x16xf32, #tpu.memory_space<hbm>> -> memref<1x632x16xf32, #tpu.memory_space<hbm>>
      %dma_wait3A_87 = tpu.memref_squeeze %dma_wait3A_86 : memref<1x632x16xf32, #tpu.memory_space<hbm>> -> memref<632x16xf32, #tpu.memory_space<hbm>>
      %dma_wait3A_88 = arith.constant 0 : i32
      %dma_wait3A_89 = tpu.memref_slice %arg7[%mul3A_77, %dma_wait3A_88] : memref<10112x16xf32, #tpu.memory_space<vmem_shared>> -> memref<632x16xf32, #tpu.memory_space<vmem_shared>>
      tpu.wait_dma2 semaphore(%run_scoped3A : memref<!tpu.dma_semaphore, #tpu.memory_space<semaphore_mem>>) src(%dma_wait3A_89 : memref<632x16xf32, #tpu.memory_space<vmem_shared>>) dst(%dma_wait3A_87 : memref<632x16xf32, #tpu.memory_space<hbm>>)
      tpu.yield
    }) : () -> ()
    return
  }
}

module attributes {stable_mosaic.version = 14 : i64} {
  func.func @_tc1_body(%arg0: memref<1250x8x128xf32, #tpu.memory_space<vmem>>, %arg1: memref<128x16xf32, #tpu.memory_space<vmem>>, %arg2: memref<2x1264x128xf32, #tpu.memory_space<vmem>>, %arg3: memref<1264x128xf32, #tpu.memory_space<vmem>>, %arg4: memref<1264x128xf32, #tpu.memory_space<vmem>>) attributes {dimension_semantics = [], scalar_prefetch = 0 : i64, scratch_operands = 0 : i64, tpu.core_type = #tpu.core_type<tc>} {
    %get3A = arith.constant 0 : index
    %get3A_0 = arith.constant 0 : index
    %get3A_1 = arith.constant 0 : index
    %get3A_2 = vector.load %arg2[%get3A, %get3A_0, %get3A_1] : memref<2x1264x128xf32, #tpu.memory_space<vmem>>, vector<1x1264x128xf32>
    %get3A_3 = vector.shape_cast %get3A_2 : vector<1x1264x128xf32> to vector<1264x128xf32>
    %get3A_4 = arith.constant 1 : index
    %get3A_5 = arith.constant 0 : index
    %get3A_6 = arith.constant 0 : index
    %get3A_7 = vector.load %arg2[%get3A_4, %get3A_5, %get3A_6] : memref<2x1264x128xf32, #tpu.memory_space<vmem>>, vector<1x1264x128xf32>
    %get3A_8 = vector.shape_cast %get3A_7 : vector<1x1264x128xf32> to vector<1264x128xf32>
    %add3A = arith.addf %get3A_3, %get3A_8 : vector<1264x128xf32>
    %add3A_9 = arith.constant 1.000000e+00 : f32
    %add3A_10 = vector.broadcast %add3A_9 : f32 to vector<1264x128xf32>
    %add3A_11 = arith.addf %add3A, %add3A_10 : vector<1264x128xf32>
    %rsqrt3A = math.rsqrt %add3A_11 : vector<1264x128xf32>
    %get3A_12 = arith.constant 0 : index
    %get3A_13 = arith.constant 0 : index
    %get3A_14 = vector.load %arg1[%get3A_12, %get3A_13] : memref<128x16xf32, #tpu.memory_space<vmem>>, vector<128x16xf32>
    %get3A_15 = arith.constant 0 : index
    %get3A_16 = arith.constant 0 : index
    %get3A_17 = arith.constant 0 : index
    %get3A_18 = vector.load %arg0[%get3A_15, %get3A_16, %get3A_17] : memref<1250x8x128xf32, #tpu.memory_space<vmem>>, vector<1250x1x128xf32>
    %get3A_19 = vector.shape_cast %get3A_18 : vector<1250x1x128xf32> to vector<1250x128xf32>
    %dot_general3A = arith.constant dense<0.000000e+00> : vector<1250x16xf32>
    %dot_general3A_20 = tpu.matmul %get3A_19, %get3A_14, %dot_general3A {dimension_numbers = #tpu.dot_dimension_numbers<[1], [0], [0], [1], [0, 0, 1, 1], [], []>, transpose_lhs_hint = false} : vector<1250x128xf32>, vector<128x16xf32>, vector<1250x16xf32> -> vector<1250x16xf32>
    %get3A_21 = arith.constant 0 : index
    %get3A_22 = arith.constant 1 : index
    %get3A_23 = arith.constant 0 : index
    %get3A_24 = vector.load %arg0[%get3A_21, %get3A_22, %get3A_23] : memref<1250x8x128xf32, #tpu.memory_space<vmem>>, vector<1250x1x128xf32>
    %get3A_25 = vector.shape_cast %get3A_24 : vector<1250x1x128xf32> to vector<1250x128xf32>
    %dot_general3A_26 = arith.constant dense<0.000000e+00> : vector<1250x16xf32>
    %dot_general3A_27 = tpu.matmul %get3A_25, %get3A_14, %dot_general3A_26 {dimension_numbers = #tpu.dot_dimension_numbers<[1], [0], [0], [1], [0, 0, 1, 1], [], []>, transpose_lhs_hint = false} : vector<1250x128xf32>, vector<128x16xf32>, vector<1250x16xf32> -> vector<1250x16xf32>
    %get3A_28 = arith.constant 0 : index
    %get3A_29 = arith.constant 2 : index
    %get3A_30 = arith.constant 0 : index
    %get3A_31 = vector.load %arg0[%get3A_28, %get3A_29, %get3A_30] : memref<1250x8x128xf32, #tpu.memory_space<vmem>>, vector<1250x1x128xf32>
    %get3A_32 = vector.shape_cast %get3A_31 : vector<1250x1x128xf32> to vector<1250x128xf32>
    %dot_general3A_33 = arith.constant dense<0.000000e+00> : vector<1250x16xf32>
    %dot_general3A_34 = tpu.matmul %get3A_32, %get3A_14, %dot_general3A_33 {dimension_numbers = #tpu.dot_dimension_numbers<[1], [0], [0], [1], [0, 0, 1, 1], [], []>, transpose_lhs_hint = false} : vector<1250x128xf32>, vector<128x16xf32>, vector<1250x16xf32> -> vector<1250x16xf32>
    %get3A_35 = arith.constant 0 : index
    %get3A_36 = arith.constant 3 : index
    %get3A_37 = arith.constant 0 : index
    %get3A_38 = vector.load %arg0[%get3A_35, %get3A_36, %get3A_37] : memref<1250x8x128xf32, #tpu.memory_space<vmem>>, vector<1250x1x128xf32>
    %get3A_39 = vector.shape_cast %get3A_38 : vector<1250x1x128xf32> to vector<1250x128xf32>
    %dot_general3A_40 = arith.constant dense<0.000000e+00> : vector<1250x16xf32>
    %dot_general3A_41 = tpu.matmul %get3A_39, %get3A_14, %dot_general3A_40 {dimension_numbers = #tpu.dot_dimension_numbers<[1], [0], [0], [1], [0, 0, 1, 1], [], []>, transpose_lhs_hint = false} : vector<1250x128xf32>, vector<128x16xf32>, vector<1250x16xf32> -> vector<1250x16xf32>
    %get3A_42 = arith.constant 0 : index
    %get3A_43 = arith.constant 4 : index
    %get3A_44 = arith.constant 0 : index
    %get3A_45 = vector.load %arg0[%get3A_42, %get3A_43, %get3A_44] : memref<1250x8x128xf32, #tpu.memory_space<vmem>>, vector<1250x1x128xf32>
    %get3A_46 = vector.shape_cast %get3A_45 : vector<1250x1x128xf32> to vector<1250x128xf32>
    %dot_general3A_47 = arith.constant dense<0.000000e+00> : vector<1250x16xf32>
    %dot_general3A_48 = tpu.matmul %get3A_46, %get3A_14, %dot_general3A_47 {dimension_numbers = #tpu.dot_dimension_numbers<[1], [0], [0], [1], [0, 0, 1, 1], [], []>, transpose_lhs_hint = false} : vector<1250x128xf32>, vector<128x16xf32>, vector<1250x16xf32> -> vector<1250x16xf32>
    %get3A_49 = arith.constant 0 : index
    %get3A_50 = arith.constant 5 : index
    %get3A_51 = arith.constant 0 : index
    %get3A_52 = vector.load %arg0[%get3A_49, %get3A_50, %get3A_51] : memref<1250x8x128xf32, #tpu.memory_space<vmem>>, vector<1250x1x128xf32>
    %get3A_53 = vector.shape_cast %get3A_52 : vector<1250x1x128xf32> to vector<1250x128xf32>
    %dot_general3A_54 = arith.constant dense<0.000000e+00> : vector<1250x16xf32>
    %dot_general3A_55 = tpu.matmul %get3A_53, %get3A_14, %dot_general3A_54 {dimension_numbers = #tpu.dot_dimension_numbers<[1], [0], [0], [1], [0, 0, 1, 1], [], []>, transpose_lhs_hint = false} : vector<1250x128xf32>, vector<128x16xf32>, vector<1250x16xf32> -> vector<1250x16xf32>
    %get3A_56 = arith.constant 0 : index
    %get3A_57 = arith.constant 6 : index
    %get3A_58 = arith.constant 0 : index
    %get3A_59 = vector.load %arg0[%get3A_56, %get3A_57, %get3A_58] : memref<1250x8x128xf32, #tpu.memory_space<vmem>>, vector<1250x1x128xf32>
    %get3A_60 = vector.shape_cast %get3A_59 : vector<1250x1x128xf32> to vector<1250x128xf32>
    %dot_general3A_61 = arith.constant dense<0.000000e+00> : vector<1250x16xf32>
    %dot_general3A_62 = tpu.matmul %get3A_60, %get3A_14, %dot_general3A_61 {dimension_numbers = #tpu.dot_dimension_numbers<[1], [0], [0], [1], [0, 0, 1, 1], [], []>, transpose_lhs_hint = false} : vector<1250x128xf32>, vector<128x16xf32>, vector<1250x16xf32> -> vector<1250x16xf32>
    %get3A_63 = arith.constant 0 : index
    %get3A_64 = arith.constant 7 : index
    %get3A_65 = arith.constant 0 : index
    %get3A_66 = vector.load %arg0[%get3A_63, %get3A_64, %get3A_65] : memref<1250x8x128xf32, #tpu.memory_space<vmem>>, vector<1250x1x128xf32>
    %get3A_67 = vector.shape_cast %get3A_66 : vector<1250x1x128xf32> to vector<1250x128xf32>
    %dot_general3A_68 = arith.constant dense<0.000000e+00> : vector<1250x16xf32>
    %dot_general3A_69 = tpu.matmul %get3A_67, %get3A_14, %dot_general3A_68 {dimension_numbers = #tpu.dot_dimension_numbers<[1], [0], [0], [1], [0, 0, 1, 1], [], []>, transpose_lhs_hint = false} : vector<1250x128xf32>, vector<128x16xf32>, vector<1250x16xf32> -> vector<1250x16xf32>
    %concatenate3A = tpu.concatenate %dot_general3A_20, %dot_general3A_27, %dot_general3A_34, %dot_general3A_41, %dot_general3A_48, %dot_general3A_55, %dot_general3A_62, %dot_general3A_69 in 1 : vector<1250x16xf32>, vector<1250x16xf32>, vector<1250x16xf32>, vector<1250x16xf32>, vector<1250x16xf32>, vector<1250x16xf32>, vector<1250x16xf32>, vector<1250x16xf32> -> vector<1250x128xf32>
    %broadcast_in_dim3A = arith.constant 0.000000e+00 : f32
    %broadcast_in_dim3A_70 = vector.broadcast %broadcast_in_dim3A : f32 to vector<14x128xf32>
    %concatenate3A_71 = tpu.concatenate %concatenate3A, %broadcast_in_dim3A_70 in 0 : vector<1250x128xf32>, vector<14x128xf32> -> vector<1264x128xf32>
    %mul3A = arith.mulf %concatenate3A_71, %rsqrt3A : vector<1264x128xf32>
    %swap3A = arith.constant 0 : index
    %swap3A_72 = arith.constant 0 : index
    %swap3A_73 = vector.load %arg3[%swap3A, %swap3A_72] : memref<1264x128xf32, #tpu.memory_space<vmem>>, vector<1264x128xf32>
    tpu.vector_store %arg3[%swap3A, %swap3A_72], %mul3A {strides = array<i32>} : memref<1264x128xf32, #tpu.memory_space<vmem>>, vector<1264x128xf32>,
    %swap3A_74 = arith.constant 0 : index
    %swap3A_75 = arith.constant 0 : index
    %swap3A_76 = vector.load %arg4[%swap3A_74, %swap3A_75] : memref<1264x128xf32, #tpu.memory_space<vmem>>, vector<1264x128xf32>
    tpu.vector_store %arg4[%swap3A_74, %swap3A_75], %rsqrt3A {strides = array<i32>} : memref<1264x128xf32, #tpu.memory_space<vmem>>, vector<1264x128xf32>,
    return
  }
}

module attributes {stable_mosaic.version = 14 : i64} {
  func.func @_tc2_body(%arg0: memref<2x1264x128xf32, #tpu.memory_space<vmem>>, %arg1: memref<1264x128xf32, #tpu.memory_space<vmem>>, %arg2: memref<1264x128xf32, #tpu.memory_space<vmem>>, %arg3: memref<1x128xf32, #tpu.memory_space<vmem>>, %arg4: memref<16x16xf32, #tpu.memory_space<vmem>>, %arg5: memref<1264x128xf32, #tpu.memory_space<vmem>>) attributes {dimension_semantics = [], scalar_prefetch = 0 : i64, scratch_operands = 0 : i64, tpu.core_type = #tpu.core_type<tc>} {
    %get3A = arith.constant 0 : index
    %get3A_0 = arith.constant 0 : index
    %get3A_1 = vector.load %arg2[%get3A, %get3A_0] : memref<1264x128xf32, #tpu.memory_space<vmem>>, vector<1264x128xf32>
    %get3A_2 = arith.constant 0 : index
    %get3A_3 = arith.constant 0 : index
    %get3A_4 = arith.constant 0 : index
    %get3A_5 = vector.load %arg0[%get3A_2, %get3A_3, %get3A_4] : memref<2x1264x128xf32, #tpu.memory_space<vmem>>, vector<1x1264x128xf32>
    %get3A_6 = vector.shape_cast %get3A_5 : vector<1x1264x128xf32> to vector<1264x128xf32>
    %get3A_7 = arith.constant 1 : index
    %get3A_8 = arith.constant 0 : index
    %get3A_9 = arith.constant 0 : index
    %get3A_10 = vector.load %arg0[%get3A_7, %get3A_8, %get3A_9] : memref<2x1264x128xf32, #tpu.memory_space<vmem>>, vector<1x1264x128xf32>
    %get3A_11 = vector.shape_cast %get3A_10 : vector<1x1264x128xf32> to vector<1264x128xf32>
    %add3A = arith.addf %get3A_6, %get3A_11 : vector<1264x128xf32>
    %get3A_12 = arith.constant 0 : index
    %get3A_13 = arith.constant 0 : index
    %get3A_14 = vector.load %arg1[%get3A_12, %get3A_13] : memref<1264x128xf32, #tpu.memory_space<vmem>>, vector<1264x128xf32>
    %add3A_15 = arith.addf %add3A, %get3A_14 : vector<1264x128xf32>
    %mul3A = arith.mulf %get3A_1, %add3A_15 : vector<1264x128xf32>
    %get3A_16 = arith.constant 0 : index
    %get3A_17 = arith.constant 0 : index
    %get3A_18 = vector.load %arg3[%get3A_16, %get3A_17] : memref<1x128xf32, #tpu.memory_space<vmem>>, vector<1x128xf32>
    %add3A_19 = vector.broadcast %get3A_18 : vector<1x128xf32> to vector<1264x128xf32>
    %add3A_20 = arith.addf %mul3A, %add3A_19 : vector<1264x128xf32>
    %max3A = arith.constant 0.000000e+00 : f32
    %max3A_21 = vector.broadcast %max3A : f32 to vector<1264x128xf32>
    %max3A_22 = arith.maximumf %add3A_20, %max3A_21 : vector<1264x128xf32>
    %get3A_23 = arith.constant 0 : index
    %get3A_24 = arith.constant 0 : index
    %get3A_25 = vector.load %arg4[%get3A_23, %get3A_24] : memref<16x16xf32, #tpu.memory_space<vmem>>, vector<16x16xf32>
    %tile3A = tpu.concatenate %get3A_25, %get3A_25, %get3A_25, %get3A_25, %get3A_25, %get3A_25, %get3A_25, %get3A_25 in 0 : vector<16x16xf32>, vector<16x16xf32>, vector<16x16xf32>, vector<16x16xf32>, vector<16x16xf32>, vector<16x16xf32>, vector<16x16xf32>, vector<16x16xf32> -> vector<128x16xf32>
    %tile3A_26 = tpu.concatenate %tile3A, %tile3A, %tile3A, %tile3A, %tile3A, %tile3A, %tile3A, %tile3A in 1 : vector<128x16xf32>, vector<128x16xf32>, vector<128x16xf32>, vector<128x16xf32>, vector<128x16xf32>, vector<128x16xf32>, vector<128x16xf32>, vector<128x16xf32> -> vector<128x128xf32>
    %iota3A = tpu.iota {dimensions = array<i32: 0>} : vector<128x128xi32>
    %iota3A_27 = tpu.iota {dimensions = array<i32: 1>} : vector<128x128xi32>
    %jit3A = arith.constant 16 : i32
    %div3A = vector.broadcast %jit3A : i32 to vector<128x128xi32>
    %div3A_28 = arith.divsi %iota3A_27, %div3A : vector<128x128xi32>
    %sign3A = arith.constant 0 : i32
    %sign3A_29 = vector.broadcast %sign3A : i32 to vector<128x128xi32>
    %sign3A_30 = arith.cmpi sgt, %iota3A_27, %sign3A_29 : vector<128x128xi32>
    %sign3A_31 = arith.extui %sign3A_30 : vector<128x128xi1> to vector<128x128xi32>
    %sign3A_32 = arith.constant 0 : i32
    %sign3A_33 = vector.broadcast %sign3A_32 : i32 to vector<128x128xi32>
    %sign3A_34 = arith.cmpi slt, %iota3A_27, %sign3A_33 : vector<128x128xi32>
    %sign3A_35 = arith.extui %sign3A_34 : vector<128x128xi1> to vector<128x128xi32>
    %sign3A_36 = arith.subi %sign3A_31, %sign3A_35 : vector<128x128xi32>
    %sign3A_37 = arith.constant 0 : i32
    %sign3A_38 = arith.cmpi sgt, %jit3A, %sign3A_37 : i32
    %sign3A_39 = arith.extui %sign3A_38 : i1 to i32
    %sign3A_40 = arith.constant 0 : i32
    %sign3A_41 = arith.cmpi slt, %jit3A, %sign3A_40 : i32
    %sign3A_42 = arith.extui %sign3A_41 : i1 to i32
    %sign3A_43 = arith.subi %sign3A_39, %sign3A_42 : i32
    %ne3A = vector.broadcast %sign3A_43 : i32 to vector<128x128xi32>
    %ne3A_44 = arith.cmpi ne, %sign3A_36, %ne3A : vector<128x128xi32>
    %rem3A = vector.broadcast %jit3A : i32 to vector<128x128xi32>
    %rem3A_45 = arith.remsi %iota3A_27, %rem3A : vector<128x128xi32>
    %ne3A_46 = arith.constant 0 : i32
    %ne3A_47 = vector.broadcast %ne3A_46 : i32 to vector<128x128xi32>
    %ne3A_48 = arith.cmpi ne, %rem3A_45, %ne3A_47 : vector<128x128xi32>
    %and3A = arith.andi %ne3A_44, %ne3A_48 : vector<128x128xi1>
    %sub3A = arith.constant 1 : i32
    %sub3A_49 = vector.broadcast %sub3A : i32 to vector<128x128xi32>
    %sub3A_50 = arith.subi %div3A_28, %sub3A_49 : vector<128x128xi32>
    %select_n3A = arith.select %and3A, %sub3A_50, %div3A_28 : vector<128x128xi1>, vector<128x128xi32>
    %jit3A_51 = arith.constant 16 : i32
    %div3A_52 = vector.broadcast %jit3A_51 : i32 to vector<128x128xi32>
    %div3A_53 = arith.divsi %iota3A, %div3A_52 : vector<128x128xi32>
    %sign3A_54 = arith.constant 0 : i32
    %sign3A_55 = vector.broadcast %sign3A_54 : i32 to vector<128x128xi32>
    %sign3A_56 = arith.cmpi sgt, %iota3A, %sign3A_55 : vector<128x128xi32>
    %sign3A_57 = arith.extui %sign3A_56 : vector<128x128xi1> to vector<128x128xi32>
    %sign3A_58 = arith.constant 0 : i32
    %sign3A_59 = vector.broadcast %sign3A_58 : i32 to vector<128x128xi32>
    %sign3A_60 = arith.cmpi slt, %iota3A, %sign3A_59 : vector<128x128xi32>
    %sign3A_61 = arith.extui %sign3A_60 : vector<128x128xi1> to vector<128x128xi32>
    %sign3A_62 = arith.subi %sign3A_57, %sign3A_61 : vector<128x128xi32>
    %sign3A_63 = arith.constant 0 : i32
    %sign3A_64 = arith.cmpi sgt, %jit3A_51, %sign3A_63 : i32
    %sign3A_65 = arith.extui %sign3A_64 : i1 to i32
    %sign3A_66 = arith.constant 0 : i32
    %sign3A_67 = arith.cmpi slt, %jit3A_51, %sign3A_66 : i32
    %sign3A_68 = arith.extui %sign3A_67 : i1 to i32
    %sign3A_69 = arith.subi %sign3A_65, %sign3A_68 : i32
    %ne3A_70 = vector.broadcast %sign3A_69 : i32 to vector<128x128xi32>
    %ne3A_71 = arith.cmpi ne, %sign3A_62, %ne3A_70 : vector<128x128xi32>
    %rem3A_72 = vector.broadcast %jit3A_51 : i32 to vector<128x128xi32>
    %rem3A_73 = arith.remsi %iota3A, %rem3A_72 : vector<128x128xi32>
    %ne3A_74 = arith.constant 0 : i32
    %ne3A_75 = vector.broadcast %ne3A_74 : i32 to vector<128x128xi32>
    %ne3A_76 = arith.cmpi ne, %rem3A_73, %ne3A_75 : vector<128x128xi32>
    %and3A_77 = arith.andi %ne3A_71, %ne3A_76 : vector<128x128xi1>
    %sub3A_78 = arith.constant 1 : i32
    %sub3A_79 = vector.broadcast %sub3A_78 : i32 to vector<128x128xi32>
    %sub3A_80 = arith.subi %div3A_53, %sub3A_79 : vector<128x128xi32>
    %select_n3A_81 = arith.select %and3A_77, %sub3A_80, %div3A_53 : vector<128x128xi1>, vector<128x128xi32>
    %eq3A = arith.cmpi eq, %select_n3A_81, %select_n3A : vector<128x128xi32>
    %jit3A_82 = arith.constant 0.000000e+00 : f32
    %broadcast_in_dim3A = vector.broadcast %jit3A_82 : f32 to vector<128x128xf32>
    %select_n3A_83 = arith.select %eq3A, %tile3A_26, %broadcast_in_dim3A : vector<128x128xi1>, vector<128x128xf32>
    %dot_general3A = arith.constant dense<0.000000e+00> : vector<1264x128xf32>
    %dot_general3A_84 = tpu.matmul %max3A_22, %select_n3A_83, %dot_general3A {dimension_numbers = #tpu.dot_dimension_numbers<[1], [0], [0], [1], [0, 0, 1, 1], [], []>, transpose_lhs_hint = false} : vector<1264x128xf32>, vector<128x128xf32>, vector<1264x128xf32> -> vector<1264x128xf32>
    %mul3A_85 = arith.mulf %dot_general3A_84, %get3A_1 : vector<1264x128xf32>
    %swap3A = arith.constant 0 : index
    %swap3A_86 = arith.constant 0 : index
    %swap3A_87 = vector.load %arg5[%swap3A, %swap3A_86] : memref<1264x128xf32, #tpu.memory_space<vmem>>, vector<1264x128xf32>
    tpu.vector_store %arg5[%swap3A, %swap3A_86], %mul3A_85 {strides = array<i32>} : memref<1264x128xf32, #tpu.memory_space<vmem>>, vector<1264x128xf32>,
    return
  }
}

module attributes {stable_mosaic.version = 14 : i64} {
  func.func @_tc3_body(%arg0: memref<2x1264x128xf32, #tpu.memory_space<vmem>>, %arg1: memref<1264x128xf32, #tpu.memory_space<vmem>>, %arg2: memref<1264x128xf32, #tpu.memory_space<vmem>>, %arg3: memref<1x128xf32, #tpu.memory_space<vmem>>, %arg4: memref<16x1xf32, #tpu.memory_space<vmem>>, %arg5: memref<1x1xf32, #tpu.memory_space<vmem>>, %arg6: memref<1264x8xf32, #tpu.memory_space<vmem>>) attributes {dimension_semantics = [], scalar_prefetch = 0 : i64, scratch_operands = 0 : i64, tpu.core_type = #tpu.core_type<tc>} {
    %get3A = arith.constant 0 : index
    %get3A_0 = arith.constant 0 : index
    %get3A_1 = vector.load %arg2[%get3A, %get3A_0] : memref<1264x128xf32, #tpu.memory_space<vmem>>, vector<1264x128xf32>
    %get3A_2 = arith.constant 0 : index
    %get3A_3 = arith.constant 0 : index
    %get3A_4 = arith.constant 0 : index
    %get3A_5 = vector.load %arg0[%get3A_2, %get3A_3, %get3A_4] : memref<2x1264x128xf32, #tpu.memory_space<vmem>>, vector<1x1264x128xf32>
    %get3A_6 = vector.shape_cast %get3A_5 : vector<1x1264x128xf32> to vector<1264x128xf32>
    %get3A_7 = arith.constant 1 : index
    %get3A_8 = arith.constant 0 : index
    %get3A_9 = arith.constant 0 : index
    %get3A_10 = vector.load %arg0[%get3A_7, %get3A_8, %get3A_9] : memref<2x1264x128xf32, #tpu.memory_space<vmem>>, vector<1x1264x128xf32>
    %get3A_11 = vector.shape_cast %get3A_10 : vector<1x1264x128xf32> to vector<1264x128xf32>
    %add3A = arith.addf %get3A_6, %get3A_11 : vector<1264x128xf32>
    %get3A_12 = arith.constant 0 : index
    %get3A_13 = arith.constant 0 : index
    %get3A_14 = vector.load %arg1[%get3A_12, %get3A_13] : memref<1264x128xf32, #tpu.memory_space<vmem>>, vector<1264x128xf32>
    %add3A_15 = arith.addf %add3A, %get3A_14 : vector<1264x128xf32>
    %mul3A = arith.mulf %get3A_1, %add3A_15 : vector<1264x128xf32>
    %get3A_16 = arith.constant 0 : index
    %get3A_17 = arith.constant 0 : index
    %get3A_18 = vector.load %arg3[%get3A_16, %get3A_17] : memref<1x128xf32, #tpu.memory_space<vmem>>, vector<1x128xf32>
    %add3A_19 = vector.broadcast %get3A_18 : vector<1x128xf32> to vector<1264x128xf32>
    %add3A_20 = arith.addf %mul3A, %add3A_19 : vector<1264x128xf32>
    %max3A = arith.constant 0.000000e+00 : f32
    %max3A_21 = vector.broadcast %max3A : f32 to vector<1264x128xf32>
    %max3A_22 = arith.maximumf %add3A_20, %max3A_21 : vector<1264x128xf32>
    %get3A_23 = arith.constant 0 : index
    %get3A_24 = arith.constant 0 : index
    %get3A_25 = vector.load %arg4[%get3A_23, %get3A_24] : memref<16x1xf32, #tpu.memory_space<vmem>>, vector<16x1xf32>
    %tile3A = tpu.concatenate %get3A_25, %get3A_25, %get3A_25, %get3A_25, %get3A_25, %get3A_25, %get3A_25, %get3A_25 in 0 : vector<16x1xf32>, vector<16x1xf32>, vector<16x1xf32>, vector<16x1xf32>, vector<16x1xf32>, vector<16x1xf32>, vector<16x1xf32>, vector<16x1xf32> -> vector<128x1xf32>
    %tile3A_26 = tpu.concatenate %tile3A, %tile3A, %tile3A, %tile3A, %tile3A, %tile3A, %tile3A, %tile3A in 1 : vector<128x1xf32>, vector<128x1xf32>, vector<128x1xf32>, vector<128x1xf32>, vector<128x1xf32>, vector<128x1xf32>, vector<128x1xf32>, vector<128x1xf32> -> vector<128x8xf32>
    %iota3A = tpu.iota {dimensions = array<i32: 0>} : vector<128x8xi32>
    %iota3A_27 = tpu.iota {dimensions = array<i32: 1>} : vector<128x8xi32>
    %jit3A = arith.constant 16 : i32
    %div3A = vector.broadcast %jit3A : i32 to vector<128x8xi32>
    %div3A_28 = arith.divsi %iota3A, %div3A : vector<128x8xi32>
    %sign3A = arith.constant 0 : i32
    %sign3A_29 = vector.broadcast %sign3A : i32 to vector<128x8xi32>
    %sign3A_30 = arith.cmpi sgt, %iota3A, %sign3A_29 : vector<128x8xi32>
    %sign3A_31 = arith.extui %sign3A_30 : vector<128x8xi1> to vector<128x8xi32>
    %sign3A_32 = arith.constant 0 : i32
    %sign3A_33 = vector.broadcast %sign3A_32 : i32 to vector<128x8xi32>
    %sign3A_34 = arith.cmpi slt, %iota3A, %sign3A_33 : vector<128x8xi32>
    %sign3A_35 = arith.extui %sign3A_34 : vector<128x8xi1> to vector<128x8xi32>
    %sign3A_36 = arith.subi %sign3A_31, %sign3A_35 : vector<128x8xi32>
    %sign3A_37 = arith.constant 0 : i32
    %sign3A_38 = arith.cmpi sgt, %jit3A, %sign3A_37 : i32
    %sign3A_39 = arith.extui %sign3A_38 : i1 to i32
    %sign3A_40 = arith.constant 0 : i32
    %sign3A_41 = arith.cmpi slt, %jit3A, %sign3A_40 : i32
    %sign3A_42 = arith.extui %sign3A_41 : i1 to i32
    %sign3A_43 = arith.subi %sign3A_39, %sign3A_42 : i32
    %ne3A = vector.broadcast %sign3A_43 : i32 to vector<128x8xi32>
    %ne3A_44 = arith.cmpi ne, %sign3A_36, %ne3A : vector<128x8xi32>
    %rem3A = vector.broadcast %jit3A : i32 to vector<128x8xi32>
    %rem3A_45 = arith.remsi %iota3A, %rem3A : vector<128x8xi32>
    %ne3A_46 = arith.constant 0 : i32
    %ne3A_47 = vector.broadcast %ne3A_46 : i32 to vector<128x8xi32>
    %ne3A_48 = arith.cmpi ne, %rem3A_45, %ne3A_47 : vector<128x8xi32>
    %and3A = arith.andi %ne3A_44, %ne3A_48 : vector<128x8xi1>
    %sub3A = arith.constant 1 : i32
    %sub3A_49 = vector.broadcast %sub3A : i32 to vector<128x8xi32>
    %sub3A_50 = arith.subi %div3A_28, %sub3A_49 : vector<128x8xi32>
    %select_n3A = arith.select %and3A, %sub3A_50, %div3A_28 : vector<128x8xi1>, vector<128x8xi32>
    %eq3A = arith.cmpi eq, %select_n3A, %iota3A_27 : vector<128x8xi32>
    %jit3A_51 = arith.constant 0.000000e+00 : f32
    %broadcast_in_dim3A = vector.broadcast %jit3A_51 : f32 to vector<128x8xf32>
    %select_n3A_52 = arith.select %eq3A, %tile3A_26, %broadcast_in_dim3A : vector<128x8xi1>, vector<128x8xf32>
    %dot_general3A = arith.constant dense<0.000000e+00> : vector<1264x8xf32>
    %dot_general3A_53 = tpu.matmul %max3A_22, %select_n3A_52, %dot_general3A {dimension_numbers = #tpu.dot_dimension_numbers<[1], [0], [0], [1], [0, 0, 1, 1], [], []>, transpose_lhs_hint = false} : vector<1264x128xf32>, vector<128x8xf32>, vector<1264x8xf32> -> vector<1264x8xf32>
    %get3A_54 = arith.constant 0 : index
    %get3A_55 = arith.constant 0 : index
    %get3A_56 = vector.load %arg5[%get3A_54, %get3A_55] : memref<1x1xf32, #tpu.memory_space<vmem>>, vector<1x1xf32>
    %add3A_57 = vector.broadcast %get3A_56 : vector<1x1xf32> to vector<1264x8xf32>
    %add3A_58 = arith.addf %dot_general3A_53, %add3A_57 : vector<1264x8xf32>
    %swap3A = arith.constant 0 : index
    %swap3A_59 = arith.constant 0 : index
    %swap3A_60 = vector.load %arg6[%swap3A, %swap3A_59] : memref<1264x8xf32, #tpu.memory_space<vmem>>, vector<1264x8xf32>
    tpu.vector_store %arg6[%swap3A, %swap3A_59], %add3A_58 {strides = array<i32>} : memref<1264x8xf32, #tpu.memory_space<vmem>>, vector<1264x8xf32>,
    return
  }
}

</mosaic_0001>

<sc_bundles>
// kernel: kernel.11.cloned.1.call-start
scs
__scs_entry_jumppad:
0x0: {  	(pc) =	sbr.rel $0x88, $3  }
0x1: {  	(tag) =	ssettag $0x0;
	lr =	simm.s32 $0x1  }
0x2: {  	[smem:$0x3F99] =	sst lr;
	_ =	strace $0xD0000000  }
0x3: {  	_ = 	snop  }
0x4: {  	_ = 	snop  }
0x5: {  	_ = 	snop  }
0x6: {  	_ = 	snop  }
0x7: {  	_ = 	snop  }
__scs_overlays_trampoline_lowered:
0x8: {  	[smem:$0x3FA8] =	sst s0  }
0x9: {  	[smem:$0x3FA9] =	sst s1  }
0xa: {  	[smem:$0x3FAA] =	sst s2  }
0xb: {  	[smem:$0x3FAB] =	sst s3  }
0xc: {  	[smem:$0x3FAC] =	sst s4  }
0xd: {  	[smem:$0x3FAD] =	sst s5  }
0xe: {  	[smem:$0x3FAE] =	sst s6  }
0xf: {  	[smem:$0x3FAF] =	sst s7  }
0x10: {  	[smem:$0x3FB0] =	sst s8  }
0x11: {  	[smem:$0x3FB1] =	sst s9;
	s0 =	simm.s32 @!p0 $0x0  }
0x12: {  	s1 =	sld [smem:$0x3F97];
	s0 =	simm.s32 @p0 $0x1  }
0x13: {  	[smem:$0x3FB2] =	sst s0;
	s0 =	simm.s32 @!p1 $0x0  }
0x14: {  	s2 =	sld [smem:$0x3F96];
	s0 =	simm.s32 @p1 $0x1  }
0x15: {  	[smem:$0x3FB3] =	sst s0;
	s0 =	simm.s32 @!p2 $0x0  }
0x16: {  	s3 =	sld [smem:$0x3FDB];
	s0 =	simm.s32 @p2 $0x1  }
0x17: {  	s4 =	simm.s32 $0x1BF5;
	[smem:$0x3FB5] =	sst s0  }
0x18: {  	s0 =	sld [smem:$0x3F98];
	_ =	swait.ge [sflag:s4], $0x0  }
0x19: {  	s7 =	sld [smem:$0x3F99]  }
0x1a: {  	s8 =	sadd.s32 $0xFFFFE003, lr  }
0x1b: {  	s9 =	sadd.s32 $0xFFFFFEF7, lr;
	s5 =	simm.s32 $0xFFFFFFFF;
	p2 =	slt.u32 s8, $0xFFFFF086  }
0x1c: {  	p1 =	slt.u32 s9, $0xF7A;
	s5 =	simm.s32 @!p2 $0x0  }
0x1d: {  	s5 =	simm.s32 @p1 $0x1;
	p0 =	seq.s32 s7, s2  }
0x1e: {  	s7 =	smul.u32 @!p0 $0xF7A, s2;
	p2 =	seq.s32 @!p0 s5, $0x0  }
0x1f: {  	s9 =	smul.u32 $0xF7A, s1;
	s8 =	simm.s32 @!p0 $0x1BF5;
	p2 =	por !p2, p0  }
0x20: {  	[sflag:s8] =	ssyncset.s32 @!p0 $0xFFFFF086;
	s6 =	sadd.s32 @!p0 s3, s7;
	s7 =	simm.s32 @!p0 $0x108  }
0x21: {  	s3 =	sadd.s32 s3, s9;
	s6 =	sadd.s32 @!p0 $0x88, s6;
	s7 =	simm.s32 @p2 $0x1082  }
0x22: {  	[simem:s7], [sflag:s8] =	dma.local @!p0 [hbm:s6], $0xF7A  }
0x23: {  	s9 =	sor.u32 $0xD0000000, s2;
	s6 =	simm.s32 $0x108;
	_ =	swait.ge @!p0 [sflag:s8], $0x0  }
0x24: {  	s3 =	sadd.s32 $0x88, s3;
	s6 =	simm.s32 @!p1 $0x1082;
	[sflag:s4] =	ssyncset.s32 $0xFFFFF086  }
0x25: {  	[simem:s6], [sflag:s4] =	dma.local [hbm:s3], $0xF7A  }
0x26: {  	[smem:$0x3F99] =	sst s1;
	(tag) =	ssettag s2;
	_ =	strace s9  }
0x27: {  	s1 =	sld [smem:$0x3FA9]  }
0x28: {  	s2 =	sld [smem:$0x3FAA]  }
0x29: {  	s4 =	sld [smem:$0x3FAC]  }
0x2a: {  	p0 =	seq.s32 s5, $0x0;
	s5 =	sld [smem:$0x3FAD]  }
0x2b: {  	s6 =	sld [smem:$0x3FAE]  }
0x2c: {  	s7 =	sld [smem:$0x3FAF]  }
0x2d: {  	s3 =	simm.s32 $0x108;
	s8 =	sld [smem:$0x3FB0]  }
0x2e: {  	s3 =	simm.s32 @!p0 $0x1082;
	s9 =	sld [smem:$0x3FB1]  }
0x2f: {  	lr =	sadd.s32 s0, s3;
	s0 =	sld [smem:$0x3FA8]  }
0x30: {  	s3 =	sld [smem:$0x3FAB]  }
0x31: {  	[smem:$0x3FB4] =	sst s10  }
0x32: {  	s10 =	sld [smem:$0x3FB2];
	_ =	sdelay $0x3  }
0x33: {  	p0 =	seq.s32 s10, $0x1;
	s10 =	sld [smem:$0x3FB4];
	_ =	sdelay $0x3  }
0x34: {  	[smem:$0x3FB4] =	sst s10  }
0x35: {  	s10 =	sld [smem:$0x3FB3];
	_ =	sdelay $0x3  }
0x36: {  	p1 =	seq.s32 s10, $0x1;
	s10 =	sld [smem:$0x3FB4];
	_ =	sdelay $0x3  }
0x37: {  	[smem:$0x3FB4] =	sst s10  }
0x38: {  	s10 =	sld [smem:$0x3FB5]  }
0x39: {  	_ = 	snop;
	(pc) =	sbr.ind lr, $3  }
0x3a: {  	_ = 	snop  }
0x3b: {  	_ = 	snop  }
0x3c: {  	p2 =	seq.s32 s10, $0x1;
	s10 =	sld [smem:$0x3FB4]  }
0x3d: {  	_ =	shalt  }
0x3e: {  	_ =	shalt  }
0x3f: {  	_ =	shalt  }
0x40: {  	_ =	shalt  }
0x41: {  	_ =	shalt  }
0x42: {  	_ =	shalt  }
0x43: {  	_ =	shalt  }
0x44: {  	_ =	shalt  }
0x45: {  	_ =	shalt  }
0x46: {  	_ =	shalt  }
0x47: {  	_ =	shalt  }
0x48: {  	_ =	shalt  }
0x49: {  	_ =	shalt  }
0x4a: {  	_ =	shalt  }
0x4b: {  	_ =	shalt  }
0x4c: {  	_ =	shalt  }
0x4d: {  	_ =	shalt  }
0x4e: {  	_ =	shalt  }
0x4f: {  	_ =	shalt  }
0x50: {  	_ =	shalt  }
0x51: {  	_ =	shalt  }
0x52: {  	_ =	shalt  }
0x53: {  	_ =	shalt  }
0x54: {  	_ =	shalt  }
0x55: {  	_ =	shalt  }
0x56: {  	_ =	shalt  }
0x57: {  	_ =	shalt  }
0x58: {  	_ =	shalt  }
0x59: {  	_ =	shalt  }
0x5a: {  	_ =	shalt  }
0x5b: {  	_ =	shalt  }
0x5c: {  	_ =	shalt  }
0x5d: {  	_ =	shalt  }
0x5e: {  	_ =	shalt  }
0x5f: {  	_ =	shalt  }
0x60: {  	_ =	shalt  }
0x61: {  	_ =	shalt  }
0x62: {  	_ =	shalt  }
0x63: {  	_ =	shalt  }
0x64: {  	_ =	shalt  }
0x65: {  	_ =	shalt  }
0x66: {  	_ =	shalt  }
0x67: {  	_ =	shalt  }
0x68: {  	_ =	shalt  }
0x69: {  	_ =	shalt  }
0x6a: {  	_ =	shalt  }
0x6b: {  	_ =	shalt  }
0x6c: {  	_ =	shalt  }
0x6d: {  	_ =	shalt  }
0x6e: {  	_ =	shalt  }
0x6f: {  	_ =	shalt  }
0x70: {  	_ =	shalt  }
0x71: {  	_ =	shalt  }
0x72: {  	_ =	shalt  }
0x73: {  	_ =	shalt  }
0x74: {  	_ =	shalt  }
0x75: {  	_ =	shalt  }
0x76: {  	_ =	shalt  }
0x77: {  	_ =	shalt  }
0x78: {  	_ =	shalt  }
0x79: {  	_ =	shalt  }
0x7a: {  	_ =	shalt  }
0x7b: {  	_ =	shalt  }
0x7c: {  	_ =	shalt  }
0x7d: {  	_ =	shalt  }
0x7e: {  	_ =	shalt  }
0x7f: {  	_ =	shalt  }
0x80: {  	_ =	shalt  }
0x81: {  	_ =	shalt  }
0x82: {  	_ =	shalt  }
0x83: {  	_ =	shalt  }
0x84: {  	_ =	shalt  }
0x85: {  	_ =	shalt  }
0x86: {  	_ =	shalt  }
0x87: {  	_ =	shalt  }
.Lfunc_end0:
.L_simem_size_0:
called_computation.1_lowered:
.L_overlay_start_0:
0x88: {  	s2 =	sld [smem:$0x3FD9]  }
0x89: {  	s3 =	sld [smem:$0x3FFE];
	_ =	sdelay $0x1  }
0x8a: {  	s1 =	srdreg.scid  }
0x8b: {  	s0 =	sand.u32 $0x1, s1  }
0x8c: {  	s16 =	sshll.u32 s0, $0xA;
	s2 =	sadd.s32 s3, s2  }
0x8d: {  	s2 =	sadd.s32 s2, s16  }
0x8e: {  	[smem:$0x3FC0] =	sst s2  }
0x8f: {  	_ = 	snop  }
0x90: {  	(tm) =	ssettm $0x1  }
0x91: {  	s17 =	sld [smem:$0x3FFB];
	_ =	sdelay $0x3  }
0x92: {  	_ =	strace s17  }
0x93: {  	s2 =	sld [smem:$0x3FFC];
	_ =	sdelay $0x3  }
0x94: {  	_ =	strace s2  }
0x95: {  	s2 =	sld [smem:$0x3FFD];
	_ =	sdelay $0x3  }
0x96: {  	_ =	strace s2  }
0x97: {  	_ =	strace $0x8FFFFFFF  }
0x98: {  	s18 =	sld [smem:$0x3FDB];
	_ =	sdelay $0x1  }
0x99: {  	s19 =	simm.s32 $_scs_section_size  }
0x9a: {  	s4 =	simm.s32 $_size__tile_overlayer_lowered;
	s5 =	simm.s32 $_tile_overlayer_lowered  }
0x9b: {  	s22 =	simm.s32 $0x1BFF;
	s21 =	sshll.u32 s5, $0x1;
	s2 =	sadd.s32 s19, s18  }
0x9c: {  	s6 =	simm.s32 $0x0;
	s20 =	sshll.u32 s4, $0x1;
	s4 =	sadd.s32 s21, s2  }
0x9d: {  	[timem:s6], [sflag:s22] =	dma.local [hbm:s4], s20  }
0x9e: {  	_ =	swait.ge [sflag:s22], s20  }
0x9f: {  	s3 =	ssub.s32 $0x0, s20;
	[sflag:s22] =	ssyncset.done $0x0  }
0xa0: {  	[sflag:s22] =	ssyncadd.s32 s3;
	_ =	sdelay $0x1  }
0xa1: {  	s23 =	simm.s32 $0x1B8B  }
0xa2: {  	_ =	swait.ge [sflag:s23], $0x1  }
0xa3: {  	[sflag:s23] =	ssyncset.done $0x0  }
0xa4: {  	s25 =	simm.s32 $0x1B8E;
	s24 =	sld [smem:$0x3FFE];
	[sflag:s23] =	ssyncadd.s32 $0xFFFFFFFF  }
0xa5: {  	s26 =	simm.s32 $execute0_lowered;
	[smem:$0x3FD2] =	sst s25  }
0xa6: {  	s4 =	sshll.u32 s26, $0x1;
	_ =	strace $0x80000049;
	[dreg:$0x1] =	wrdreg $0xFFFFFFFF  }
0xa7: {  	s28 =	simm.s32 $_size_execute0_lowered;
	s2 =	sadd.s32 s2, s4;
	[dreg:$0x0] =	wrdreg $0x0  }
0xa8: {  	s4 =	sshll.u32 s28, $0x1;
	[dreg:$0x2] =	wrdreg s2  }
0xa9: {  	[dreg:$0x3] =	wrdreg s4  }
0xaa: {  	[dreg:$0x4] =	wrdreg $0xC0  }
0xab: {  	_ =	task [dreg:s6], $0x5FFFF  }
0xac: {  	[dreg:$0x1] =	wrdreg $0xFFFFFFFF  }
0xad: {  	[dreg:$0x0] =	wrdreg $0x60  }
0xae: {  	[dreg:$0x2] =	wrdreg s24  }
0xaf: {  	[dreg:$0x3] =	wrdreg $0xDF000  }
0xb0: {  	[dreg:$0x4] =	wrdreg $0xB7800  }
0xb1: {  	[dreg:$0x5] =	wrdreg $0x9  }
0xb2: {  	_ =	task.clear_ibuf [dreg:s6], $0x6FFFF;
	_ =	strace $0x90000049  }
0xb3: {  	s29 =	simm.s32 $0x9;
	_ =	strace $0x8000004B  }
0xb4: {  	_ =	swait.ge [sflag:s29], $0x1  }
0xb5: {  	[sflag:s29] =	ssyncadd.s32 $0xFFFFFFFF  }
0xb6: {  	_ =	strace $0x9000004B  }
0xb7: {  	_ =	sfence  }
0xb8: {  	s30 =	sld [smem:$0x0];
	_ =	sdelay $0x2  }
0xb9: {  	s31 =	sshll.u32 s1, $0xD;
	s1 =	sshrl.u32 s1, $0x2  }
0xba: {  	s3 =	sand.u32 $0x4000, s31;
	s1 =	sadd.s32 s1, s30  }
0xbb: {  	s0 =	sor.u32 s3, s0;
	s1 =	sshll.u32 s1, $0x11  }
0xbc: {  	s0 =	sor.u32 s1, s0  }
0xbd: {  	s0 =	sadd.s32 $0x8F2B, s0  }
0xbe: {  	[sflag:s0] =	ssyncadd.remote.s32 $0x1  }
0xbf: {  	_ =	sfence.sel $0xFFFF  }
0xc0: {  	[dreg:$0x0] =	wrdreg $0xFFFFFFFF;
	(pc) =	sbr.abs _section_cstart, $3  }
0xc1: {  	[dreg:$0x1] =	wrdreg $0xFFFFFFFF  }
0xc2: {  	_ =	task.clear_ibuf [dreg:s6], $0x2FFFF;
	_ =	strace $0x9FFFFFFF  }
0xc3: {  	(tm) =	ssettm $0x7FFFFFFF  }
tec
execute0_lowered:
.L_overlay_start_1:
0x0: {  	(tag) =	ssettag $0x1  }
0x1: {  	s5 =	rddreg [dreg:$0x0]  }
0x2: {  	s2 =	rddreg [dreg:$0x1]  }
0x3: {  	s0 =	stileid.u32;
	s1 =	srdreg.scid  }
0x4: {  	s3 =	rddreg [dreg:$0x2];
	s4 =	simm.s32 $0x0;
	s15 =	simm.s32 $0x4E00  }
0x5: {  	s16 =	simm.s32 $0x2;
	s18 =	simm.s32 $0x3;
	s19 =	simm.s32 $0x9000  }
0x6: {  	s20 =	simm.s32 $0x200;
	s21 =	simm.s32 $0x5000;
	s22 =	simm.s32 $0x0  }
0x7: {  	s8 =	smul.u32 $0x2780, s0;
	s6 =	sand.u32 $0x1, s1;
	s1 =	rddreg [dreg:$0x3]  }
0x8: {  	[smem:$0x7FF] =	sst s4;
	s9 =	sshll.u32 s0, $0x1;
	s28 =	smul.u32 $0x4E20, s0  }
0x9: {  	s12 =	sadd.s32 $0x2E00, s5;
	s7 =	smul.u32 $0x27800, s6;
	_ =	strace $0x8000004A  }
0xa: {  	s9 =	sor.u32 s6, s9;
	s25 =	ssub.s32 $0x2, s6;
	s14 =	smul.u32 $0x2710, s6  }
0xb: {  	s10 =	sshrl.u32 s8, $0x3;
	s9 =	smul.u32 $0x2710, s9;
	s13 =	sshrl.u32 s25, $0x1  }
0xc: {  	s17 =	sadd.s32 s8, s2;
	s7 =	sadd.s32 s8, s7;
	s10 =	sadd.s32 s10, s5  }
0xd: {  	s13 =	ssub.s32 s25, s13;
	s14 =	sadd.s32 s14, s28;
	s8 =	sadd.s32 s8, s3  }
0xe: {  	s17 =	sshrl.u32 s17, $0x3;
	s7 =	sshrl.u32 s7, $0x3;
	s26 =	sshrl.u32 s9, $0x3  }
.Ltmp0:
0xf: {  	s29 =	sadd.s32 $0x4E200, s14;
	s30 =	sshrl.u32 s14, $0x3;
	(pc) =	sbr.rel .LBB2_1-.Ltmp0, $4  }
0x10: {  	s14 =	simm.s32 $0x1;
	s11 =	sadd.s32 s7, s5;
	s7 =	sadd.s32 s12, s26  }
0x11: {  	s31 =	sshrl.u32 s29, $0x3;
	s5 =	sadd.s32 $0x4C0, s7;
	s6 =	sadd.s32 $0xA100, s7  }
0x12: {  	v1 =	vlaneseq.u32;
	s7 =	sadd.s32 $0x16800, s10;
	s9 =	sadd.s32 $0x1B800, s11;
	s10 =	smax.u32 s13, $0x1  }
0x13: {  	v0 =	vimm.s32 $0x0;
	v2 =	vimm.f32 $0.0e+00;
	v1 =	vor.u32 $0x2710, v1;
	s11 =	sadd.s32 s30, s12;
	s12 =	sadd.s32 s31, s12;
	s13 =	simm.s32 $0x2600  }
.LBB2_11:
0x14: {  	_ =	swait.ge [sflag:s16], $0x2000  }
0x15: {  	s22 =	sadd.s32 $0x1, s22;
	[sflag:s16] =	ssyncset.done $0x0  }
0x16: {  	p0 =	sne.s32 s22, s10;
	[sflag:s16] =	ssyncadd.s32 $0xFFFFE000  }
.Ltmp1:
0x17: {  	s24 =	sshrl.u32 s8, $0x3;
	[bflag:$0x0] =	sbarrier.arrive $0xFFFF;
	(pc) =	sbr.rel @!p0 .LBB2_12-.Ltmp1, $4  }
0x18: {  	[hbm:s9], [sflag:s23] =	dma.local [spmem:s24], $0x4F0  }
0x19: {  	_ =	swait.ge [sflag:s18], $0x4F0  }
0x1a: {  	[sflag:s18] =	ssyncset.done $0x0  }
0x1b: {  	[sflag:s18] =	ssyncadd.s32 $0xFFFFFB10  }
.LBB2_1:
0x1c: {  	s23 =	simm.s32 $0x40  }
0x1d: {  	s26 =	sadd.s32 $0x0, s11;
	s24 =	simm.s32 $0x200;
	s25 =	simm.s32 $0x0  }
.LBB2_2:
0x1e: {  	[tilespmem:s25], [sflag:$0x1] =	stream.linear.gather [hbm4b:s26+s4], $0x200, $0x38;
	[tilespmem:$0x10680] =	vst v63  }
0x1f: {  	s26 =	smov.u32 s23;
	s25 =	smov.u32 s24;
	p0 =	sne.s32 s23, $0x480  }
.Ltmp2:
0x20: {  	s23 =	sadd.s32 $0x40, s23;
	(pc) =	sbr.rel @p0 .LBB2_2-.Ltmp2, $2  }
0x21: {  	_ =	sdelay $0x2  }
0x22: {  	s24 =	sadd.s32 $0x200, s24;
	s26 =	sadd.s32 s26, s11  }
0x23: {  	[tilespmem:s25], [sflag:$0x1] =	stream.linear.gather [hbm4b:s26+s4], $0x200, $0x38;
	[tilespmem:$0x10680] =	vst v63  }
0x24: {  	s23 =	simm.s32 $0x0  }
0x25: {  	[tilespmem:s13], [sflag:$0x1] =	stream.linear.gather [hbm4b:s5+s23], $0x110, $0x38;
	[tilespmem:$0x10680] =	vst v63  }
0x26: {  	[tilespmem:$0x2710] =	vst v0  }
0x27: {  	[tilespmem:$0x2720] =	vst v0  }
0x28: {  	[tilespmem:$0x2730] =	vst v0  }
0x29: {  	[tilespmem:$0x2740] =	vst v0  }
0x2a: {  	[tilespmem:$0x2750] =	vst v0  }
0x2b: {  	[tilespmem:$0x2760] =	vst v0  }
0x2c: {  	[tilespmem:$0x2770] =	vst v0  }
0x2d: {  	[tilespmem:$0x2780] =	vst v0  }
0x2e: {  	[tilespmem:$0x2790] =	vst v0  }
0x2f: {  	[tilespmem:$0x27A0] =	vst v0  }
0x30: {  	[tilespmem:$0x27B0] =	vst v0  }
0x31: {  	[tilespmem:$0x27C0] =	vst v0  }
0x32: {  	[tilespmem:$0x27D0] =	vst v0  }
0x33: {  	[tilespmem:$0x27E0] =	vst v0  }
0x34: {  	[tilespmem:$0x27F0] =	vst v0  }
0x35: {  	_ =	swait.ge [sflag:s14], $0x200  }
0x36: {  	[sflag:s14] =	ssyncset.done $0x0  }
0x37: {  	[sflag:s14] =	ssyncadd.s32 $0xFFFFFE00  }
0x38: {  	_ =	swait.ge [sflag:s14], $0x200  }
0x39: {  	[sflag:s14] =	ssyncset.done $0x0  }
0x3a: {  	[sflag:s14] =	ssyncadd.s32 $0xFFFFFE00  }
0x3b: {  	_ =	swait.ge [sflag:s14], $0x200  }
0x3c: {  	[sflag:s14] =	ssyncset.done $0x0  }
0x3d: {  	[sflag:s14] =	ssyncadd.s32 $0xFFFFFE00  }
0x3e: {  	_ =	swait.ge [sflag:s14], $0x200  }
0x3f: {  	[sflag:s14] =	ssyncset.done $0x0  }
0x40: {  	[sflag:s14] =	ssyncadd.s32 $0xFFFFFE00  }
0x41: {  	_ =	swait.ge [sflag:s14], $0x200  }
0x42: {  	[sflag:s14] =	ssyncset.done $0x0  }
0x43: {  	[sflag:s14] =	ssyncadd.s32 $0xFFFFFE00  }
0x44: {  	_ =	swait.ge [sflag:s14], $0x200  }
0x45: {  	[sflag:s14] =	ssyncset.done $0x0  }
0x46: {  	[sflag:s14] =	ssyncadd.s32 $0xFFFFFE00  }
0x47: {  	_ =	swait.ge [sflag:s14], $0x200  }
0x48: {  	[sflag:s14] =	ssyncset.done $0x0  }
0x49: {  	[sflag:s14] =	ssyncadd.s32 $0xFFFFFE00  }
0x4a: {  	_ =	swait.ge [sflag:s14], $0x200  }
0x4b: {  	[sflag:s14] =	ssyncset.done $0x0  }
0x4c: {  	[sflag:s14] =	ssyncadd.s32 $0xFFFFFE00  }
0x4d: {  	_ =	swait.ge [sflag:s14], $0x200  }
0x4e: {  	[sflag:s14] =	ssyncset.done $0x0  }
0x4f: {  	[sflag:s14] =	ssyncadd.s32 $0xFFFFFE00  }
0x50: {  	_ =	swait.ge [sflag:s14], $0x200  }
0x51: {  	[sflag:s14] =	ssyncset.done $0x0  }
0x52: {  	[sflag:s14] =	ssyncadd.s32 $0xFFFFFE00  }
0x53: {  	_ =	swait.ge [sflag:s14], $0x200  }
0x54: {  	[sflag:s14] =	ssyncset.done $0x0  }
0x55: {  	[sflag:s14] =	ssyncadd.s32 $0xFFFFFE00  }
0x56: {  	_ =	swait.ge [sflag:s14], $0x200  }
0x57: {  	[sflag:s14] =	ssyncset.done $0x0  }
0x58: {  	[sflag:s14] =	ssyncadd.s32 $0xFFFFFE00  }
0x59: {  	_ =	swait.ge [sflag:s14], $0x200  }
0x5a: {  	[sflag:s14] =	ssyncset.done $0x0  }
0x5b: {  	[sflag:s14] =	ssyncadd.s32 $0xFFFFFE00  }
0x5c: {  	_ =	swait.ge [sflag:s14], $0x200  }
0x5d: {  	[sflag:s14] =	ssyncset.done $0x0  }
0x5e: {  	[sflag:s14] =	ssyncadd.s32 $0xFFFFFE00  }
0x5f: {  	_ =	swait.ge [sflag:s14], $0x200  }
0x60: {  	[sflag:s14] =	ssyncset.done $0x0  }
0x61: {  	[sflag:s14] =	ssyncadd.s32 $0xFFFFFE00  }
0x62: {  	_ =	swait.ge [sflag:s14], $0x200  }
0x63: {  	[sflag:s14] =	ssyncset.done $0x0  }
0x64: {  	[sflag:s14] =	ssyncadd.s32 $0xFFFFFE00  }
0x65: {  	_ =	swait.ge [sflag:s14], $0x200  }
0x66: {  	[sflag:s14] =	ssyncset.done $0x0  }
0x67: {  	[sflag:s14] =	ssyncadd.s32 $0xFFFFFE00  }
0x68: {  	_ =	swait.ge [sflag:s14], $0x200  }
0x69: {  	[sflag:s14] =	ssyncset.done $0x0  }
0x6a: {  	[sflag:s14] =	ssyncadd.s32 $0xFFFFFE00  }
0x6b: {  	_ =	swait.ge [sflag:s14], $0x200  }
0x6c: {  	[sflag:s14] =	ssyncset.done $0x0  }
0x6d: {  	[sflag:s14] =	ssyncadd.s32 $0xFFFFFE00  }
0x6e: {  	_ =	swait.ge [sflag:s14], $0x110  }
0x6f: {  	s24 =	simm.s32 $0x40;
	s26 =	sadd.s32 $0x0, s12;
	[sflag:s14] =	ssyncset.done $0x0  }
0x70: {  	s25 =	simm.s32 $0x2A00;
	s23 =	simm.s32 $0x2800;
	[sflag:s14] =	ssyncadd.s32 $0xFFFFFEF0  }
.LBB2_4:
0x71: {  	[tilespmem:s23], [sflag:$0x2] =	stream.linear.gather [hbm4b:s26+s4], $0x200, $0x38;
	[tilespmem:$0x10680] =	vst v63  }
0x72: {  	s26 =	smov.u32 s24;
	s23 =	smov.u32 s25;
	p0 =	sne.s32 s24, $0x480  }
.Ltmp3:
0x73: {  	s24 =	sadd.s32 $0x40, s24;
	(pc) =	sbr.rel @p0 .LBB2_4-.Ltmp3, $2  }
0x74: {  	_ =	sdelay $0x2  }
0x75: {  	s25 =	sadd.s32 $0x200, s25;
	s26 =	sadd.s32 s26, s12  }
0x76: {  	[tilespmem:s23], [sflag:$0x2] =	stream.linear.gather [hbm4b:s26+s4], $0x200, $0x38;
	[tilespmem:$0x10680] =	vst v63  }
0x77: {  	s30 =	simm.s32 $0x0  }
0x78: {  	[tilespmem:s15], [sflag:$0x2] =	stream.linear.gather [hbm4b:s6+s30], $0x110, $0x38;
	[tilespmem:$0x10680] =	vst v63  }
0x79: {  	[tilespmem:$0x4F10] =	vst v1  }
0x7a: {  	[tilespmem:$0x4F20] =	vst v1  }
0x7b: {  	[tilespmem:$0x4F30] =	vst v1  }
0x7c: {  	[tilespmem:$0x4F40] =	vst v1  }
0x7d: {  	[tilespmem:$0x4F50] =	vst v1  }
0x7e: {  	[tilespmem:$0x4F60] =	vst v1  }
0x7f: {  	[tilespmem:$0x4F70] =	vst v1  }
0x80: {  	[tilespmem:$0x4F80] =	vst v1  }
0x81: {  	[tilespmem:$0x4F90] =	vst v1  }
0x82: {  	[tilespmem:$0x4FA0] =	vst v1  }
0x83: {  	[tilespmem:$0x4FB0] =	vst v1  }
0x84: {  	[tilespmem:$0x4FC0] =	vst v1  }
0x85: {  	[tilespmem:$0x4FD0] =	vst v1  }
0x86: {  	[tilespmem:$0x4FE0] =	vst v1  }
0x87: {  	[tilespmem:$0x4FF0] =	vst v1  }
0x88: {  	_ =	swait.ge [sflag:s16], $0x200  }
0x89: {  	[sflag:s16] =	ssyncset.done $0x0  }
0x8a: {  	[sflag:s16] =	ssyncadd.s32 $0xFFFFFE00  }
0x8b: {  	_ =	swait.ge [sflag:s16], $0x200  }
0x8c: {  	[sflag:s16] =	ssyncset.done $0x0  }
0x8d: {  	[sflag:s16] =	ssyncadd.s32 $0xFFFFFE00  }
0x8e: {  	_ =	swait.ge [sflag:s16], $0x200  }
0x8f: {  	[sflag:s16] =	ssyncset.done $0x0  }
0x90: {  	[sflag:s16] =	ssyncadd.s32 $0xFFFFFE00  }
0x91: {  	_ =	swait.ge [sflag:s16], $0x200  }
0x92: {  	[sflag:s16] =	ssyncset.done $0x0  }
0x93: {  	[sflag:s16] =	ssyncadd.s32 $0xFFFFFE00  }
0x94: {  	_ =	swait.ge [sflag:s16], $0x200  }
0x95: {  	[sflag:s16] =	ssyncset.done $0x0  }
0x96: {  	[sflag:s16] =	ssyncadd.s32 $0xFFFFFE00  }
0x97: {  	_ =	swait.ge [sflag:s16], $0x200  }
0x98: {  	[sflag:s16] =	ssyncset.done $0x0  }
0x99: {  	[sflag:s16] =	ssyncadd.s32 $0xFFFFFE00  }
0x9a: {  	_ =	swait.ge [sflag:s16], $0x200  }
0x9b: {  	[sflag:s16] =	ssyncset.done $0x0  }
0x9c: {  	[sflag:s16] =	ssyncadd.s32 $0xFFFFFE00  }
0x9d: {  	_ =	swait.ge [sflag:s16], $0x200  }
0x9e: {  	[sflag:s16] =	ssyncset.done $0x0  }
0x9f: {  	[sflag:s16] =	ssyncadd.s32 $0xFFFFFE00  }
0xa0: {  	_ =	swait.ge [sflag:s16], $0x200  }
0xa1: {  	[sflag:s16] =	ssyncset.done $0x0  }
0xa2: {  	[sflag:s16] =	ssyncadd.s32 $0xFFFFFE00  }
0xa3: {  	_ =	swait.ge [sflag:s16], $0x200  }
0xa4: {  	[sflag:s16] =	ssyncset.done $0x0  }
0xa5: {  	[sflag:s16] =	ssyncadd.s32 $0xFFFFFE00  }
0xa6: {  	_ =	swait.ge [sflag:s16], $0x200  }
0xa7: {  	[sflag:s16] =	ssyncset.done $0x0  }
0xa8: {  	[sflag:s16] =	ssyncadd.s32 $0xFFFFFE00  }
0xa9: {  	_ =	swait.ge [sflag:s16], $0x200  }
0xaa: {  	[sflag:s16] =	ssyncset.done $0x0  }
0xab: {  	[sflag:s16] =	ssyncadd.s32 $0xFFFFFE00  }
0xac: {  	_ =	swait.ge [sflag:s16], $0x200  }
0xad: {  	[sflag:s16] =	ssyncset.done $0x0  }
0xae: {  	[sflag:s16] =	ssyncadd.s32 $0xFFFFFE00  }
0xaf: {  	_ =	swait.ge [sflag:s16], $0x200  }
0xb0: {  	[sflag:s16] =	ssyncset.done $0x0  }
0xb1: {  	[sflag:s16] =	ssyncadd.s32 $0xFFFFFE00  }
0xb2: {  	_ =	swait.ge [sflag:s16], $0x200  }
0xb3: {  	[sflag:s16] =	ssyncset.done $0x0  }
0xb4: {  	[sflag:s16] =	ssyncadd.s32 $0xFFFFFE00  }
0xb5: {  	_ =	swait.ge [sflag:s16], $0x200  }
0xb6: {  	[sflag:s16] =	ssyncset.done $0x0  }
0xb7: {  	[sflag:s16] =	ssyncadd.s32 $0xFFFFFE00  }
0xb8: {  	_ =	swait.ge [sflag:s16], $0x200  }
0xb9: {  	[sflag:s16] =	ssyncset.done $0x0  }
0xba: {  	[sflag:s16] =	ssyncadd.s32 $0xFFFFFE00  }
0xbb: {  	_ =	swait.ge [sflag:s16], $0x200  }
0xbc: {  	[sflag:s16] =	ssyncset.done $0x0  }
0xbd: {  	[sflag:s16] =	ssyncadd.s32 $0xFFFFFE00  }
0xbe: {  	_ =	swait.ge [sflag:s16], $0x200  }
0xbf: {  	[sflag:s16] =	ssyncset.done $0x0  }
0xc0: {  	[sflag:s16] =	ssyncadd.s32 $0xFFFFFE00  }
0xc1: {  	_ =	swait.ge [sflag:s16], $0x110  }
0xc2: {  	s31 =	sshll.u32 s0, $0x6;
	[sflag:s16] =	ssyncset.done $0x0  }
0xc3: {  	s23 =	sor.u32 $0x1C03, s31;
	[sflag:s16] =	ssyncadd.s32 $0xFFFFFEF0  }
0xc4: {  	[spmem:s17], [sflag:s23] =	dma.local [hbm:s7], $0x4F0  }
0xc5: {  	_ =	swait.ge [sflag:s18], $0x4F0  }
0xc6: {  	[sflag:s18] =	ssyncset.done $0x0  }
0xc7: {  	s24 =	simm.s32 $0x40;
	s25 =	simm.s32 $0x0;
	[sflag:s18] =	ssyncadd.s32 $0xFFFFFB10  }
.LBB2_6:
0xc8: {  	p0 =	sne.s32 s24, $0x9DC0;
	[tilespmem:s25+$0x9000] =	vst v2;
	s25 =	smov.u32 s24;
	s24 =	sadd.s32 $0x40, s24  }
.Ltmp4:
0xc9: {  	(pc) =	sbr.rel @p0 .LBB2_6-.Ltmp4, $2  }
0xca: {  	_ =	sdelay $0x2  }
0xcb: {  	s25 =	sshra.s32 s25, $0x2  }
0xcc: {  	[tilespmem:s25+$0x9000] =	vst v2  }
0xcd: {  	[spmem:s8] =	stream.linear.scatter [tilespmem:s19], [sflag:$0x3], $0x2780, $0x38;
	[tilespmem:$0x10680] =	vst v63  }
.Ltmp5:
0xce: {  	_ =	swait.ge [sflag:s18], $0x2780;
	(pc) =	sbr.rel .LBB2_8-.Ltmp5, $4  }
0xcf: {  	[sflag:s18] =	ssyncset.done $0x0  }
0xd0: {  	[sflag:s18] =	ssyncadd.s32 $0xFFFFD880  }
0xd1: {  	s24 =	simm.s32 $0x0;
	[bflag:$0x0] =	sbarrier.arrive $0xFFFF  }
0xd2: {  	[tilespmem:s21], [sflag:$0x1] =	stream.indirect.gather [spmem:s2], $0x10, s24, s20, $0xb8;
	[tilespmem:$0x10680] =	vst v63  }
.LBB2_10:
0xd3: {  	p0 =	slt.u32 s25, $0x14  }
.Ltmp6:
0xd4: {  	_ =	swait.ge [sflag:s14], $0x2000;
	s24 =	sshll.u32 s24, $0x9;
	(pc) =	sbr.rel @!p0 .LBB2_11-.Ltmp6, $4  }
0xd5: {  	s26 =	sshll.u32 s26, $0xD;
	[sflag:s14] =	ssyncset.done $0x0;
	s24 =	sand.u32 $0x3FFFFE00, s24  }
0xd6: {  	s26 =	sor.u32 $0x5000, s26;
	[sflag:s14] =	ssyncadd.s32 $0xFFFFE000;
	s24 =	sadd.s32 $0x2800, s24  }
0xd7: {  	[spmem:s3] =	stream.indirect.scatter.add.f32 [tilespmem:s26], [sflag:$0x2], $0x10, s24, s20, $0xb8;
	[tilespmem:$0x10680] =	vst v63  }
0xd8: {  	s24 =	smov.u32 s25  }
.LBB2_8:
0xd9: {  	p0 =	seq.s32 s24, $0x0  }
0xda: {  	p1 =	seq.s32 @!p0 s24, $0x13  }
0xdb: {  	p1 =	por p0, !p1  }
.Ltmp7:
0xdc: {  	_ = 	snop;
	(pc) =	sbr.rel @!p1 .LBB2_10-.Ltmp7, $4  }
0xdd: {  	s25 =	simm.s32 @!p0 $0x2  }
0xde: {  	_ =	swait.ge @!p0 [sflag:s25], $0x2000  }
0xdf: {  	[sflag:s25] =	ssyncset.done @!p0 $0x0  }
0xe0: {  	s26 =	sand.u32 $0x1, s24;
	[sflag:s25] =	ssyncadd.s32 @!p0 $0xFFFFE000;
	s25 =	simm.s32 @!p0 $0x14  }
.Ltmp8:
0xe1: {  	s25 =	sadd.s32 @!p0 $0x1, s24;
	(pc) =	sbr.rel .LBB2_10-.Ltmp8, $4  }
0xe2: {  	s25 =	simm.s32 @p0 $0x1  }
0xe3: {  	s28 =	sshll.u32 s26, $0xD;
	s29 =	sshll.u32 s25, $0x9  }
0xe4: {  	s28 =	sxor.u32 $0x7000, s28;
	s29 =	sand.u32 $0x3FFFFE00, s29  }
0xe5: {  	[tilespmem:s28], [sflag:$0x1] =	stream.indirect.gather [spmem:s2], $0x10, s29, s20, $0xb8;
	[tilespmem:$0x10680] =	vst v63  }
.LBB2_12:
0xe6: {  	_ =	sfence.sel $0x180000  }
0xe7: {  	[bflag:$0x0] =	sbarrier.arrive $0xFFFF  }
0xe8: {  	p0 =	sne.s32 s0, $0x0;
	_ =	strace $0x9000004A  }
0xe9: {  	s0 =	sadd.s32 @!p0 $0x100000, s1;
	[bflag:$0x2] =	sbarrier.arrive $0xFFFF  }
0xea: {  	[sflag:s0] =	ssyncadd.tile.s32 @!p0 $0x1;
	_ =	shalt  }
.Lfunc_end2:
_tile_overlayer_lowered:
.L_overlay_start_2:
0xeb: {  	(tag) =	ssettag $0x2  }
0xec: {  	s0 =	rddreg [dreg:$0x0];
	s2 =	stileid.u32  }
0xed: {  	s1 =	rddreg [dreg:$0x1];
	p0 =	sne.s32 s2, $0x0  }
0xee: {  	s3 =	rddreg [dreg:$0x2];
	[bflag:$0x3] =	sbarrier.arrive $0xFFFF;
	s2 =	simm.s32 @!p0 $0x1C03  }
0xef: {  	[timem:s3], [sflag:s2] =	dma.local @!p0 [hbm:s0], s1  }
0xf0: {  	s0 =	simm.s32 @!p0 $0x3  }
0xf1: {  	_ =	swait.ge @!p0 [sflag:s0], s1  }
0xf2: {  	s1 =	ssub.s32 @!p0 $0x0, s1;
	[sflag:s0] =	ssyncset.done @!p0 $0x0  }
0xf3: {  	[sflag:s0] =	ssyncadd.s32 @!p0 s1  }
0xf4: {  	[bflag:$0x3] =	sbarrier.arrive $0xFFFF  }
0xf5: {  	_ =	shalt  }

// kernel: kernel.14.cloned.1.call-start
scs
__scs_entry_jumppad:
0x0: {  	(pc) =	sbr.rel $0x88, $3  }
0x1: {  	(tag) =	ssettag $0x0;
	lr =	simm.s32 $0x1  }
0x2: {  	[smem:$0x3F99] =	sst lr;
	_ =	strace $0xD0000000  }
0x3: {  	_ = 	snop  }
0x4: {  	_ = 	snop  }
0x5: {  	_ = 	snop  }
0x6: {  	_ = 	snop  }
0x7: {  	_ = 	snop  }
__scs_overlays_trampoline_lowered:
0x8: {  	[smem:$0x3FA8] =	sst s0  }
0x9: {  	[smem:$0x3FA9] =	sst s1  }
0xa: {  	[smem:$0x3FAA] =	sst s2  }
0xb: {  	[smem:$0x3FAB] =	sst s3  }
0xc: {  	[smem:$0x3FAC] =	sst s4  }
0xd: {  	[smem:$0x3FAD] =	sst s5  }
0xe: {  	[smem:$0x3FAE] =	sst s6  }
0xf: {  	[smem:$0x3FAF] =	sst s7  }
0x10: {  	[smem:$0x3FB0] =	sst s8  }
0x11: {  	[smem:$0x3FB1] =	sst s9;
	s0 =	simm.s32 @!p0 $0x0  }
0x12: {  	s1 =	sld [smem:$0x3F97];
	s0 =	simm.s32 @p0 $0x1  }
0x13: {  	[smem:$0x3FB2] =	sst s0;
	s0 =	simm.s32 @!p1 $0x0  }
0x14: {  	s2 =	sld [smem:$0x3F96];
	s0 =	simm.s32 @p1 $0x1  }
0x15: {  	[smem:$0x3FB3] =	sst s0;
	s0 =	simm.s32 @!p2 $0x0  }
0x16: {  	s3 =	sld [smem:$0x3FDB];
	s0 =	simm.s32 @p2 $0x1  }
0x17: {  	s4 =	simm.s32 $0x1BF5;
	[smem:$0x3FB5] =	sst s0  }
0x18: {  	s0 =	sld [smem:$0x3F98];
	_ =	swait.ge [sflag:s4], $0x0  }
0x19: {  	s7 =	sld [smem:$0x3F99]  }
0x1a: {  	s8 =	sadd.s32 $0xFFFFE003, lr  }
0x1b: {  	s9 =	sadd.s32 $0xFFFFFEF7, lr;
	s5 =	simm.s32 $0xFFFFFFFF;
	p2 =	slt.u32 s8, $0xFFFFF086  }
0x1c: {  	p1 =	slt.u32 s9, $0xF7A;
	s5 =	simm.s32 @!p2 $0x0  }
0x1d: {  	s5 =	simm.s32 @p1 $0x1;
	p0 =	seq.s32 s7, s2  }
0x1e: {  	s7 =	smul.u32 @!p0 $0xF7A, s2;
	p2 =	seq.s32 @!p0 s5, $0x0  }
0x1f: {  	s9 =	smul.u32 $0xF7A, s1;
	s8 =	simm.s32 @!p0 $0x1BF5;
	p2 =	por !p2, p0  }
0x20: {  	[sflag:s8] =	ssyncset.s32 @!p0 $0xFFFFF086;
	s6 =	sadd.s32 @!p0 s3, s7;
	s7 =	simm.s32 @!p0 $0x108  }
0x21: {  	s3 =	sadd.s32 s3, s9;
	s6 =	sadd.s32 @!p0 $0x88, s6;
	s7 =	simm.s32 @p2 $0x1082  }
0x22: {  	[simem:s7], [sflag:s8] =	dma.local @!p0 [hbm:s6], $0xF7A  }
0x23: {  	s9 =	sor.u32 $0xD0000000, s2;
	s6 =	simm.s32 $0x108;
	_ =	swait.ge @!p0 [sflag:s8], $0x0  }
0x24: {  	s3 =	sadd.s32 $0x88, s3;
	s6 =	simm.s32 @!p1 $0x1082;
	[sflag:s4] =	ssyncset.s32 $0xFFFFF086  }
0x25: {  	[simem:s6], [sflag:s4] =	dma.local [hbm:s3], $0xF7A  }
0x26: {  	[smem:$0x3F99] =	sst s1;
	(tag) =	ssettag s2;
	_ =	strace s9  }
0x27: {  	s1 =	sld [smem:$0x3FA9]  }
0x28: {  	s2 =	sld [smem:$0x3FAA]  }
0x29: {  	s4 =	sld [smem:$0x3FAC]  }
0x2a: {  	p0 =	seq.s32 s5, $0x0;
	s5 =	sld [smem:$0x3FAD]  }
0x2b: {  	s6 =	sld [smem:$0x3FAE]  }
0x2c: {  	s7 =	sld [smem:$0x3FAF]  }
0x2d: {  	s3 =	simm.s32 $0x108;
	s8 =	sld [smem:$0x3FB0]  }
0x2e: {  	s3 =	simm.s32 @!p0 $0x1082;
	s9 =	sld [smem:$0x3FB1]  }
0x2f: {  	lr =	sadd.s32 s0, s3;
	s0 =	sld [smem:$0x3FA8]  }
0x30: {  	s3 =	sld [smem:$0x3FAB]  }
0x31: {  	[smem:$0x3FB4] =	sst s10  }
0x32: {  	s10 =	sld [smem:$0x3FB2];
	_ =	sdelay $0x3  }
0x33: {  	p0 =	seq.s32 s10, $0x1;
	s10 =	sld [smem:$0x3FB4];
	_ =	sdelay $0x3  }
0x34: {  	[smem:$0x3FB4] =	sst s10  }
0x35: {  	s10 =	sld [smem:$0x3FB3];
	_ =	sdelay $0x3  }
0x36: {  	p1 =	seq.s32 s10, $0x1;
	s10 =	sld [smem:$0x3FB4];
	_ =	sdelay $0x3  }
0x37: {  	[smem:$0x3FB4] =	sst s10  }
0x38: {  	s10 =	sld [smem:$0x3FB5]  }
0x39: {  	_ = 	snop;
	(pc) =	sbr.ind lr, $3  }
0x3a: {  	_ = 	snop  }
0x3b: {  	_ = 	snop  }
0x3c: {  	p2 =	seq.s32 s10, $0x1;
	s10 =	sld [smem:$0x3FB4]  }
0x3d: {  	_ =	shalt  }
0x3e: {  	_ =	shalt  }
0x3f: {  	_ =	shalt  }
0x40: {  	_ =	shalt  }
0x41: {  	_ =	shalt  }
0x42: {  	_ =	shalt  }
0x43: {  	_ =	shalt  }
0x44: {  	_ =	shalt  }
0x45: {  	_ =	shalt  }
0x46: {  	_ =	shalt  }
0x47: {  	_ =	shalt  }
0x48: {  	_ =	shalt  }
0x49: {  	_ =	shalt  }
0x4a: {  	_ =	shalt  }
0x4b: {  	_ =	shalt  }
0x4c: {  	_ =	shalt  }
0x4d: {  	_ =	shalt  }
0x4e: {  	_ =	shalt  }
0x4f: {  	_ =	shalt  }
0x50: {  	_ =	shalt  }
0x51: {  	_ =	shalt  }
0x52: {  	_ =	shalt  }
0x53: {  	_ =	shalt  }
0x54: {  	_ =	shalt  }
0x55: {  	_ =	shalt  }
0x56: {  	_ =	shalt  }
0x57: {  	_ =	shalt  }
0x58: {  	_ =	shalt  }
0x59: {  	_ =	shalt  }
0x5a: {  	_ =	shalt  }
0x5b: {  	_ =	shalt  }
0x5c: {  	_ =	shalt  }
0x5d: {  	_ =	shalt  }
0x5e: {  	_ =	shalt  }
0x5f: {  	_ =	shalt  }
0x60: {  	_ =	shalt  }
0x61: {  	_ =	shalt  }
0x62: {  	_ =	shalt  }
0x63: {  	_ =	shalt  }
0x64: {  	_ =	shalt  }
0x65: {  	_ =	shalt  }
0x66: {  	_ =	shalt  }
0x67: {  	_ =	shalt  }
0x68: {  	_ =	shalt  }
0x69: {  	_ =	shalt  }
0x6a: {  	_ =	shalt  }
0x6b: {  	_ =	shalt  }
0x6c: {  	_ =	shalt  }
0x6d: {  	_ =	shalt  }
0x6e: {  	_ =	shalt  }
0x6f: {  	_ =	shalt  }
0x70: {  	_ =	shalt  }
0x71: {  	_ =	shalt  }
0x72: {  	_ =	shalt  }
0x73: {  	_ =	shalt  }
0x74: {  	_ =	shalt  }
0x75: {  	_ =	shalt  }
0x76: {  	_ =	shalt  }
0x77: {  	_ =	shalt  }
0x78: {  	_ =	shalt  }
0x79: {  	_ =	shalt  }
0x7a: {  	_ =	shalt  }
0x7b: {  	_ =	shalt  }
0x7c: {  	_ =	shalt  }
0x7d: {  	_ =	shalt  }
0x7e: {  	_ =	shalt  }
0x7f: {  	_ =	shalt  }
0x80: {  	_ =	shalt  }
0x81: {  	_ =	shalt  }
0x82: {  	_ =	shalt  }
0x83: {  	_ =	shalt  }
0x84: {  	_ =	shalt  }
0x85: {  	_ =	shalt  }
0x86: {  	_ =	shalt  }
0x87: {  	_ =	shalt  }
.Lfunc_end0:
.L_simem_size_0:
called_computation.2_lowered:
.L_overlay_start_0:
0x88: {  	s2 =	sld [smem:$0x3FD9]  }
0x89: {  	s3 =	sld [smem:$0x3FFE];
	_ =	sdelay $0x1  }
0x8a: {  	s1 =	srdreg.scid  }
0x8b: {  	s0 =	sand.u32 $0x1, s1  }
0x8c: {  	s16 =	sshll.u32 s0, $0xA;
	s2 =	sadd.s32 s3, s2  }
0x8d: {  	s2 =	sadd.s32 s2, s16  }
0x8e: {  	[smem:$0x3FC0] =	sst s2  }
0x8f: {  	_ = 	snop  }
0x90: {  	(tm) =	ssettm $0x1  }
0x91: {  	s17 =	sld [smem:$0x3FFB];
	_ =	sdelay $0x3  }
0x92: {  	_ =	strace s17  }
0x93: {  	s2 =	sld [smem:$0x3FFC];
	_ =	sdelay $0x3  }
0x94: {  	_ =	strace s2  }
0x95: {  	s2 =	sld [smem:$0x3FFD];
	_ =	sdelay $0x3  }
0x96: {  	_ =	strace s2  }
0x97: {  	_ =	strace $0x8FFFFFFF  }
0x98: {  	s18 =	sld [smem:$0x3FDB];
	_ =	sdelay $0x1  }
0x99: {  	s19 =	simm.s32 $_scs_section_size  }
0x9a: {  	s4 =	simm.s32 $_size__tile_overlayer_lowered;
	s5 =	simm.s32 $_tile_overlayer_lowered  }
0x9b: {  	s22 =	simm.s32 $0x1BFF;
	s21 =	sshll.u32 s5, $0x1;
	s2 =	sadd.s32 s19, s18  }
0x9c: {  	s6 =	simm.s32 $0x0;
	s20 =	sshll.u32 s4, $0x1;
	s4 =	sadd.s32 s21, s2  }
0x9d: {  	[timem:s6], [sflag:s22] =	dma.local [hbm:s4], s20  }
0x9e: {  	_ =	swait.ge [sflag:s22], s20  }
0x9f: {  	s3 =	ssub.s32 $0x0, s20;
	[sflag:s22] =	ssyncset.done $0x0  }
0xa0: {  	[sflag:s22] =	ssyncadd.s32 s3;
	_ =	sdelay $0x1  }
0xa1: {  	s23 =	simm.s32 $0x1B8B  }
0xa2: {  	_ =	swait.ge [sflag:s23], $0x1  }
0xa3: {  	[sflag:s23] =	ssyncset.done $0x0  }
0xa4: {  	s25 =	simm.s32 $0x1B8E;
	s24 =	sld [smem:$0x3FFE];
	[sflag:s23] =	ssyncadd.s32 $0xFFFFFFFF  }
0xa5: {  	s26 =	simm.s32 $execute0_lowered;
	[smem:$0x3FD2] =	sst s25  }
0xa6: {  	s4 =	sshll.u32 s26, $0x1;
	_ =	strace $0x8000004C;
	[dreg:$0x1] =	wrdreg $0xFFFFFFFF  }
0xa7: {  	s28 =	simm.s32 $_size_execute0_lowered;
	s2 =	sadd.s32 s2, s4;
	[dreg:$0x0] =	wrdreg $0x0  }
0xa8: {  	s4 =	sshll.u32 s28, $0x1;
	[dreg:$0x2] =	wrdreg s2  }
0xa9: {  	[dreg:$0x3] =	wrdreg s4  }
0xaa: {  	[dreg:$0x4] =	wrdreg $0xC0  }
0xab: {  	_ =	task [dreg:s6], $0x5FFFF  }
0xac: {  	[dreg:$0x1] =	wrdreg $0xFFFFFFFF  }
0xad: {  	[dreg:$0x0] =	wrdreg $0x60  }
0xae: {  	[dreg:$0x2] =	wrdreg s24  }
0xaf: {  	[dreg:$0x3] =	wrdreg $0xDF000  }
0xb0: {  	[dreg:$0x4] =	wrdreg $0xB7800  }
0xb1: {  	[dreg:$0x5] =	wrdreg $0x9  }
0xb2: {  	_ =	task.clear_ibuf [dreg:s6], $0x6FFFF;
	_ =	strace $0x9000004C  }
0xb3: {  	s29 =	simm.s32 $0x9;
	_ =	strace $0x8000004E  }
0xb4: {  	_ =	swait.ge [sflag:s29], $0x1  }
0xb5: {  	[sflag:s29] =	ssyncadd.s32 $0xFFFFFFFF  }
0xb6: {  	_ =	strace $0x9000004E  }
0xb7: {  	_ =	sfence  }
0xb8: {  	s30 =	sld [smem:$0x0];
	_ =	sdelay $0x2  }
0xb9: {  	s31 =	sshll.u32 s1, $0xD;
	s1 =	sshrl.u32 s1, $0x2  }
0xba: {  	s3 =	sand.u32 $0x4000, s31;
	s1 =	sadd.s32 s1, s30  }
0xbb: {  	s0 =	sor.u32 s3, s0;
	s1 =	sshll.u32 s1, $0x11  }
0xbc: {  	s0 =	sor.u32 s1, s0  }
0xbd: {  	s0 =	sadd.s32 $0x8F2B, s0  }
0xbe: {  	[sflag:s0] =	ssyncadd.remote.s32 $0x1  }
0xbf: {  	_ =	sfence.sel $0xFFFF  }
0xc0: {  	[dreg:$0x0] =	wrdreg $0xFFFFFFFF;
	(pc) =	sbr.abs _section_cstart, $3  }
0xc1: {  	[dreg:$0x1] =	wrdreg $0xFFFFFFFF  }
0xc2: {  	_ =	task.clear_ibuf [dreg:s6], $0x2FFFF;
	_ =	strace $0x9FFFFFFF  }
0xc3: {  	(tm) =	ssettm $0x7FFFFFFF  }
tec
execute0_lowered:
.L_overlay_start_1:
0x0: {  	(tag) =	ssettag $0x1  }
0x1: {  	s5 =	rddreg [dreg:$0x0]  }
0x2: {  	s2 =	rddreg [dreg:$0x1]  }
0x3: {  	s0 =	stileid.u32;
	s1 =	srdreg.scid  }
0x4: {  	s3 =	rddreg [dreg:$0x2];
	s4 =	simm.s32 $0x0;
	s15 =	simm.s32 $0x4E00  }
0x5: {  	s16 =	simm.s32 $0x2;
	s18 =	simm.s32 $0x3;
	s19 =	simm.s32 $0x9000  }
0x6: {  	s20 =	simm.s32 $0x200;
	s21 =	simm.s32 $0x5000;
	s22 =	simm.s32 $0x0  }
0x7: {  	s8 =	smul.u32 $0x2780, s0;
	s6 =	sand.u32 $0x1, s1;
	s1 =	rddreg [dreg:$0x3]  }
0x8: {  	[smem:$0x7FF] =	sst s4;
	s9 =	sshll.u32 s0, $0x1;
	s28 =	smul.u32 $0x4E20, s0  }
0x9: {  	s12 =	sadd.s32 $0x2E00, s5;
	s7 =	smul.u32 $0x27800, s6;
	_ =	strace $0x8000004D  }
0xa: {  	s9 =	sor.u32 s6, s9;
	s25 =	ssub.s32 $0x2, s6;
	s14 =	smul.u32 $0x2710, s6  }
0xb: {  	s10 =	sshrl.u32 s8, $0x3;
	s9 =	smul.u32 $0x2710, s9;
	s13 =	sshrl.u32 s25, $0x1  }
0xc: {  	s17 =	sadd.s32 s8, s2;
	s7 =	sadd.s32 s8, s7;
	s10 =	sadd.s32 s10, s5  }
0xd: {  	s13 =	ssub.s32 s25, s13;
	s14 =	sadd.s32 s14, s28;
	s8 =	sadd.s32 s8, s3  }
0xe: {  	s17 =	sshrl.u32 s17, $0x3;
	s7 =	sshrl.u32 s7, $0x3;
	s26 =	sshrl.u32 s9, $0x3  }
.Ltmp0:
0xf: {  	s29 =	sadd.s32 $0x4E200, s14;
	s30 =	sshrl.u32 s14, $0x3;
	(pc) =	sbr.rel .LBB2_1-.Ltmp0, $4  }
0x10: {  	s14 =	simm.s32 $0x1;
	s11 =	sadd.s32 s7, s5;
	s7 =	sadd.s32 s12, s26  }
0x11: {  	s31 =	sshrl.u32 s29, $0x3;
	s5 =	sadd.s32 $0x4C0, s7;
	s6 =	sadd.s32 $0xA100, s7  }
0x12: {  	v1 =	vlaneseq.u32;
	s7 =	sadd.s32 $0x16800, s10;
	s9 =	sadd.s32 $0x1B800, s11;
	s10 =	smax.u32 s13, $0x1  }
0x13: {  	v0 =	vimm.s32 $0x0;
	v2 =	vimm.f32 $0.0e+00;
	v1 =	vor.u32 $0x2710, v1;
	s11 =	sadd.s32 s30, s12;
	s12 =	sadd.s32 s31, s12;
	s13 =	simm.s32 $0x2600  }
.LBB2_11:
0x14: {  	_ =	swait.ge [sflag:s16], $0x2000  }
0x15: {  	s22 =	sadd.s32 $0x1, s22;
	[sflag:s16] =	ssyncset.done $0x0  }
0x16: {  	p0 =	sne.s32 s22, s10;
	[sflag:s16] =	ssyncadd.s32 $0xFFFFE000  }
.Ltmp1:
0x17: {  	s24 =	sshrl.u32 s8, $0x3;
	[bflag:$0x0] =	sbarrier.arrive $0xFFFF;
	(pc) =	sbr.rel @!p0 .LBB2_12-.Ltmp1, $4  }
0x18: {  	[hbm:s9], [sflag:s23] =	dma.local [spmem:s24], $0x4F0  }
0x19: {  	_ =	swait.ge [sflag:s18], $0x4F0  }
0x1a: {  	[sflag:s18] =	ssyncset.done $0x0  }
0x1b: {  	[sflag:s18] =	ssyncadd.s32 $0xFFFFFB10  }
.LBB2_1:
0x1c: {  	s23 =	simm.s32 $0x40  }
0x1d: {  	s26 =	sadd.s32 $0x0, s11;
	s24 =	simm.s32 $0x200;
	s25 =	simm.s32 $0x0  }
.LBB2_2:
0x1e: {  	[tilespmem:s25], [sflag:$0x1] =	stream.linear.gather [hbm4b:s26+s4], $0x200, $0x38;
	[tilespmem:$0x10680] =	vst v63  }
0x1f: {  	s26 =	smov.u32 s23;
	s25 =	smov.u32 s24;
	p0 =	sne.s32 s23, $0x480  }
.Ltmp2:
0x20: {  	s23 =	sadd.s32 $0x40, s23;
	(pc) =	sbr.rel @p0 .LBB2_2-.Ltmp2, $2  }
0x21: {  	_ =	sdelay $0x2  }
0x22: {  	s24 =	sadd.s32 $0x200, s24;
	s26 =	sadd.s32 s26, s11  }
0x23: {  	[tilespmem:s25], [sflag:$0x1] =	stream.linear.gather [hbm4b:s26+s4], $0x200, $0x38;
	[tilespmem:$0x10680] =	vst v63  }
0x24: {  	s23 =	simm.s32 $0x0  }
0x25: {  	[tilespmem:s13], [sflag:$0x1] =	stream.linear.gather [hbm4b:s5+s23], $0x110, $0x38;
	[tilespmem:$0x10680] =	vst v63  }
0x26: {  	[tilespmem:$0x2710] =	vst v0  }
0x27: {  	[tilespmem:$0x2720] =	vst v0  }
0x28: {  	[tilespmem:$0x2730] =	vst v0  }
0x29: {  	[tilespmem:$0x2740] =	vst v0  }
0x2a: {  	[tilespmem:$0x2750] =	vst v0  }
0x2b: {  	[tilespmem:$0x2760] =	vst v0  }
0x2c: {  	[tilespmem:$0x2770] =	vst v0  }
0x2d: {  	[tilespmem:$0x2780] =	vst v0  }
0x2e: {  	[tilespmem:$0x2790] =	vst v0  }
0x2f: {  	[tilespmem:$0x27A0] =	vst v0  }
0x30: {  	[tilespmem:$0x27B0] =	vst v0  }
0x31: {  	[tilespmem:$0x27C0] =	vst v0  }
0x32: {  	[tilespmem:$0x27D0] =	vst v0  }
0x33: {  	[tilespmem:$0x27E0] =	vst v0  }
0x34: {  	[tilespmem:$0x27F0] =	vst v0  }
0x35: {  	_ =	swait.ge [sflag:s14], $0x200  }
0x36: {  	[sflag:s14] =	ssyncset.done $0x0  }
0x37: {  	[sflag:s14] =	ssyncadd.s32 $0xFFFFFE00  }
0x38: {  	_ =	swait.ge [sflag:s14], $0x200  }
0x39: {  	[sflag:s14] =	ssyncset.done $0x0  }
0x3a: {  	[sflag:s14] =	ssyncadd.s32 $0xFFFFFE00  }
0x3b: {  	_ =	swait.ge [sflag:s14], $0x200  }
0x3c: {  	[sflag:s14] =	ssyncset.done $0x0  }
0x3d: {  	[sflag:s14] =	ssyncadd.s32 $0xFFFFFE00  }
0x3e: {  	_ =	swait.ge [sflag:s14], $0x200  }
0x3f: {  	[sflag:s14] =	ssyncset.done $0x0  }
0x40: {  	[sflag:s14] =	ssyncadd.s32 $0xFFFFFE00  }
0x41: {  	_ =	swait.ge [sflag:s14], $0x200  }
0x42: {  	[sflag:s14] =	ssyncset.done $0x0  }
0x43: {  	[sflag:s14] =	ssyncadd.s32 $0xFFFFFE00  }
0x44: {  	_ =	swait.ge [sflag:s14], $0x200  }
0x45: {  	[sflag:s14] =	ssyncset.done $0x0  }
0x46: {  	[sflag:s14] =	ssyncadd.s32 $0xFFFFFE00  }
0x47: {  	_ =	swait.ge [sflag:s14], $0x200  }
0x48: {  	[sflag:s14] =	ssyncset.done $0x0  }
0x49: {  	[sflag:s14] =	ssyncadd.s32 $0xFFFFFE00  }
0x4a: {  	_ =	swait.ge [sflag:s14], $0x200  }
0x4b: {  	[sflag:s14] =	ssyncset.done $0x0  }
0x4c: {  	[sflag:s14] =	ssyncadd.s32 $0xFFFFFE00  }
0x4d: {  	_ =	swait.ge [sflag:s14], $0x200  }
0x4e: {  	[sflag:s14] =	ssyncset.done $0x0  }
0x4f: {  	[sflag:s14] =	ssyncadd.s32 $0xFFFFFE00  }
0x50: {  	_ =	swait.ge [sflag:s14], $0x200  }
0x51: {  	[sflag:s14] =	ssyncset.done $0x0  }
0x52: {  	[sflag:s14] =	ssyncadd.s32 $0xFFFFFE00  }
0x53: {  	_ =	swait.ge [sflag:s14], $0x200  }
0x54: {  	[sflag:s14] =	ssyncset.done $0x0  }
0x55: {  	[sflag:s14] =	ssyncadd.s32 $0xFFFFFE00  }
0x56: {  	_ =	swait.ge [sflag:s14], $0x200  }
0x57: {  	[sflag:s14] =	ssyncset.done $0x0  }
0x58: {  	[sflag:s14] =	ssyncadd.s32 $0xFFFFFE00  }
0x59: {  	_ =	swait.ge [sflag:s14], $0x200  }
0x5a: {  	[sflag:s14] =	ssyncset.done $0x0  }
0x5b: {  	[sflag:s14] =	ssyncadd.s32 $0xFFFFFE00  }
0x5c: {  	_ =	swait.ge [sflag:s14], $0x200  }
0x5d: {  	[sflag:s14] =	ssyncset.done $0x0  }
0x5e: {  	[sflag:s14] =	ssyncadd.s32 $0xFFFFFE00  }
0x5f: {  	_ =	swait.ge [sflag:s14], $0x200  }
0x60: {  	[sflag:s14] =	ssyncset.done $0x0  }
0x61: {  	[sflag:s14] =	ssyncadd.s32 $0xFFFFFE00  }
0x62: {  	_ =	swait.ge [sflag:s14], $0x200  }
0x63: {  	[sflag:s14] =	ssyncset.done $0x0  }
0x64: {  	[sflag:s14] =	ssyncadd.s32 $0xFFFFFE00  }
0x65: {  	_ =	swait.ge [sflag:s14], $0x200  }
0x66: {  	[sflag:s14] =	ssyncset.done $0x0  }
0x67: {  	[sflag:s14] =	ssyncadd.s32 $0xFFFFFE00  }
0x68: {  	_ =	swait.ge [sflag:s14], $0x200  }
0x69: {  	[sflag:s14] =	ssyncset.done $0x0  }
0x6a: {  	[sflag:s14] =	ssyncadd.s32 $0xFFFFFE00  }
0x6b: {  	_ =	swait.ge [sflag:s14], $0x200  }
0x6c: {  	[sflag:s14] =	ssyncset.done $0x0  }
0x6d: {  	[sflag:s14] =	ssyncadd.s32 $0xFFFFFE00  }
0x6e: {  	_ =	swait.ge [sflag:s14], $0x110  }
0x6f: {  	s24 =	simm.s32 $0x40;
	s26 =	sadd.s32 $0x0, s12;
	[sflag:s14] =	ssyncset.done $0x0  }
0x70: {  	s25 =	simm.s32 $0x2A00;
	s23 =	simm.s32 $0x2800;
	[sflag:s14] =	ssyncadd.s32 $0xFFFFFEF0  }
.LBB2_4:
0x71: {  	[tilespmem:s23], [sflag:$0x2] =	stream.linear.gather [hbm4b:s26+s4], $0x200, $0x38;
	[tilespmem:$0x10680] =	vst v63  }
0x72: {  	s26 =	smov.u32 s24;
	s23 =	smov.u32 s25;
	p0 =	sne.s32 s24, $0x480  }
.Ltmp3:
0x73: {  	s24 =	sadd.s32 $0x40, s24;
	(pc) =	sbr.rel @p0 .LBB2_4-.Ltmp3, $2  }
0x74: {  	_ =	sdelay $0x2  }
0x75: {  	s25 =	sadd.s32 $0x200, s25;
	s26 =	sadd.s32 s26, s12  }
0x76: {  	[tilespmem:s23], [sflag:$0x2] =	stream.linear.gather [hbm4b:s26+s4], $0x200, $0x38;
	[tilespmem:$0x10680] =	vst v63  }
0x77: {  	s30 =	simm.s32 $0x0  }
0x78: {  	[tilespmem:s15], [sflag:$0x2] =	stream.linear.gather [hbm4b:s6+s30], $0x110, $0x38;
	[tilespmem:$0x10680] =	vst v63  }
0x79: {  	[tilespmem:$0x4F10] =	vst v1  }
0x7a: {  	[tilespmem:$0x4F20] =	vst v1  }
0x7b: {  	[tilespmem:$0x4F30] =	vst v1  }
0x7c: {  	[tilespmem:$0x4F40] =	vst v1  }
0x7d: {  	[tilespmem:$0x4F50] =	vst v1  }
0x7e: {  	[tilespmem:$0x4F60] =	vst v1  }
0x7f: {  	[tilespmem:$0x4F70] =	vst v1  }
0x80: {  	[tilespmem:$0x4F80] =	vst v1  }
0x81: {  	[tilespmem:$0x4F90] =	vst v1  }
0x82: {  	[tilespmem:$0x4FA0] =	vst v1  }
0x83: {  	[tilespmem:$0x4FB0] =	vst v1  }
0x84: {  	[tilespmem:$0x4FC0] =	vst v1  }
0x85: {  	[tilespmem:$0x4FD0] =	vst v1  }
0x86: {  	[tilespmem:$0x4FE0] =	vst v1  }
0x87: {  	[tilespmem:$0x4FF0] =	vst v1  }
0x88: {  	_ =	swait.ge [sflag:s16], $0x200  }
0x89: {  	[sflag:s16] =	ssyncset.done $0x0  }
0x8a: {  	[sflag:s16] =	ssyncadd.s32 $0xFFFFFE00  }
0x8b: {  	_ =	swait.ge [sflag:s16], $0x200  }
0x8c: {  	[sflag:s16] =	ssyncset.done $0x0  }
0x8d: {  	[sflag:s16] =	ssyncadd.s32 $0xFFFFFE00  }
0x8e: {  	_ =	swait.ge [sflag:s16], $0x200  }
0x8f: {  	[sflag:s16] =	ssyncset.done $0x0  }
0x90: {  	[sflag:s16] =	ssyncadd.s32 $0xFFFFFE00  }
0x91: {  	_ =	swait.ge [sflag:s16], $0x200  }
0x92: {  	[sflag:s16] =	ssyncset.done $0x0  }
0x93: {  	[sflag:s16] =	ssyncadd.s32 $0xFFFFFE00  }
0x94: {  	_ =	swait.ge [sflag:s16], $0x200  }
0x95: {  	[sflag:s16] =	ssyncset.done $0x0  }
0x96: {  	[sflag:s16] =	ssyncadd.s32 $0xFFFFFE00  }
0x97: {  	_ =	swait.ge [sflag:s16], $0x200  }
0x98: {  	[sflag:s16] =	ssyncset.done $0x0  }
0x99: {  	[sflag:s16] =	ssyncadd.s32 $0xFFFFFE00  }
0x9a: {  	_ =	swait.ge [sflag:s16], $0x200  }
0x9b: {  	[sflag:s16] =	ssyncset.done $0x0  }
0x9c: {  	[sflag:s16] =	ssyncadd.s32 $0xFFFFFE00  }
0x9d: {  	_ =	swait.ge [sflag:s16], $0x200  }
0x9e: {  	[sflag:s16] =	ssyncset.done $0x0  }
0x9f: {  	[sflag:s16] =	ssyncadd.s32 $0xFFFFFE00  }
0xa0: {  	_ =	swait.ge [sflag:s16], $0x200  }
0xa1: {  	[sflag:s16] =	ssyncset.done $0x0  }
0xa2: {  	[sflag:s16] =	ssyncadd.s32 $0xFFFFFE00  }
0xa3: {  	_ =	swait.ge [sflag:s16], $0x200  }
0xa4: {  	[sflag:s16] =	ssyncset.done $0x0  }
0xa5: {  	[sflag:s16] =	ssyncadd.s32 $0xFFFFFE00  }
0xa6: {  	_ =	swait.ge [sflag:s16], $0x200  }
0xa7: {  	[sflag:s16] =	ssyncset.done $0x0  }
0xa8: {  	[sflag:s16] =	ssyncadd.s32 $0xFFFFFE00  }
0xa9: {  	_ =	swait.ge [sflag:s16], $0x200  }
0xaa: {  	[sflag:s16] =	ssyncset.done $0x0  }
0xab: {  	[sflag:s16] =	ssyncadd.s32 $0xFFFFFE00  }
0xac: {  	_ =	swait.ge [sflag:s16], $0x200  }
0xad: {  	[sflag:s16] =	ssyncset.done $0x0  }
0xae: {  	[sflag:s16] =	ssyncadd.s32 $0xFFFFFE00  }
0xaf: {  	_ =	swait.ge [sflag:s16], $0x200  }
0xb0: {  	[sflag:s16] =	ssyncset.done $0x0  }
0xb1: {  	[sflag:s16] =	ssyncadd.s32 $0xFFFFFE00  }
0xb2: {  	_ =	swait.ge [sflag:s16], $0x200  }
0xb3: {  	[sflag:s16] =	ssyncset.done $0x0  }
0xb4: {  	[sflag:s16] =	ssyncadd.s32 $0xFFFFFE00  }
0xb5: {  	_ =	swait.ge [sflag:s16], $0x200  }
0xb6: {  	[sflag:s16] =	ssyncset.done $0x0  }
0xb7: {  	[sflag:s16] =	ssyncadd.s32 $0xFFFFFE00  }
0xb8: {  	_ =	swait.ge [sflag:s16], $0x200  }
0xb9: {  	[sflag:s16] =	ssyncset.done $0x0  }
0xba: {  	[sflag:s16] =	ssyncadd.s32 $0xFFFFFE00  }
0xbb: {  	_ =	swait.ge [sflag:s16], $0x200  }
0xbc: {  	[sflag:s16] =	ssyncset.done $0x0  }
0xbd: {  	[sflag:s16] =	ssyncadd.s32 $0xFFFFFE00  }
0xbe: {  	_ =	swait.ge [sflag:s16], $0x200  }
0xbf: {  	[sflag:s16] =	ssyncset.done $0x0  }
0xc0: {  	[sflag:s16] =	ssyncadd.s32 $0xFFFFFE00  }
0xc1: {  	_ =	swait.ge [sflag:s16], $0x110  }
0xc2: {  	s31 =	sshll.u32 s0, $0x6;
	[sflag:s16] =	ssyncset.done $0x0  }
0xc3: {  	s23 =	sor.u32 $0x1C03, s31;
	[sflag:s16] =	ssyncadd.s32 $0xFFFFFEF0  }
0xc4: {  	[spmem:s17], [sflag:s23] =	dma.local [hbm:s7], $0x4F0  }
0xc5: {  	_ =	swait.ge [sflag:s18], $0x4F0  }
0xc6: {  	[sflag:s18] =	ssyncset.done $0x0  }
0xc7: {  	s24 =	simm.s32 $0x40;
	s25 =	simm.s32 $0x0;
	[sflag:s18] =	ssyncadd.s32 $0xFFFFFB10  }
.LBB2_6:
0xc8: {  	p0 =	sne.s32 s24, $0x9DC0;
	[tilespmem:s25+$0x9000] =	vst v2;
	s25 =	smov.u32 s24;
	s24 =	sadd.s32 $0x40, s24  }
.Ltmp4:
0xc9: {  	(pc) =	sbr.rel @p0 .LBB2_6-.Ltmp4, $2  }
0xca: {  	_ =	sdelay $0x2  }
0xcb: {  	s25 =	sshra.s32 s25, $0x2  }
0xcc: {  	[tilespmem:s25+$0x9000] =	vst v2  }
0xcd: {  	[spmem:s8] =	stream.linear.scatter [tilespmem:s19], [sflag:$0x3], $0x2780, $0x38;
	[tilespmem:$0x10680] =	vst v63  }
.Ltmp5:
0xce: {  	_ =	swait.ge [sflag:s18], $0x2780;
	(pc) =	sbr.rel .LBB2_8-.Ltmp5, $4  }
0xcf: {  	[sflag:s18] =	ssyncset.done $0x0  }
0xd0: {  	[sflag:s18] =	ssyncadd.s32 $0xFFFFD880  }
0xd1: {  	s24 =	simm.s32 $0x0;
	[bflag:$0x0] =	sbarrier.arrive $0xFFFF  }
0xd2: {  	[tilespmem:s21], [sflag:$0x1] =	stream.indirect.gather [spmem:s2], $0x10, s24, s20, $0xb8;
	[tilespmem:$0x10680] =	vst v63  }
.LBB2_10:
0xd3: {  	p0 =	slt.u32 s25, $0x14  }
.Ltmp6:
0xd4: {  	_ =	swait.ge [sflag:s14], $0x2000;
	s24 =	sshll.u32 s24, $0x9;
	(pc) =	sbr.rel @!p0 .LBB2_11-.Ltmp6, $4  }
0xd5: {  	s26 =	sshll.u32 s26, $0xD;
	[sflag:s14] =	ssyncset.done $0x0;
	s24 =	sand.u32 $0x3FFFFE00, s24  }
0xd6: {  	s26 =	sor.u32 $0x5000, s26;
	[sflag:s14] =	ssyncadd.s32 $0xFFFFE000;
	s24 =	sadd.s32 $0x2800, s24  }
0xd7: {  	[spmem:s3] =	stream.indirect.scatter.add.f32 [tilespmem:s26], [sflag:$0x2], $0x10, s24, s20, $0xb8;
	[tilespmem:$0x10680] =	vst v63  }
0xd8: {  	s24 =	smov.u32 s25  }
.LBB2_8:
0xd9: {  	p0 =	seq.s32 s24, $0x0  }
0xda: {  	p1 =	seq.s32 @!p0 s24, $0x13  }
0xdb: {  	p1 =	por p0, !p1  }
.Ltmp7:
0xdc: {  	_ = 	snop;
	(pc) =	sbr.rel @!p1 .LBB2_10-.Ltmp7, $4  }
0xdd: {  	s25 =	simm.s32 @!p0 $0x2  }
0xde: {  	_ =	swait.ge @!p0 [sflag:s25], $0x2000  }
0xdf: {  	[sflag:s25] =	ssyncset.done @!p0 $0x0  }
0xe0: {  	s26 =	sand.u32 $0x1, s24;
	[sflag:s25] =	ssyncadd.s32 @!p0 $0xFFFFE000;
	s25 =	simm.s32 @!p0 $0x14  }
.Ltmp8:
0xe1: {  	s25 =	sadd.s32 @!p0 $0x1, s24;
	(pc) =	sbr.rel .LBB2_10-.Ltmp8, $4  }
0xe2: {  	s25 =	simm.s32 @p0 $0x1  }
0xe3: {  	s28 =	sshll.u32 s26, $0xD;
	s29 =	sshll.u32 s25, $0x9  }
0xe4: {  	s28 =	sxor.u32 $0x7000, s28;
	s29 =	sand.u32 $0x3FFFFE00, s29  }
0xe5: {  	[tilespmem:s28], [sflag:$0x1] =	stream.indirect.gather [spmem:s2], $0x10, s29, s20, $0xb8;
	[tilespmem:$0x10680] =	vst v63  }
.LBB2_12:
0xe6: {  	_ =	sfence.sel $0x180000  }
0xe7: {  	[bflag:$0x0] =	sbarrier.arrive $0xFFFF  }
0xe8: {  	p0 =	sne.s32 s0, $0x0;
	_ =	strace $0x9000004D  }
0xe9: {  	s0 =	sadd.s32 @!p0 $0x100000, s1;
	[bflag:$0x2] =	sbarrier.arrive $0xFFFF  }
0xea: {  	[sflag:s0] =	ssyncadd.tile.s32 @!p0 $0x1;
	_ =	shalt  }
.Lfunc_end2:
_tile_overlayer_lowered:
.L_overlay_start_2:
0xeb: {  	(tag) =	ssettag $0x2  }
0xec: {  	s0 =	rddreg [dreg:$0x0];
	s2 =	stileid.u32  }
0xed: {  	s1 =	rddreg [dreg:$0x1];
	p0 =	sne.s32 s2, $0x0  }
0xee: {  	s3 =	rddreg [dreg:$0x2];
	[bflag:$0x3] =	sbarrier.arrive $0xFFFF;
	s2 =	simm.s32 @!p0 $0x1C03  }
0xef: {  	[timem:s3], [sflag:s2] =	dma.local @!p0 [hbm:s0], s1  }
0xf0: {  	s0 =	simm.s32 @!p0 $0x3  }
0xf1: {  	_ =	swait.ge @!p0 [sflag:s0], s1  }
0xf2: {  	s1 =	ssub.s32 @!p0 $0x0, s1;
	[sflag:s0] =	ssyncset.done @!p0 $0x0  }
0xf3: {  	[sflag:s0] =	ssyncadd.s32 @!p0 s1  }
0xf4: {  	[bflag:$0x3] =	sbarrier.arrive $0xFFFF  }
0xf5: {  	_ =	shalt  }

// kernel: kernel.8.cloned.1.call-start
scs
__scs_entry_jumppad:
0x0: {  	(pc) =	sbr.rel $0x88, $3  }
0x1: {  	(tag) =	ssettag $0x0;
	lr =	simm.s32 $0x1  }
0x2: {  	[smem:$0x3F99] =	sst lr;
	_ =	strace $0xD0000000  }
0x3: {  	_ = 	snop  }
0x4: {  	_ = 	snop  }
0x5: {  	_ = 	snop  }
0x6: {  	_ = 	snop  }
0x7: {  	_ = 	snop  }
__scs_overlays_trampoline_lowered:
0x8: {  	[smem:$0x3FA8] =	sst s0  }
0x9: {  	[smem:$0x3FA9] =	sst s1  }
0xa: {  	[smem:$0x3FAA] =	sst s2  }
0xb: {  	[smem:$0x3FAB] =	sst s3  }
0xc: {  	[smem:$0x3FAC] =	sst s4  }
0xd: {  	[smem:$0x3FAD] =	sst s5  }
0xe: {  	[smem:$0x3FAE] =	sst s6  }
0xf: {  	[smem:$0x3FAF] =	sst s7  }
0x10: {  	[smem:$0x3FB0] =	sst s8  }
0x11: {  	[smem:$0x3FB1] =	sst s9;
	s0 =	simm.s32 @!p0 $0x0  }
0x12: {  	s1 =	sld [smem:$0x3F97];
	s0 =	simm.s32 @p0 $0x1  }
0x13: {  	[smem:$0x3FB2] =	sst s0;
	s0 =	simm.s32 @!p1 $0x0  }
0x14: {  	s2 =	sld [smem:$0x3F96];
	s0 =	simm.s32 @p1 $0x1  }
0x15: {  	[smem:$0x3FB3] =	sst s0;
	s0 =	simm.s32 @!p2 $0x0  }
0x16: {  	s3 =	sld [smem:$0x3FDB];
	s0 =	simm.s32 @p2 $0x1  }
0x17: {  	s4 =	simm.s32 $0x1BF5;
	[smem:$0x3FB5] =	sst s0  }
0x18: {  	s0 =	sld [smem:$0x3F98];
	_ =	swait.ge [sflag:s4], $0x0  }
0x19: {  	s7 =	sld [smem:$0x3F99]  }
0x1a: {  	s8 =	sadd.s32 $0xFFFFE003, lr  }
0x1b: {  	s9 =	sadd.s32 $0xFFFFFEF7, lr;
	s5 =	simm.s32 $0xFFFFFFFF;
	p2 =	slt.u32 s8, $0xFFFFF086  }
0x1c: {  	p1 =	slt.u32 s9, $0xF7A;
	s5 =	simm.s32 @!p2 $0x0  }
0x1d: {  	s5 =	simm.s32 @p1 $0x1;
	p0 =	seq.s32 s7, s2  }
0x1e: {  	s7 =	smul.u32 @!p0 $0xF7A, s2;
	p2 =	seq.s32 @!p0 s5, $0x0  }
0x1f: {  	s9 =	smul.u32 $0xF7A, s1;
	s8 =	simm.s32 @!p0 $0x1BF5;
	p2 =	por !p2, p0  }
0x20: {  	[sflag:s8] =	ssyncset.s32 @!p0 $0xFFFFF086;
	s6 =	sadd.s32 @!p0 s3, s7;
	s7 =	simm.s32 @!p0 $0x108  }
0x21: {  	s3 =	sadd.s32 s3, s9;
	s6 =	sadd.s32 @!p0 $0x88, s6;
	s7 =	simm.s32 @p2 $0x1082  }
0x22: {  	[simem:s7], [sflag:s8] =	dma.local @!p0 [hbm:s6], $0xF7A  }
0x23: {  	s9 =	sor.u32 $0xD0000000, s2;
	s6 =	simm.s32 $0x108;
	_ =	swait.ge @!p0 [sflag:s8], $0x0  }
0x24: {  	s3 =	sadd.s32 $0x88, s3;
	s6 =	simm.s32 @!p1 $0x1082;
	[sflag:s4] =	ssyncset.s32 $0xFFFFF086  }
0x25: {  	[simem:s6], [sflag:s4] =	dma.local [hbm:s3], $0xF7A  }
0x26: {  	[smem:$0x3F99] =	sst s1;
	(tag) =	ssettag s2;
	_ =	strace s9  }
0x27: {  	s1 =	sld [smem:$0x3FA9]  }
0x28: {  	s2 =	sld [smem:$0x3FAA]  }
0x29: {  	s4 =	sld [smem:$0x3FAC]  }
0x2a: {  	p0 =	seq.s32 s5, $0x0;
	s5 =	sld [smem:$0x3FAD]  }
0x2b: {  	s6 =	sld [smem:$0x3FAE]  }
0x2c: {  	s7 =	sld [smem:$0x3FAF]  }
0x2d: {  	s3 =	simm.s32 $0x108;
	s8 =	sld [smem:$0x3FB0]  }
0x2e: {  	s3 =	simm.s32 @!p0 $0x1082;
	s9 =	sld [smem:$0x3FB1]  }
0x2f: {  	lr =	sadd.s32 s0, s3;
	s0 =	sld [smem:$0x3FA8]  }
0x30: {  	s3 =	sld [smem:$0x3FAB]  }
0x31: {  	[smem:$0x3FB4] =	sst s10  }
0x32: {  	s10 =	sld [smem:$0x3FB2];
	_ =	sdelay $0x3  }
0x33: {  	p0 =	seq.s32 s10, $0x1;
	s10 =	sld [smem:$0x3FB4];
	_ =	sdelay $0x3  }
0x34: {  	[smem:$0x3FB4] =	sst s10  }
0x35: {  	s10 =	sld [smem:$0x3FB3];
	_ =	sdelay $0x3  }
0x36: {  	p1 =	seq.s32 s10, $0x1;
	s10 =	sld [smem:$0x3FB4];
	_ =	sdelay $0x3  }
0x37: {  	[smem:$0x3FB4] =	sst s10  }
0x38: {  	s10 =	sld [smem:$0x3FB5]  }
0x39: {  	_ = 	snop;
	(pc) =	sbr.ind lr, $3  }
0x3a: {  	_ = 	snop  }
0x3b: {  	_ = 	snop  }
0x3c: {  	p2 =	seq.s32 s10, $0x1;
	s10 =	sld [smem:$0x3FB4]  }
0x3d: {  	_ =	shalt  }
0x3e: {  	_ =	shalt  }
0x3f: {  	_ =	shalt  }
0x40: {  	_ =	shalt  }
0x41: {  	_ =	shalt  }
0x42: {  	_ =	shalt  }
0x43: {  	_ =	shalt  }
0x44: {  	_ =	shalt  }
0x45: {  	_ =	shalt  }
0x46: {  	_ =	shalt  }
0x47: {  	_ =	shalt  }
0x48: {  	_ =	shalt  }
0x49: {  	_ =	shalt  }
0x4a: {  	_ =	shalt  }
0x4b: {  	_ =	shalt  }
0x4c: {  	_ =	shalt  }
0x4d: {  	_ =	shalt  }
0x4e: {  	_ =	shalt  }
0x4f: {  	_ =	shalt  }
0x50: {  	_ =	shalt  }
0x51: {  	_ =	shalt  }
0x52: {  	_ =	shalt  }
0x53: {  	_ =	shalt  }
0x54: {  	_ =	shalt  }
0x55: {  	_ =	shalt  }
0x56: {  	_ =	shalt  }
0x57: {  	_ =	shalt  }
0x58: {  	_ =	shalt  }
0x59: {  	_ =	shalt  }
0x5a: {  	_ =	shalt  }
0x5b: {  	_ =	shalt  }
0x5c: {  	_ =	shalt  }
0x5d: {  	_ =	shalt  }
0x5e: {  	_ =	shalt  }
0x5f: {  	_ =	shalt  }
0x60: {  	_ =	shalt  }
0x61: {  	_ =	shalt  }
0x62: {  	_ =	shalt  }
0x63: {  	_ =	shalt  }
0x64: {  	_ =	shalt  }
0x65: {  	_ =	shalt  }
0x66: {  	_ =	shalt  }
0x67: {  	_ =	shalt  }
0x68: {  	_ =	shalt  }
0x69: {  	_ =	shalt  }
0x6a: {  	_ =	shalt  }
0x6b: {  	_ =	shalt  }
0x6c: {  	_ =	shalt  }
0x6d: {  	_ =	shalt  }
0x6e: {  	_ =	shalt  }
0x6f: {  	_ =	shalt  }
0x70: {  	_ =	shalt  }
0x71: {  	_ =	shalt  }
0x72: {  	_ =	shalt  }
0x73: {  	_ =	shalt  }
0x74: {  	_ =	shalt  }
0x75: {  	_ =	shalt  }
0x76: {  	_ =	shalt  }
0x77: {  	_ =	shalt  }
0x78: {  	_ =	shalt  }
0x79: {  	_ =	shalt  }
0x7a: {  	_ =	shalt  }
0x7b: {  	_ =	shalt  }
0x7c: {  	_ =	shalt  }
0x7d: {  	_ =	shalt  }
0x7e: {  	_ =	shalt  }
0x7f: {  	_ =	shalt  }
0x80: {  	_ =	shalt  }
0x81: {  	_ =	shalt  }
0x82: {  	_ =	shalt  }
0x83: {  	_ =	shalt  }
0x84: {  	_ =	shalt  }
0x85: {  	_ =	shalt  }
0x86: {  	_ =	shalt  }
0x87: {  	_ =	shalt  }
.Lfunc_end0:
.L_simem_size_0:
called_computation_lowered:
.L_overlay_start_0:
0x88: {  	s2 =	sld [smem:$0x3FD9]  }
0x89: {  	s3 =	sld [smem:$0x3FFE];
	_ =	sdelay $0x1  }
0x8a: {  	s1 =	srdreg.scid  }
0x8b: {  	s0 =	sand.u32 $0x1, s1  }
0x8c: {  	s16 =	sshll.u32 s0, $0xA;
	s2 =	sadd.s32 s3, s2  }
0x8d: {  	s2 =	sadd.s32 s2, s16  }
0x8e: {  	[smem:$0x3FC0] =	sst s2  }
0x8f: {  	_ = 	snop  }
0x90: {  	(tm) =	ssettm $0x1  }
0x91: {  	s17 =	sld [smem:$0x3FFB];
	_ =	sdelay $0x3  }
0x92: {  	_ =	strace s17  }
0x93: {  	s2 =	sld [smem:$0x3FFC];
	_ =	sdelay $0x3  }
0x94: {  	_ =	strace s2  }
0x95: {  	s2 =	sld [smem:$0x3FFD];
	_ =	sdelay $0x3  }
0x96: {  	_ =	strace s2  }
0x97: {  	_ =	strace $0x8FFFFFFF  }
0x98: {  	s18 =	sld [smem:$0x3FDB];
	_ =	sdelay $0x1  }
0x99: {  	s19 =	simm.s32 $_scs_section_size  }
0x9a: {  	s4 =	simm.s32 $_size__tile_overlayer_lowered;
	s5 =	simm.s32 $_tile_overlayer_lowered  }
0x9b: {  	s22 =	simm.s32 $0x1BFF;
	s21 =	sshll.u32 s5, $0x1;
	s2 =	sadd.s32 s19, s18  }
0x9c: {  	s6 =	simm.s32 $0x0;
	s20 =	sshll.u32 s4, $0x1;
	s4 =	sadd.s32 s21, s2  }
0x9d: {  	[timem:s6], [sflag:s22] =	dma.local [hbm:s4], s20  }
0x9e: {  	_ =	swait.ge [sflag:s22], s20  }
0x9f: {  	s3 =	ssub.s32 $0x0, s20;
	[sflag:s22] =	ssyncset.done $0x0  }
0xa0: {  	[sflag:s22] =	ssyncadd.s32 s3;
	_ =	sdelay $0x1  }
0xa1: {  	s23 =	simm.s32 $0x1B8B  }
0xa2: {  	_ =	swait.ge [sflag:s23], $0x1  }
0xa3: {  	[sflag:s23] =	ssyncset.done $0x0  }
0xa4: {  	s25 =	simm.s32 $0x1B8E;
	s24 =	sld [smem:$0x3FFE];
	[sflag:s23] =	ssyncadd.s32 $0xFFFFFFFF  }
0xa5: {  	s26 =	simm.s32 $execute0_lowered;
	[smem:$0x3FD2] =	sst s25  }
0xa6: {  	s4 =	sshll.u32 s26, $0x1;
	_ =	strace $0x80000046;
	[dreg:$0x1] =	wrdreg $0xFFFFFFFF  }
0xa7: {  	s28 =	simm.s32 $_size_execute0_lowered;
	s2 =	sadd.s32 s2, s4;
	[dreg:$0x0] =	wrdreg $0x0  }
0xa8: {  	s4 =	sshll.u32 s28, $0x1;
	[dreg:$0x2] =	wrdreg s2  }
0xa9: {  	[dreg:$0x3] =	wrdreg s4  }
0xaa: {  	[dreg:$0x4] =	wrdreg $0xC0  }
0xab: {  	_ =	task [dreg:s6], $0x5FFFF  }
0xac: {  	[dreg:$0x1] =	wrdreg $0xFFFFFFFF  }
0xad: {  	[dreg:$0x0] =	wrdreg $0x60  }
0xae: {  	[dreg:$0x2] =	wrdreg s24  }
0xaf: {  	[dreg:$0x3] =	wrdreg $0x6F800  }
0xb0: {  	[dreg:$0x4] =	wrdreg $0x9  }
0xb1: {  	_ =	task.clear_ibuf [dreg:s6], $0x5FFFF;
	_ =	strace $0x90000046  }
0xb2: {  	s29 =	simm.s32 $0x9;
	_ =	strace $0x80000048  }
0xb3: {  	_ =	swait.ge [sflag:s29], $0x1  }
0xb4: {  	[sflag:s29] =	ssyncadd.s32 $0xFFFFFFFF  }
0xb5: {  	_ =	strace $0x90000048  }
0xb6: {  	_ =	sfence  }
0xb7: {  	s30 =	sld [smem:$0x0];
	_ =	sdelay $0x2  }
0xb8: {  	s31 =	sshll.u32 s1, $0xD;
	s1 =	sshrl.u32 s1, $0x2  }
0xb9: {  	s3 =	sand.u32 $0x4000, s31;
	s1 =	sadd.s32 s1, s30  }
0xba: {  	s0 =	sor.u32 s3, s0;
	s1 =	sshll.u32 s1, $0x11  }
0xbb: {  	s0 =	sor.u32 s1, s0  }
0xbc: {  	s0 =	sadd.s32 $0x8F2B, s0  }
0xbd: {  	[sflag:s0] =	ssyncadd.remote.s32 $0x1  }
0xbe: {  	_ =	sfence.sel $0xFFFF  }
0xbf: {  	[dreg:$0x0] =	wrdreg $0xFFFFFFFF;
	(pc) =	sbr.abs _section_cstart, $3  }
0xc0: {  	[dreg:$0x1] =	wrdreg $0xFFFFFFFF  }
0xc1: {  	_ =	task.clear_ibuf [dreg:s6], $0x2FFFF;
	_ =	strace $0x9FFFFFFF  }
0xc2: {  	(tm) =	ssettm $0x7FFFFFFF  }
0xc3: {  	_ =	shalt  }
tec
execute0_lowered:
.L_overlay_start_1:
0x0: {  	(tag) =	ssettag $0x1  }
0x1: {  	s0 =	rddreg [dreg:$0x0];
	s1 =	srdreg.scid  }
0x2: {  	s7 =	stileid.u32;
	s2 =	rddreg [dreg:$0x1]  }
0x3: {  	s10 =	simm.s32 $0x1;
	s12 =	simm.s32 $0x2;
	s13 =	simm.s32 $0x200  }
0x4: {  	s14 =	simm.s32 $0x2800;
	s18 =	simm.s32 $0xA00;
	s19 =	simm.s32 $0xC00  }
0x5: {  	s20 =	simm.s32 $0xE00;
	s21 =	simm.s32 $0x1000;
	s22 =	simm.s32 $0x1200  }
0x6: {  	s28 =	simm.s32 $0x1C00;
	s29 =	simm.s32 $0x1E00;
	s5 =	smul.u32 $0x2780, s7  }
0x7: {  	s1 =	sand.u32 $0x1, s1;
	s3 =	sshll.u32 s7, $0x1;
	s7 =	smul.u32 $0x4E20, s7  }
0x8: {  	s30 =	simm.s32 $0x2000;
	s31 =	simm.s32 $0x2200;
	s4 =	smul.u32 $0x27800, s1  }
0x9: {  	s9 =	sadd.s32 $0x2E00, s0;
	s6 =	sor.u32 s1, s3;
	s8 =	smul.u32 $0x2710, s1  }
0xa: {  	s3 =	simm.s32 $0x0;
	s1 =	ssub.s32 $0x2, s1;
	s6 =	smul.u32 $0x2710, s6  }
0xb: {  	[smem:$0x7FF] =	sst s3;
	s23 =	sshrl.u32 s1, $0x1;
	s4 =	sadd.s32 s5, s4  }
0xc: {  	_ =	strace $0x80000047;
	s7 =	sadd.s32 s8, s7;
	s1 =	ssub.s32 s1, s23  }
0xd: {  	s5 =	sadd.s32 s5, s2;
	s23 =	simm.s32 $0x1400;
	s4 =	sshrl.u32 s4, $0x3  }
0xe: {  	s6 =	sshrl.u32 s6, $0x3;
	s25 =	sadd.s32 $0x4E200, s7;
	s7 =	smax.u32 s1, $0x1  }
0xf: {  	s1 =	simm.s32 $0x2400;
	s0 =	sadd.s32 s4, s0;
	s24 =	sadd.s32 s9, s6  }
0x10: {  	s26 =	sshrl.u32 s25, $0x3;
	s25 =	simm.s32 $0x1800;
	s4 =	sadd.s32 $0xA100, s24  }
0x11: {  	v0 =	vlaneseq.u32;
	s6 =	sadd.s32 $0x16800, s0;
	s8 =	sadd.s32 s26, s9;
	s9 =	simm.s32 $0x2600  }
0x12: {  	v1 =	vimm.f32 $1.000000000e+00;
	v2 =	vimm.f32 $0.0e+00;
	v0 =	vor.u32 $0x2710, v0;
	s24 =	simm.s32 $0x1600;
	s26 =	simm.s32 $0x1A00;
	s0 =	simm.s32 $0x0  }
.LBB2_1:
0x13: {  	s11 =	simm.s32 $0x40  }
0x14: {  	s17 =	sadd.s32 $0x0, s8;
	s15 =	simm.s32 $0x200;
	s16 =	simm.s32 $0x0  }
.LBB2_2:
0x15: {  	[tilespmem:s16], [sflag:$0x1] =	stream.linear.gather [hbm4b:s17+s3], $0x200, $0x38;
	[tilespmem:$0x9700] =	vst v63  }
0x16: {  	s17 =	smov.u32 s11;
	s16 =	smov.u32 s15;
	p0 =	sne.s32 s11, $0x480  }
.Ltmp0:
0x17: {  	s11 =	sadd.s32 $0x40, s11;
	(pc) =	sbr.rel @p0 .LBB2_2-.Ltmp0, $2  }
0x18: {  	_ =	sdelay $0x2  }
0x19: {  	s15 =	sadd.s32 $0x200, s15;
	s17 =	sadd.s32 s17, s8  }
0x1a: {  	[tilespmem:s16], [sflag:$0x1] =	stream.linear.gather [hbm4b:s17+s3], $0x200, $0x38;
	[tilespmem:$0x9700] =	vst v63  }
0x1b: {  	s11 =	simm.s32 $0x0  }
0x1c: {  	[tilespmem:s9], [sflag:$0x1] =	stream.linear.gather [hbm4b:s4+s11], $0x110, $0x38;
	[tilespmem:$0x9700] =	vst v63  }
0x1d: {  	[tilespmem:$0x2710] =	vst v0  }
0x1e: {  	[tilespmem:$0x2720] =	vst v0  }
0x1f: {  	[tilespmem:$0x2730] =	vst v0  }
0x20: {  	[tilespmem:$0x2740] =	vst v0  }
0x21: {  	[tilespmem:$0x2750] =	vst v0  }
0x22: {  	[tilespmem:$0x2760] =	vst v0  }
0x23: {  	[tilespmem:$0x2770] =	vst v0  }
0x24: {  	[tilespmem:$0x2780] =	vst v0  }
0x25: {  	[tilespmem:$0x2790] =	vst v0  }
0x26: {  	[tilespmem:$0x27A0] =	vst v0  }
0x27: {  	[tilespmem:$0x27B0] =	vst v0  }
0x28: {  	[tilespmem:$0x27C0] =	vst v0  }
0x29: {  	[tilespmem:$0x27D0] =	vst v0  }
0x2a: {  	[tilespmem:$0x27E0] =	vst v0  }
0x2b: {  	[tilespmem:$0x27F0] =	vst v0  }
0x2c: {  	_ =	swait.ge [sflag:s10], $0x200  }
0x2d: {  	[sflag:s10] =	ssyncset.done $0x0  }
0x2e: {  	[sflag:s10] =	ssyncadd.s32 $0xFFFFFE00  }
0x2f: {  	_ =	swait.ge [sflag:s10], $0x200  }
0x30: {  	[sflag:s10] =	ssyncset.done $0x0  }
0x31: {  	[sflag:s10] =	ssyncadd.s32 $0xFFFFFE00  }
0x32: {  	_ =	swait.ge [sflag:s10], $0x200  }
0x33: {  	[sflag:s10] =	ssyncset.done $0x0  }
0x34: {  	[sflag:s10] =	ssyncadd.s32 $0xFFFFFE00  }
0x35: {  	_ =	swait.ge [sflag:s10], $0x200  }
0x36: {  	[sflag:s10] =	ssyncset.done $0x0  }
0x37: {  	[sflag:s10] =	ssyncadd.s32 $0xFFFFFE00  }
0x38: {  	_ =	swait.ge [sflag:s10], $0x200  }
0x39: {  	[sflag:s10] =	ssyncset.done $0x0  }
0x3a: {  	[sflag:s10] =	ssyncadd.s32 $0xFFFFFE00  }
0x3b: {  	_ =	swait.ge [sflag:s10], $0x200  }
0x3c: {  	[sflag:s10] =	ssyncset.done $0x0  }
0x3d: {  	[sflag:s10] =	ssyncadd.s32 $0xFFFFFE00  }
0x3e: {  	_ =	swait.ge [sflag:s10], $0x200  }
0x3f: {  	[sflag:s10] =	ssyncset.done $0x0  }
0x40: {  	[sflag:s10] =	ssyncadd.s32 $0xFFFFFE00  }
0x41: {  	_ =	swait.ge [sflag:s10], $0x200  }
0x42: {  	[sflag:s10] =	ssyncset.done $0x0  }
0x43: {  	[sflag:s10] =	ssyncadd.s32 $0xFFFFFE00  }
0x44: {  	_ =	swait.ge [sflag:s10], $0x200  }
0x45: {  	[sflag:s10] =	ssyncset.done $0x0  }
0x46: {  	[sflag:s10] =	ssyncadd.s32 $0xFFFFFE00  }
0x47: {  	_ =	swait.ge [sflag:s10], $0x200  }
0x48: {  	[sflag:s10] =	ssyncset.done $0x0  }
0x49: {  	[sflag:s10] =	ssyncadd.s32 $0xFFFFFE00  }
0x4a: {  	_ =	swait.ge [sflag:s10], $0x200  }
0x4b: {  	[sflag:s10] =	ssyncset.done $0x0  }
0x4c: {  	[sflag:s10] =	ssyncadd.s32 $0xFFFFFE00  }
0x4d: {  	_ =	swait.ge [sflag:s10], $0x200  }
0x4e: {  	[sflag:s10] =	ssyncset.done $0x0  }
0x4f: {  	[sflag:s10] =	ssyncadd.s32 $0xFFFFFE00  }
0x50: {  	_ =	swait.ge [sflag:s10], $0x200  }
0x51: {  	[sflag:s10] =	ssyncset.done $0x0  }
0x52: {  	[sflag:s10] =	ssyncadd.s32 $0xFFFFFE00  }
0x53: {  	_ =	swait.ge [sflag:s10], $0x200  }
0x54: {  	[sflag:s10] =	ssyncset.done $0x0  }
0x55: {  	[sflag:s10] =	ssyncadd.s32 $0xFFFFFE00  }
0x56: {  	_ =	swait.ge [sflag:s10], $0x200  }
0x57: {  	[sflag:s10] =	ssyncset.done $0x0  }
0x58: {  	[sflag:s10] =	ssyncadd.s32 $0xFFFFFE00  }
0x59: {  	_ =	swait.ge [sflag:s10], $0x200  }
0x5a: {  	[sflag:s10] =	ssyncset.done $0x0  }
0x5b: {  	[sflag:s10] =	ssyncadd.s32 $0xFFFFFE00  }
0x5c: {  	_ =	swait.ge [sflag:s10], $0x200  }
0x5d: {  	[sflag:s10] =	ssyncset.done $0x0  }
0x5e: {  	[sflag:s10] =	ssyncadd.s32 $0xFFFFFE00  }
0x5f: {  	_ =	swait.ge [sflag:s10], $0x200  }
0x60: {  	[sflag:s10] =	ssyncset.done $0x0  }
0x61: {  	[sflag:s10] =	ssyncadd.s32 $0xFFFFFE00  }
0x62: {  	_ =	swait.ge [sflag:s10], $0x200  }
0x63: {  	[sflag:s10] =	ssyncset.done $0x0  }
0x64: {  	[sflag:s10] =	ssyncadd.s32 $0xFFFFFE00  }
0x65: {  	_ =	swait.ge [sflag:s10], $0x110  }
0x66: {  	[sflag:s10] =	ssyncset.done $0x0  }
0x67: {  	s15 =	simm.s32 $0x0;
	s11 =	simm.s32 $0x40;
	[sflag:s10] =	ssyncadd.s32 $0xFFFFFEF0  }
.LBB2_4:
0x68: {  	p0 =	sne.s32 s11, $0x7FC0;
	[tilespmem:s15+$0x2800] =	vst v1;
	s15 =	smov.u32 s11;
	s11 =	sadd.s32 $0x40, s11  }
.Ltmp1:
0x69: {  	(pc) =	sbr.rel @p0 .LBB2_4-.Ltmp1, $2  }
0x6a: {  	_ =	sdelay $0x2  }
0x6b: {  	s15 =	sshra.s32 s15, $0x2  }
0x6c: {  	[tilespmem:s15+$0x2800] =	vst v1;
	s11 =	simm.s32 $0x40;
	s15 =	simm.s32 $0x0  }
.LBB2_6:
0x6d: {  	p0 =	sne.s32 s11, $0x9DC0;
	[tilespmem:s15+$0x4800] =	vst v2;
	s15 =	smov.u32 s11;
	s11 =	sadd.s32 $0x40, s11  }
.Ltmp2:
0x6e: {  	(pc) =	sbr.rel @p0 .LBB2_6-.Ltmp2, $2  }
0x6f: {  	_ =	sdelay $0x2  }
0x70: {  	s15 =	sshra.s32 s15, $0x2  }
0x71: {  	[tilespmem:s15+$0x4800] =	vst v2;
	s11 =	simm.s32 $0x4800  }
0x72: {  	[spmem:s5] =	stream.linear.scatter [tilespmem:s11], [sflag:$0x2], $0x2780, $0x38;
	[tilespmem:$0x9700] =	vst v63  }
0x73: {  	_ =	swait.ge [sflag:s12], $0x2780  }
0x74: {  	[sflag:s12] =	ssyncset.done $0x0  }
0x75: {  	[sflag:s12] =	ssyncadd.s32 $0xFFFFD880  }
0x76: {  	[bflag:$0x0] =	sbarrier.arrive $0xFFFF  }
0x77: {  	[spmem:s2] =	stream.indirect.scatter.add.f32 [tilespmem:s14], [sflag:$0x1], $0x10, s3, s13, $0xb8;
	[tilespmem:$0x9700] =	vst v63  }
0x78: {  	_ = 	snop  }
0x79: {  	[spmem:s2] =	stream.indirect.scatter.add.f32 [tilespmem:s14], [sflag:$0x1], $0x10, s13, s13, $0xb8;
	[tilespmem:$0x9700] =	vst v63  }
0x7a: {  	s16 =	simm.s32 $0x400  }
0x7b: {  	[spmem:s2] =	stream.indirect.scatter.add.f32 [tilespmem:s14], [sflag:$0x1], $0x10, s16, s13, $0xb8;
	[tilespmem:$0x9700] =	vst v63  }
0x7c: {  	s17 =	simm.s32 $0x600  }
0x7d: {  	[spmem:s2] =	stream.indirect.scatter.add.f32 [tilespmem:s14], [sflag:$0x1], $0x10, s17, s13, $0xb8;
	[tilespmem:$0x9700] =	vst v63  }
0x7e: {  	s15 =	simm.s32 $0x800  }
0x7f: {  	[spmem:s2] =	stream.indirect.scatter.add.f32 [tilespmem:s14], [sflag:$0x1], $0x10, s15, s13, $0xb8;
	[tilespmem:$0x9700] =	vst v63  }
0x80: {  	_ = 	snop  }
0x81: {  	[spmem:s2] =	stream.indirect.scatter.add.f32 [tilespmem:s14], [sflag:$0x1], $0x10, s18, s13, $0xb8;
	[tilespmem:$0x9700] =	vst v63  }
0x82: {  	_ = 	snop  }
0x83: {  	[spmem:s2] =	stream.indirect.scatter.add.f32 [tilespmem:s14], [sflag:$0x1], $0x10, s19, s13, $0xb8;
	[tilespmem:$0x9700] =	vst v63  }
0x84: {  	_ = 	snop  }
0x85: {  	[spmem:s2] =	stream.indirect.scatter.add.f32 [tilespmem:s14], [sflag:$0x1], $0x10, s20, s13, $0xb8;
	[tilespmem:$0x9700] =	vst v63  }
0x86: {  	_ = 	snop  }
0x87: {  	[spmem:s2] =	stream.indirect.scatter.add.f32 [tilespmem:s14], [sflag:$0x1], $0x10, s21, s13, $0xb8;
	[tilespmem:$0x9700] =	vst v63  }
0x88: {  	_ = 	snop  }
0x89: {  	[spmem:s2] =	stream.indirect.scatter.add.f32 [tilespmem:s14], [sflag:$0x1], $0x10, s22, s13, $0xb8;
	[tilespmem:$0x9700] =	vst v63  }
0x8a: {  	_ = 	snop  }
0x8b: {  	[spmem:s2] =	stream.indirect.scatter.add.f32 [tilespmem:s14], [sflag:$0x1], $0x10, s23, s13, $0xb8;
	[tilespmem:$0x9700] =	vst v63  }
0x8c: {  	_ = 	snop  }
0x8d: {  	[spmem:s2] =	stream.indirect.scatter.add.f32 [tilespmem:s14], [sflag:$0x1], $0x10, s24, s13, $0xb8;
	[tilespmem:$0x9700] =	vst v63  }
0x8e: {  	_ = 	snop  }
0x8f: {  	[spmem:s2] =	stream.indirect.scatter.add.f32 [tilespmem:s14], [sflag:$0x1], $0x10, s25, s13, $0xb8;
	[tilespmem:$0x9700] =	vst v63  }
0x90: {  	_ = 	snop  }
0x91: {  	[spmem:s2] =	stream.indirect.scatter.add.f32 [tilespmem:s14], [sflag:$0x1], $0x10, s26, s13, $0xb8;
	[tilespmem:$0x9700] =	vst v63  }
0x92: {  	_ = 	snop  }
0x93: {  	[spmem:s2] =	stream.indirect.scatter.add.f32 [tilespmem:s14], [sflag:$0x1], $0x10, s28, s13, $0xb8;
	[tilespmem:$0x9700] =	vst v63  }
0x94: {  	_ = 	snop  }
0x95: {  	[spmem:s2] =	stream.indirect.scatter.add.f32 [tilespmem:s14], [sflag:$0x1], $0x10, s29, s13, $0xb8;
	[tilespmem:$0x9700] =	vst v63  }
0x96: {  	_ = 	snop  }
0x97: {  	[spmem:s2] =	stream.indirect.scatter.add.f32 [tilespmem:s14], [sflag:$0x1], $0x10, s30, s13, $0xb8;
	[tilespmem:$0x9700] =	vst v63  }
0x98: {  	_ = 	snop  }
0x99: {  	[spmem:s2] =	stream.indirect.scatter.add.f32 [tilespmem:s14], [sflag:$0x1], $0x10, s31, s13, $0xb8;
	[tilespmem:$0x9700] =	vst v63  }
0x9a: {  	_ = 	snop  }
0x9b: {  	[spmem:s2] =	stream.indirect.scatter.add.f32 [tilespmem:s14], [sflag:$0x1], $0x10, s1, s13, $0xb8;
	[tilespmem:$0x9700] =	vst v63  }
0x9c: {  	_ = 	snop  }
0x9d: {  	[spmem:s2] =	stream.indirect.scatter.add.f32 [tilespmem:s14], [sflag:$0x1], $0x10, s9, s13, $0xb8;
	[tilespmem:$0x9700] =	vst v63  }
0x9e: {  	_ =	swait.ge [sflag:s10], $0x2000  }
0x9f: {  	[sflag:s10] =	ssyncset.done $0x0  }
0xa0: {  	[sflag:s10] =	ssyncadd.s32 $0xFFFFE000  }
0xa1: {  	_ =	swait.ge [sflag:s10], $0x2000  }
0xa2: {  	[sflag:s10] =	ssyncset.done $0x0  }
0xa3: {  	[sflag:s10] =	ssyncadd.s32 $0xFFFFE000  }
0xa4: {  	_ =	swait.ge [sflag:s10], $0x2000  }
0xa5: {  	[sflag:s10] =	ssyncset.done $0x0  }
0xa6: {  	[sflag:s10] =	ssyncadd.s32 $0xFFFFE000  }
0xa7: {  	_ =	swait.ge [sflag:s10], $0x2000  }
0xa8: {  	[sflag:s10] =	ssyncset.done $0x0  }
0xa9: {  	[sflag:s10] =	ssyncadd.s32 $0xFFFFE000  }
0xaa: {  	_ =	swait.ge [sflag:s10], $0x2000  }
0xab: {  	[sflag:s10] =	ssyncset.done $0x0  }
0xac: {  	[sflag:s10] =	ssyncadd.s32 $0xFFFFE000  }
0xad: {  	_ =	swait.ge [sflag:s10], $0x2000  }
0xae: {  	[sflag:s10] =	ssyncset.done $0x0  }
0xaf: {  	[sflag:s10] =	ssyncadd.s32 $0xFFFFE000  }
0xb0: {  	_ =	swait.ge [sflag:s10], $0x2000  }
0xb1: {  	[sflag:s10] =	ssyncset.done $0x0  }
0xb2: {  	[sflag:s10] =	ssyncadd.s32 $0xFFFFE000  }
0xb3: {  	_ =	swait.ge [sflag:s10], $0x2000  }
0xb4: {  	[sflag:s10] =	ssyncset.done $0x0  }
0xb5: {  	[sflag:s10] =	ssyncadd.s32 $0xFFFFE000  }
0xb6: {  	_ =	swait.ge [sflag:s10], $0x2000  }
0xb7: {  	[sflag:s10] =	ssyncset.done $0x0  }
0xb8: {  	[sflag:s10] =	ssyncadd.s32 $0xFFFFE000  }
0xb9: {  	_ =	swait.ge [sflag:s10], $0x2000  }
0xba: {  	[sflag:s10] =	ssyncset.done $0x0  }
0xbb: {  	[sflag:s10] =	ssyncadd.s32 $0xFFFFE000  }
0xbc: {  	_ =	swait.ge [sflag:s10], $0x2000  }
0xbd: {  	[sflag:s10] =	ssyncset.done $0x0  }
0xbe: {  	[sflag:s10] =	ssyncadd.s32 $0xFFFFE000  }
0xbf: {  	_ =	swait.ge [sflag:s10], $0x2000  }
0xc0: {  	[sflag:s10] =	ssyncset.done $0x0  }
0xc1: {  	[sflag:s10] =	ssyncadd.s32 $0xFFFFE000  }
0xc2: {  	_ =	swait.ge [sflag:s10], $0x2000  }
0xc3: {  	[sflag:s10] =	ssyncset.done $0x0  }
0xc4: {  	[sflag:s10] =	ssyncadd.s32 $0xFFFFE000  }
0xc5: {  	_ =	swait.ge [sflag:s10], $0x2000  }
0xc6: {  	[sflag:s10] =	ssyncset.done $0x0  }
0xc7: {  	[sflag:s10] =	ssyncadd.s32 $0xFFFFE000  }
0xc8: {  	_ =	swait.ge [sflag:s10], $0x2000  }
0xc9: {  	[sflag:s10] =	ssyncset.done $0x0  }
0xca: {  	[sflag:s10] =	ssyncadd.s32 $0xFFFFE000  }
0xcb: {  	_ =	swait.ge [sflag:s10], $0x2000  }
0xcc: {  	[sflag:s10] =	ssyncset.done $0x0  }
0xcd: {  	[sflag:s10] =	ssyncadd.s32 $0xFFFFE000  }
0xce: {  	_ =	swait.ge [sflag:s10], $0x2000  }
0xcf: {  	[sflag:s10] =	ssyncset.done $0x0  }
0xd0: {  	[sflag:s10] =	ssyncadd.s32 $0xFFFFE000  }
0xd1: {  	_ =	swait.ge [sflag:s10], $0x2000  }
0xd2: {  	[sflag:s10] =	ssyncset.done $0x0  }
0xd3: {  	[sflag:s10] =	ssyncadd.s32 $0xFFFFE000  }
0xd4: {  	_ =	swait.ge [sflag:s10], $0x2000  }
0xd5: {  	[sflag:s10] =	ssyncset.done $0x0  }
0xd6: {  	[sflag:s10] =	ssyncadd.s32 $0xFFFFE000  }
0xd7: {  	s16 =	stileid.u32;
	_ =	swait.ge [sflag:s10], $0x2000  }
0xd8: {  	s0 =	sadd.s32 $0x1, s0;
	s11 =	sshll.u32 s16, $0x6;
	[sflag:s10] =	ssyncset.done $0x0  }
0xd9: {  	p0 =	sne.s32 s0, s7;
	s11 =	sor.u32 $0x1C02, s11;
	[sflag:s10] =	ssyncadd.s32 $0xFFFFE000  }
.Ltmp3:
0xda: {  	s17 =	sshrl.u32 s5, $0x3;
	[bflag:$0x0] =	sbarrier.arrive $0xFFFF;
	(pc) =	sbr.rel @p0 .LBB2_1-.Ltmp3, $4  }
0xdb: {  	[hbm:s6], [sflag:s11] =	dma.local [spmem:s17], $0x4F0  }
0xdc: {  	_ =	swait.ge [sflag:s12], $0x4F0  }
0xdd: {  	[sflag:s12] =	ssyncset.done $0x0  }
0xde: {  	[sflag:s12] =	ssyncadd.s32 $0xFFFFFB10  }
0xdf: {  	_ =	sfence.sel $0x180000  }
0xe0: {  	[bflag:$0x0] =	sbarrier.arrive $0xFFFF  }
0xe1: {  	_ =	strace $0x90000047  }
0xe2: {  	s0 =	stileid.u32;
	[bflag:$0x2] =	sbarrier.arrive $0xFFFF  }
0xe3: {  	p0 =	sne.s32 s0, $0x0;
	s0 =	rddreg [dreg:$0x2]  }
0xe4: {  	s0 =	sadd.s32 @!p0 $0x100000, s0  }
0xe5: {  	[sflag:s0] =	ssyncadd.tile.s32 @!p0 $0x1;
	_ =	shalt  }
.Lfunc_end2:
_tile_overlayer_lowered:
.L_overlay_start_2:
0xe6: {  	(tag) =	ssettag $0x2  }
0xe7: {  	s0 =	rddreg [dreg:$0x0];
	s2 =	stileid.u32  }
0xe8: {  	s1 =	rddreg [dreg:$0x1];
	p0 =	sne.s32 s2, $0x0  }
0xe9: {  	s3 =	rddreg [dreg:$0x2];
	[bflag:$0x3] =	sbarrier.arrive $0xFFFF;
	s2 =	simm.s32 @!p0 $0x1C02  }
0xea: {  	[timem:s3], [sflag:s2] =	dma.local @!p0 [hbm:s0], s1  }
0xeb: {  	s0 =	simm.s32 @!p0 $0x2  }
0xec: {  	_ =	swait.ge @!p0 [sflag:s0], s1  }
0xed: {  	s1 =	ssub.s32 @!p0 $0x0, s1;
	[sflag:s0] =	ssyncset.done @!p0 $0x0  }
0xee: {  	[sflag:s0] =	ssyncadd.s32 @!p0 s1  }
0xef: {  	[bflag:$0x3] =	sbarrier.arrive $0xFFFF  }
0xf0: {  	_ =	shalt  }

</sc_bundles>
